<compile_context>
chip_gen: v7x
topology: tpu7x:2x2x1
jax: 0.10.2.dev20260603
libtpu: 0.0.44.dev20260713+nightly
codegen_flags: <defaults>
</compile_context>

<pallas_src>
import jax
import jax.numpy as jnp
from jax import lax
from jax.experimental import pallas as pl
from jax.experimental.pallas import tpu as pltpu
from jax.experimental.pallas import tpu_sc as plsc

_N = 16384
_C = 1000

_info = plsc.get_sparse_core_info()
_NC = _info.num_cores
_NS = _info.num_subcores
_NW = _NC * _NS
_RPW = _N // _NW
_CH = 32
_NCHUNK = _RPW // _CH
_L = 16


def _body(x_hbm, out_hbm, xv, buf0, buf1, sem0, sem1):
    wid = lax.axis_index("s") * _NC + lax.axis_index("c")
    base = wid * _RPW

    pltpu.sync_copy(x_hbm.at[pl.ds(base, _RPW)], xv)

    bufs = (buf0, buf1)
    sems = (sem0, sem1)
    lane = lax.broadcasted_iota(jnp.int32, (_L,), 0)
    ones = jnp.full((_L,), 1, jnp.int32)
    zeros = jnp.zeros((_L,), jnp.int32)

    def _scatter(buf, k, vals):
        for j in range(_CH // _L):
            cols = xv[pl.ds(k * _CH + j * _L, _L)]
            rows = lane + (j * _L)
            plsc.store_scatter(buf, [rows, cols], vals)

    copies = [None] * _NCHUNK
    for k in range(_NCHUNK):
        b = k % 2
        if k < 2:
            def _zero16(i, _, buf=bufs[b]):
                p = i * (16 * _L) + lane
                for t in range(16):
                    pt = p + t * _L
                    plsc.store_scatter(buf, [pt // _C, pt % _C], zeros)
                return 0
            lax.fori_loop(0, _CH * _C // (16 * _L), _zero16, 0)
        else:
            copies[k - 2].wait()
            _scatter(bufs[b], k - 2, zeros)
        _scatter(bufs[b], k, ones)
        copies[k] = pltpu.async_copy(
            bufs[b], out_hbm.at[pl.ds(base + k * _CH, _CH)], sems[b])
    copies[_NCHUNK - 2].wait()
    copies[_NCHUNK - 1].wait()


def kernel(x):
    mesh = plsc.VectorSubcoreMesh(core_axis_name="c", subcore_axis_name="s")
    f = pl.kernel(
        _body,
        out_type=jax.ShapeDtypeStruct((_N, _C), jnp.int32),
        mesh=mesh,
        scratch_types=[
            pltpu.VMEM((_RPW,), jnp.int32),
            pltpu.VMEM((_CH, _C), jnp.int32),
            pltpu.VMEM((_CH, _C), jnp.int32),
            pltpu.SemaphoreType.DMA,
            pltpu.SemaphoreType.DMA,
        ],
        compiler_params=pltpu.CompilerParams(
            use_tc_tiling_on_sc=True, needs_layout_passes=False),
    )
    return f(x)

# --- scband reference (transcript-rebuilt; emitter-appended) ---
"""Pipeline reference for scband-onehot-22737556865189 (READ-ONLY COPY).

The authoritative reference and input builder live on the scoring server;
editing this copy changes nothing except your own understanding.
"""

import jax, jax.numpy as jnp
import numpy as np

NUM_CLASSES = 1000

def setup_inputs(seed: int = 0) -> dict:
    key = jax.random.key(seed)
    x = jax.random.randint(key, (16384,), 0, NUM_CLASSES, dtype=jnp.int32)
    return {"x": x}

def reference(x):
    # Faithful translation of torch.nn.functional.one_hot(x, num_classes):
    # integer-typed one-hot matrix of shape x.shape + (num_classes,).
    out = (x[..., None] == jnp.arange(NUM_CLASSES, dtype=x.dtype)).astype(jnp.int32)
    return out

if __name__ == "__main__":
    import jax
    _d = setup_inputs()
    print(jax.jit(kernel)(*tuple(_d.values())))

</pallas_src>

<mosaic_0001>
#map = affine_map<(d0, d1) -> (0)>
#map1 = affine_map<(d0, d1) -> (0, 0)>
module attributes {stable_mosaic.version = 14 : i64} {
  func.func @_body(%arg0: i32, %arg1: i32, %arg2: memref<16384xi32, #tpu.memory_space<hbm>>, %arg3: memref<16384x1000xi32, #tpu.memory_space<hbm>>, %arg4: memref<512xi32, #tpu.memory_space<vmem>>, %arg5: memref<32x1000xi32, #tpu.memory_space<vmem>>, %arg6: memref<32x1000xi32, #tpu.memory_space<vmem>>, %arg7: memref<!tpu.dma_semaphore, #tpu.memory_space<semaphore_mem>>, %arg8: memref<!tpu.dma_semaphore, #tpu.memory_space<semaphore_mem>>) attributes {dimension_semantics = [#tpu.dimension_semantics<core_parallel>, #tpu.dimension_semantics<subcore_parallel>], iteration_bounds = array<i64: 2, 16>, scalar_prefetch = 0 : i64, scratch_operands = 5 : i64, tpu.core_type = #tpu.core_type<sc_vector_subcore>, window_params = [{transform_indices = #map}, {transform_indices = #map1}]} {
    %mul3A = arith.constant 2 : i32
    %mul3A_0 = arith.muli %arg1, %mul3A : i32
    %add3A = arith.addi %mul3A_0, %arg0 : i32
    %mul3A_1 = arith.constant 512 : i32
    %mul3A_2 = arith.muli %add3A, %mul3A_1 : i32
    "tpu.region"() ({
      %run_scoped3A = tpu.sem_alloc : memref<!tpu.dma_semaphore, #tpu.memory_space<semaphore_mem>>
      %dma_start3A_476 = tpu.memref_slice %arg2[%mul3A_2] : memref<16384xi32, #tpu.memory_space<hbm>> -> memref<512xi32, #tpu.memory_space<hbm>>
      %dma_start3A_477 = tpu.memref_slice %arg2[%mul3A_2] : memref<16384xi32, #tpu.memory_space<hbm>> -> memref<512xi32, #tpu.memory_space<hbm>>
      tpu.enqueue_dma source(%dma_start3A_477 : memref<512xi32, #tpu.memory_space<hbm>>) target(%arg4 : memref<512xi32, #tpu.memory_space<vmem>>) target_semaphore(%run_scoped3A : memref<!tpu.dma_semaphore, #tpu.memory_space<semaphore_mem>>)
      %dma_wait3A_478 = tpu.memref_slice %arg2[%mul3A_2] : memref<16384xi32, #tpu.memory_space<hbm>> -> memref<512xi32, #tpu.memory_space<hbm>>
      %dma_wait3A_479 = tpu.memref_slice %arg2[%mul3A_2] : memref<16384xi32, #tpu.memory_space<hbm>> -> memref<512xi32, #tpu.memory_space<hbm>>
      tpu.wait_dma2 semaphore(%run_scoped3A : memref<!tpu.dma_semaphore, #tpu.memory_space<semaphore_mem>>) src(%dma_wait3A_479 : memref<512xi32, #tpu.memory_space<hbm>>) dst(%arg4 : memref<512xi32, #tpu.memory_space<vmem>>)
      tpu.yield
    }) : () -> ()
    %iota3A = tpu.iota {dimensions = array<i32: 0>} : vector<16xi32>
    %broadcast_in_dim3A = arith.constant 1 : i32
    %broadcast_in_dim3A_3 = vector.broadcast %broadcast_in_dim3A : i32 to vector<16xi32>
    %broadcast_in_dim3A_4 = arith.constant 0 : i32
    %broadcast_in_dim3A_5 = vector.broadcast %broadcast_in_dim3A_4 : i32 to vector<16xi32>
    %scan3A = arith.constant 0 : i32
    %scan3A_6 = arith.constant 0 : i32
    %scan3A_7 = arith.constant 125 : i32
    %scan3A_8 = arith.addi %scan3A_6, %scan3A_7 : i32
    %scan3A_9 = arith.constant 1 : i32
    %scan3A_10 = scf.for %scan3A_476 = %scan3A_6 to %scan3A_8 step %scan3A_9 iter_args(%scan3A_477 = %scan3A) -> (i32)  : i32 {
      %mul3A_478 = arith.constant 256 : i32
      %mul3A_479 = arith.muli %scan3A_476, %mul3A_478 : i32
      %add3A_480 = vector.broadcast %mul3A_479 : i32 to vector<16xi32>
      %add3A_481 = arith.addi %add3A_480, %iota3A : vector<16xi32>
      %add3A_482 = arith.constant 0 : i32
      %add3A_483 = vector.broadcast %add3A_482 : i32 to vector<16xi32>
      %add3A_484 = arith.addi %add3A_481, %add3A_483 : vector<16xi32>
      %jit3A = arith.constant 1000 : i32
      %div3A = vector.broadcast %jit3A : i32 to vector<16xi32>
      %div3A_485 = arith.divsi %add3A_484, %div3A : vector<16xi32>
      %sign3A = arith.constant 0 : i32
      %sign3A_486 = vector.broadcast %sign3A : i32 to vector<16xi32>
      %sign3A_487 = arith.cmpi sgt, %add3A_484, %sign3A_486 : vector<16xi32>
      %sign3A_488 = arith.extui %sign3A_487 : vector<16xi1> to vector<16xi32>
      %sign3A_489 = arith.constant 0 : i32
      %sign3A_490 = vector.broadcast %sign3A_489 : i32 to vector<16xi32>
      %sign3A_491 = arith.cmpi slt, %add3A_484, %sign3A_490 : vector<16xi32>
      %sign3A_492 = arith.extui %sign3A_491 : vector<16xi1> to vector<16xi32>
      %sign3A_493 = arith.subi %sign3A_488, %sign3A_492 : vector<16xi32>
      %sign3A_494 = arith.constant 0 : i32
      %sign3A_495 = arith.cmpi sgt, %jit3A, %sign3A_494 : i32
      %sign3A_496 = arith.extui %sign3A_495 : i1 to i32
      %sign3A_497 = arith.constant 0 : i32
      %sign3A_498 = arith.cmpi slt, %jit3A, %sign3A_497 : i32
      %sign3A_499 = arith.extui %sign3A_498 : i1 to i32
      %sign3A_500 = arith.subi %sign3A_496, %sign3A_499 : i32
      %ne3A = vector.broadcast %sign3A_500 : i32 to vector<16xi32>
      %ne3A_501 = arith.cmpi ne, %sign3A_493, %ne3A : vector<16xi32>
      %rem3A = vector.broadcast %jit3A : i32 to vector<16xi32>
      %rem3A_502 = arith.remsi %add3A_484, %rem3A : vector<16xi32>
      %ne3A_503 = arith.constant 0 : i32
      %ne3A_504 = vector.broadcast %ne3A_503 : i32 to vector<16xi32>
      %ne3A_505 = arith.cmpi ne, %rem3A_502, %ne3A_504 : vector<16xi32>
      %and3A = arith.andi %ne3A_501, %ne3A_505 : vector<16xi1>
      %sub3A = arith.constant 1 : i32
      %sub3A_506 = vector.broadcast %sub3A : i32 to vector<16xi32>
      %sub3A_507 = arith.subi %div3A_485, %sub3A_506 : vector<16xi32>
      %select_n3A = arith.select %and3A, %sub3A_507, %div3A_485 : vector<16xi1>, vector<16xi32>
      %jit3A_508 = arith.constant 1000 : i32
      %eq3A = arith.constant 0 : i32
      %eq3A_509 = arith.cmpi eq, %jit3A_508, %eq3A : i32
      %jit3A_510 = arith.constant 1 : i32
      %select_n3A_511 = arith.select %eq3A_509, %jit3A_510, %jit3A_508 : i32
      %rem3A_512 = vector.broadcast %select_n3A_511 : i32 to vector<16xi32>
      %rem3A_513 = arith.remsi %add3A_484, %rem3A_512 : vector<16xi32>
      %ne3A_514 = arith.constant 0 : i32
      %ne3A_515 = vector.broadcast %ne3A_514 : i32 to vector<16xi32>
      %ne3A_516 = arith.cmpi ne, %rem3A_513, %ne3A_515 : vector<16xi32>
      %lt3A = arith.constant 0 : i32
      %lt3A_517 = vector.broadcast %lt3A : i32 to vector<16xi32>
      %lt3A_518 = arith.cmpi slt, %rem3A_513, %lt3A_517 : vector<16xi32>
      %lt3A_519 = arith.constant 0 : i32
      %lt3A_520 = arith.cmpi slt, %select_n3A_511, %lt3A_519 : i32
      %ne3A_521 = vector.broadcast %lt3A_520 : i1 to vector<16xi1>
      %ne3A_522 = vector.broadcast %ne3A_521 : vector<16xi1> to vector<16xi1>
      %ne3A_523 = arith.xori %lt3A_518, %ne3A_522 : vector<16xi1>
      %and3A_524 = arith.andi %ne3A_523, %ne3A_516 : vector<16xi1>
      %add3A_525 = vector.broadcast %select_n3A_511 : i32 to vector<16xi32>
      %add3A_526 = arith.addi %rem3A_513, %add3A_525 : vector<16xi32>
      %select_n3A_527 = arith.select %and3A_524, %add3A_526, %rem3A_513 : vector<16xi1>, vector<16xi32>
      tpu.vector_store_idx %arg5[%select_n3A, %select_n3A_527], %broadcast_in_dim3A_5 : memref<32x1000xi32, #tpu.memory_space<vmem>>[vector<16xi32>, vector<16xi32>], vector<16xi32>,
      %add3A_528 = arith.constant 16 : i32
      %add3A_529 = vector.broadcast %add3A_528 : i32 to vector<16xi32>
      %add3A_530 = arith.addi %add3A_481, %add3A_529 : vector<16xi32>
      %jit3A_531 = arith.constant 1000 : i32
      %div3A_532 = vector.broadcast %jit3A_531 : i32 to vector<16xi32>
      %div3A_533 = arith.divsi %add3A_530, %div3A_532 : vector<16xi32>
      %sign3A_534 = arith.constant 0 : i32
      %sign3A_535 = vector.broadcast %sign3A_534 : i32 to vector<16xi32>
      %sign3A_536 = arith.cmpi sgt, %add3A_530, %sign3A_535 : vector<16xi32>
      %sign3A_537 = arith.extui %sign3A_536 : vector<16xi1> to vector<16xi32>
      %sign3A_538 = arith.constant 0 : i32
      %sign3A_539 = vector.broadcast %sign3A_538 : i32 to vector<16xi32>
      %sign3A_540 = arith.cmpi slt, %add3A_530, %sign3A_539 : vector<16xi32>
      %sign3A_541 = arith.extui %sign3A_540 : vector<16xi1> to vector<16xi32>
      %sign3A_542 = arith.subi %sign3A_537, %sign3A_541 : vector<16xi32>
      %sign3A_543 = arith.constant 0 : i32
      %sign3A_544 = arith.cmpi sgt, %jit3A_531, %sign3A_543 : i32
      %sign3A_545 = arith.extui %sign3A_544 : i1 to i32
      %sign3A_546 = arith.constant 0 : i32
      %sign3A_547 = arith.cmpi slt, %jit3A_531, %sign3A_546 : i32
      %sign3A_548 = arith.extui %sign3A_547 : i1 to i32
      %sign3A_549 = arith.subi %sign3A_545, %sign3A_548 : i32
      %ne3A_550 = vector.broadcast %sign3A_549 : i32 to vector<16xi32>
      %ne3A_551 = arith.cmpi ne, %sign3A_542, %ne3A_550 : vector<16xi32>
      %rem3A_552 = vector.broadcast %jit3A_531 : i32 to vector<16xi32>
      %rem3A_553 = arith.remsi %add3A_530, %rem3A_552 : vector<16xi32>
      %ne3A_554 = arith.constant 0 : i32
      %ne3A_555 = vector.broadcast %ne3A_554 : i32 to vector<16xi32>
      %ne3A_556 = arith.cmpi ne, %rem3A_553, %ne3A_555 : vector<16xi32>
      %and3A_557 = arith.andi %ne3A_551, %ne3A_556 : vector<16xi1>
      %sub3A_558 = arith.constant 1 : i32
      %sub3A_559 = vector.broadcast %sub3A_558 : i32 to vector<16xi32>
      %sub3A_560 = arith.subi %div3A_533, %sub3A_559 : vector<16xi32>
      %select_n3A_561 = arith.select %and3A_557, %sub3A_560, %div3A_533 : vector<16xi1>, vector<16xi32>
      %jit3A_562 = arith.constant 1000 : i32
      %eq3A_563 = arith.constant 0 : i32
      %eq3A_564 = arith.cmpi eq, %jit3A_562, %eq3A_563 : i32
      %jit3A_565 = arith.constant 1 : i32
      %select_n3A_566 = arith.select %eq3A_564, %jit3A_565, %jit3A_562 : i32
      %rem3A_567 = vector.broadcast %select_n3A_566 : i32 to vector<16xi32>
      %rem3A_568 = arith.remsi %add3A_530, %rem3A_567 : vector<16xi32>
      %ne3A_569 = arith.constant 0 : i32
      %ne3A_570 = vector.broadcast %ne3A_569 : i32 to vector<16xi32>
      %ne3A_571 = arith.cmpi ne, %rem3A_568, %ne3A_570 : vector<16xi32>
      %lt3A_572 = arith.constant 0 : i32
      %lt3A_573 = vector.broadcast %lt3A_572 : i32 to vector<16xi32>
      %lt3A_574 = arith.cmpi slt, %rem3A_568, %lt3A_573 : vector<16xi32>
      %lt3A_575 = arith.constant 0 : i32
      %lt3A_576 = arith.cmpi slt, %select_n3A_566, %lt3A_575 : i32
      %ne3A_577 = vector.broadcast %lt3A_576 : i1 to vector<16xi1>
      %ne3A_578 = vector.broadcast %ne3A_577 : vector<16xi1> to vector<16xi1>
      %ne3A_579 = arith.xori %lt3A_574, %ne3A_578 : vector<16xi1>
      %and3A_580 = arith.andi %ne3A_579, %ne3A_571 : vector<16xi1>
      %add3A_581 = vector.broadcast %select_n3A_566 : i32 to vector<16xi32>
      %add3A_582 = arith.addi %rem3A_568, %add3A_581 : vector<16xi32>
      %select_n3A_583 = arith.select %and3A_580, %add3A_582, %rem3A_568 : vector<16xi1>, vector<16xi32>
      tpu.vector_store_idx %arg5[%select_n3A_561, %select_n3A_583], %broadcast_in_dim3A_5 : memref<32x1000xi32, #tpu.memory_space<vmem>>[vector<16xi32>, vector<16xi32>], vector<16xi32>,
      %add3A_584 = arith.constant 32 : i32
      %add3A_585 = vector.broadcast %add3A_584 : i32 to vector<16xi32>
      %add3A_586 = arith.addi %add3A_481, %add3A_585 : vector<16xi32>
      %jit3A_587 = arith.constant 1000 : i32
      %div3A_588 = vector.broadcast %jit3A_587 : i32 to vector<16xi32>
      %div3A_589 = arith.divsi %add3A_586, %div3A_588 : vector<16xi32>
      %sign3A_590 = arith.constant 0 : i32
      %sign3A_591 = vector.broadcast %sign3A_590 : i32 to vector<16xi32>
      %sign3A_592 = arith.cmpi sgt, %add3A_586, %sign3A_591 : vector<16xi32>
      %sign3A_593 = arith.extui %sign3A_592 : vector<16xi1> to vector<16xi32>
      %sign3A_594 = arith.constant 0 : i32
      %sign3A_595 = vector.broadcast %sign3A_594 : i32 to vector<16xi32>
      %sign3A_596 = arith.cmpi slt, %add3A_586, %sign3A_595 : vector<16xi32>
      %sign3A_597 = arith.extui %sign3A_596 : vector<16xi1> to vector<16xi32>
      %sign3A_598 = arith.subi %sign3A_593, %sign3A_597 : vector<16xi32>
      %sign3A_599 = arith.constant 0 : i32
      %sign3A_600 = arith.cmpi sgt, %jit3A_587, %sign3A_599 : i32
      %sign3A_601 = arith.extui %sign3A_600 : i1 to i32
      %sign3A_602 = arith.constant 0 : i32
      %sign3A_603 = arith.cmpi slt, %jit3A_587, %sign3A_602 : i32
      %sign3A_604 = arith.extui %sign3A_603 : i1 to i32
      %sign3A_605 = arith.subi %sign3A_601, %sign3A_604 : i32
      %ne3A_606 = vector.broadcast %sign3A_605 : i32 to vector<16xi32>
      %ne3A_607 = arith.cmpi ne, %sign3A_598, %ne3A_606 : vector<16xi32>
      %rem3A_608 = vector.broadcast %jit3A_587 : i32 to vector<16xi32>
      %rem3A_609 = arith.remsi %add3A_586, %rem3A_608 : vector<16xi32>
      %ne3A_610 = arith.constant 0 : i32
      %ne3A_611 = vector.broadcast %ne3A_610 : i32 to vector<16xi32>
      %ne3A_612 = arith.cmpi ne, %rem3A_609, %ne3A_611 : vector<16xi32>
      %and3A_613 = arith.andi %ne3A_607, %ne3A_612 : vector<16xi1>
      %sub3A_614 = arith.constant 1 : i32
      %sub3A_615 = vector.broadcast %sub3A_614 : i32 to vector<16xi32>
      %sub3A_616 = arith.subi %div3A_589, %sub3A_615 : vector<16xi32>
      %select_n3A_617 = arith.select %and3A_613, %sub3A_616, %div3A_589 : vector<16xi1>, vector<16xi32>
      %jit3A_618 = arith.constant 1000 : i32
      %eq3A_619 = arith.constant 0 : i32
      %eq3A_620 = arith.cmpi eq, %jit3A_618, %eq3A_619 : i32
      %jit3A_621 = arith.constant 1 : i32
      %select_n3A_622 = arith.select %eq3A_620, %jit3A_621, %jit3A_618 : i32
      %rem3A_623 = vector.broadcast %select_n3A_622 : i32 to vector<16xi32>
      %rem3A_624 = arith.remsi %add3A_586, %rem3A_623 : vector<16xi32>
      %ne3A_625 = arith.constant 0 : i32
      %ne3A_626 = vector.broadcast %ne3A_625 : i32 to vector<16xi32>
      %ne3A_627 = arith.cmpi ne, %rem3A_624, %ne3A_626 : vector<16xi32>
      %lt3A_628 = arith.constant 0 : i32
      %lt3A_629 = vector.broadcast %lt3A_628 : i32 to vector<16xi32>
      %lt3A_630 = arith.cmpi slt, %rem3A_624, %lt3A_629 : vector<16xi32>
      %lt3A_631 = arith.constant 0 : i32
      %lt3A_632 = arith.cmpi slt, %select_n3A_622, %lt3A_631 : i32
      %ne3A_633 = vector.broadcast %lt3A_632 : i1 to vector<16xi1>
      %ne3A_634 = vector.broadcast %ne3A_633 : vector<16xi1> to vector<16xi1>
      %ne3A_635 = arith.xori %lt3A_630, %ne3A_634 : vector<16xi1>
      %and3A_636 = arith.andi %ne3A_635, %ne3A_627 : vector<16xi1>
      %add3A_637 = vector.broadcast %select_n3A_622 : i32 to vector<16xi32>
      %add3A_638 = arith.addi %rem3A_624, %add3A_637 : vector<16xi32>
      %select_n3A_639 = arith.select %and3A_636, %add3A_638, %rem3A_624 : vector<16xi1>, vector<16xi32>
      tpu.vector_store_idx %arg5[%select_n3A_617, %select_n3A_639], %broadcast_in_dim3A_5 : memref<32x1000xi32, #tpu.memory_space<vmem>>[vector<16xi32>, vector<16xi32>], vector<16xi32>,
      %add3A_640 = arith.constant 48 : i32
      %add3A_641 = vector.broadcast %add3A_640 : i32 to vector<16xi32>
      %add3A_642 = arith.addi %add3A_481, %add3A_641 : vector<16xi32>
      %jit3A_643 = arith.constant 1000 : i32
      %div3A_644 = vector.broadcast %jit3A_643 : i32 to vector<16xi32>
      %div3A_645 = arith.divsi %add3A_642, %div3A_644 : vector<16xi32>
      %sign3A_646 = arith.constant 0 : i32
      %sign3A_647 = vector.broadcast %sign3A_646 : i32 to vector<16xi32>
      %sign3A_648 = arith.cmpi sgt, %add3A_642, %sign3A_647 : vector<16xi32>
      %sign3A_649 = arith.extui %sign3A_648 : vector<16xi1> to vector<16xi32>
      %sign3A_650 = arith.constant 0 : i32
      %sign3A_651 = vector.broadcast %sign3A_650 : i32 to vector<16xi32>
      %sign3A_652 = arith.cmpi slt, %add3A_642, %sign3A_651 : vector<16xi32>
      %sign3A_653 = arith.extui %sign3A_652 : vector<16xi1> to vector<16xi32>
      %sign3A_654 = arith.subi %sign3A_649, %sign3A_653 : vector<16xi32>
      %sign3A_655 = arith.constant 0 : i32
      %sign3A_656 = arith.cmpi sgt, %jit3A_643, %sign3A_655 : i32
      %sign3A_657 = arith.extui %sign3A_656 : i1 to i32
      %sign3A_658 = arith.constant 0 : i32
      %sign3A_659 = arith.cmpi slt, %jit3A_643, %sign3A_658 : i32
      %sign3A_660 = arith.extui %sign3A_659 : i1 to i32
      %sign3A_661 = arith.subi %sign3A_657, %sign3A_660 : i32
      %ne3A_662 = vector.broadcast %sign3A_661 : i32 to vector<16xi32>
      %ne3A_663 = arith.cmpi ne, %sign3A_654, %ne3A_662 : vector<16xi32>
      %rem3A_664 = vector.broadcast %jit3A_643 : i32 to vector<16xi32>
      %rem3A_665 = arith.remsi %add3A_642, %rem3A_664 : vector<16xi32>
      %ne3A_666 = arith.constant 0 : i32
      %ne3A_667 = vector.broadcast %ne3A_666 : i32 to vector<16xi32>
      %ne3A_668 = arith.cmpi ne, %rem3A_665, %ne3A_667 : vector<16xi32>
      %and3A_669 = arith.andi %ne3A_663, %ne3A_668 : vector<16xi1>
      %sub3A_670 = arith.constant 1 : i32
      %sub3A_671 = vector.broadcast %sub3A_670 : i32 to vector<16xi32>
      %sub3A_672 = arith.subi %div3A_645, %sub3A_671 : vector<16xi32>
      %select_n3A_673 = arith.select %and3A_669, %sub3A_672, %div3A_645 : vector<16xi1>, vector<16xi32>
      %jit3A_674 = arith.constant 1000 : i32
      %eq3A_675 = arith.constant 0 : i32
      %eq3A_676 = arith.cmpi eq, %jit3A_674, %eq3A_675 : i32
      %jit3A_677 = arith.constant 1 : i32
      %select_n3A_678 = arith.select %eq3A_676, %jit3A_677, %jit3A_674 : i32
      %rem3A_679 = vector.broadcast %select_n3A_678 : i32 to vector<16xi32>
      %rem3A_680 = arith.remsi %add3A_642, %rem3A_679 : vector<16xi32>
      %ne3A_681 = arith.constant 0 : i32
      %ne3A_682 = vector.broadcast %ne3A_681 : i32 to vector<16xi32>
      %ne3A_683 = arith.cmpi ne, %rem3A_680, %ne3A_682 : vector<16xi32>
      %lt3A_684 = arith.constant 0 : i32
      %lt3A_685 = vector.broadcast %lt3A_684 : i32 to vector<16xi32>
      %lt3A_686 = arith.cmpi slt, %rem3A_680, %lt3A_685 : vector<16xi32>
      %lt3A_687 = arith.constant 0 : i32
      %lt3A_688 = arith.cmpi slt, %select_n3A_678, %lt3A_687 : i32
      %ne3A_689 = vector.broadcast %lt3A_688 : i1 to vector<16xi1>
      %ne3A_690 = vector.broadcast %ne3A_689 : vector<16xi1> to vector<16xi1>
      %ne3A_691 = arith.xori %lt3A_686, %ne3A_690 : vector<16xi1>
      %and3A_692 = arith.andi %ne3A_691, %ne3A_683 : vector<16xi1>
      %add3A_693 = vector.broadcast %select_n3A_678 : i32 to vector<16xi32>
      %add3A_694 = arith.addi %rem3A_680, %add3A_693 : vector<16xi32>
      %select_n3A_695 = arith.select %and3A_692, %add3A_694, %rem3A_680 : vector<16xi1>, vector<16xi32>
      tpu.vector_store_idx %arg5[%select_n3A_673, %select_n3A_695], %broadcast_in_dim3A_5 : memref<32x1000xi32, #tpu.memory_space<vmem>>[vector<16xi32>, vector<16xi32>], vector<16xi32>,
      %add3A_696 = arith.constant 64 : i32
      %add3A_697 = vector.broadcast %add3A_696 : i32 to vector<16xi32>
      %add3A_698 = arith.addi %add3A_481, %add3A_697 : vector<16xi32>
      %jit3A_699 = arith.constant 1000 : i32
      %div3A_700 = vector.broadcast %jit3A_699 : i32 to vector<16xi32>
      %div3A_701 = arith.divsi %add3A_698, %div3A_700 : vector<16xi32>
      %sign3A_702 = arith.constant 0 : i32
      %sign3A_703 = vector.broadcast %sign3A_702 : i32 to vector<16xi32>
      %sign3A_704 = arith.cmpi sgt, %add3A_698, %sign3A_703 : vector<16xi32>
      %sign3A_705 = arith.extui %sign3A_704 : vector<16xi1> to vector<16xi32>
      %sign3A_706 = arith.constant 0 : i32
      %sign3A_707 = vector.broadcast %sign3A_706 : i32 to vector<16xi32>
      %sign3A_708 = arith.cmpi slt, %add3A_698, %sign3A_707 : vector<16xi32>
      %sign3A_709 = arith.extui %sign3A_708 : vector<16xi1> to vector<16xi32>
      %sign3A_710 = arith.subi %sign3A_705, %sign3A_709 : vector<16xi32>
      %sign3A_711 = arith.constant 0 : i32
      %sign3A_712 = arith.cmpi sgt, %jit3A_699, %sign3A_711 : i32
      %sign3A_713 = arith.extui %sign3A_712 : i1 to i32
      %sign3A_714 = arith.constant 0 : i32
      %sign3A_715 = arith.cmpi slt, %jit3A_699, %sign3A_714 : i32
      %sign3A_716 = arith.extui %sign3A_715 : i1 to i32
      %sign3A_717 = arith.subi %sign3A_713, %sign3A_716 : i32
      %ne3A_718 = vector.broadcast %sign3A_717 : i32 to vector<16xi32>
      %ne3A_719 = arith.cmpi ne, %sign3A_710, %ne3A_718 : vector<16xi32>
      %rem3A_720 = vector.broadcast %jit3A_699 : i32 to vector<16xi32>
      %rem3A_721 = arith.remsi %add3A_698, %rem3A_720 : vector<16xi32>
      %ne3A_722 = arith.constant 0 : i32
      %ne3A_723 = vector.broadcast %ne3A_722 : i32 to vector<16xi32>
      %ne3A_724 = arith.cmpi ne, %rem3A_721, %ne3A_723 : vector<16xi32>
      %and3A_725 = arith.andi %ne3A_719, %ne3A_724 : vector<16xi1>
      %sub3A_726 = arith.constant 1 : i32
      %sub3A_727 = vector.broadcast %sub3A_726 : i32 to vector<16xi32>
      %sub3A_728 = arith.subi %div3A_701, %sub3A_727 : vector<16xi32>
      %select_n3A_729 = arith.select %and3A_725, %sub3A_728, %div3A_701 : vector<16xi1>, vector<16xi32>
      %jit3A_730 = arith.constant 1000 : i32
      %eq3A_731 = arith.constant 0 : i32
      %eq3A_732 = arith.cmpi eq, %jit3A_730, %eq3A_731 : i32
      %jit3A_733 = arith.constant 1 : i32
      %select_n3A_734 = arith.select %eq3A_732, %jit3A_733, %jit3A_730 : i32
      %rem3A_735 = vector.broadcast %select_n3A_734 : i32 to vector<16xi32>
      %rem3A_736 = arith.remsi %add3A_698, %rem3A_735 : vector<16xi32>
      %ne3A_737 = arith.constant 0 : i32
      %ne3A_738 = vector.broadcast %ne3A_737 : i32 to vector<16xi32>
      %ne3A_739 = arith.cmpi ne, %rem3A_736, %ne3A_738 : vector<16xi32>
      %lt3A_740 = arith.constant 0 : i32
      %lt3A_741 = vector.broadcast %lt3A_740 : i32 to vector<16xi32>
      %lt3A_742 = arith.cmpi slt, %rem3A_736, %lt3A_741 : vector<16xi32>
      %lt3A_743 = arith.constant 0 : i32
      %lt3A_744 = arith.cmpi slt, %select_n3A_734, %lt3A_743 : i32
      %ne3A_745 = vector.broadcast %lt3A_744 : i1 to vector<16xi1>
      %ne3A_746 = vector.broadcast %ne3A_745 : vector<16xi1> to vector<16xi1>
      %ne3A_747 = arith.xori %lt3A_742, %ne3A_746 : vector<16xi1>
      %and3A_748 = arith.andi %ne3A_747, %ne3A_739 : vector<16xi1>
      %add3A_749 = vector.broadcast %select_n3A_734 : i32 to vector<16xi32>
      %add3A_750 = arith.addi %rem3A_736, %add3A_749 : vector<16xi32>
      %select_n3A_751 = arith.select %and3A_748, %add3A_750, %rem3A_736 : vector<16xi1>, vector<16xi32>
      tpu.vector_store_idx %arg5[%select_n3A_729, %select_n3A_751], %broadcast_in_dim3A_5 : memref<32x1000xi32, #tpu.memory_space<vmem>>[vector<16xi32>, vector<16xi32>], vector<16xi32>,
      %add3A_752 = arith.constant 80 : i32
      %add3A_753 = vector.broadcast %add3A_752 : i32 to vector<16xi32>
      %add3A_754 = arith.addi %add3A_481, %add3A_753 : vector<16xi32>
      %jit3A_755 = arith.constant 1000 : i32
      %div3A_756 = vector.broadcast %jit3A_755 : i32 to vector<16xi32>
      %div3A_757 = arith.divsi %add3A_754, %div3A_756 : vector<16xi32>
      %sign3A_758 = arith.constant 0 : i32
      %sign3A_759 = vector.broadcast %sign3A_758 : i32 to vector<16xi32>
      %sign3A_760 = arith.cmpi sgt, %add3A_754, %sign3A_759 : vector<16xi32>
      %sign3A_761 = arith.extui %sign3A_760 : vector<16xi1> to vector<16xi32>
      %sign3A_762 = arith.constant 0 : i32
      %sign3A_763 = vector.broadcast %sign3A_762 : i32 to vector<16xi32>
      %sign3A_764 = arith.cmpi slt, %add3A_754, %sign3A_763 : vector<16xi32>
      %sign3A_765 = arith.extui %sign3A_764 : vector<16xi1> to vector<16xi32>
      %sign3A_766 = arith.subi %sign3A_761, %sign3A_765 : vector<16xi32>
      %sign3A_767 = arith.constant 0 : i32
      %sign3A_768 = arith.cmpi sgt, %jit3A_755, %sign3A_767 : i32
      %sign3A_769 = arith.extui %sign3A_768 : i1 to i32
      %sign3A_770 = arith.constant 0 : i32
      %sign3A_771 = arith.cmpi slt, %jit3A_755, %sign3A_770 : i32
      %sign3A_772 = arith.extui %sign3A_771 : i1 to i32
      %sign3A_773 = arith.subi %sign3A_769, %sign3A_772 : i32
      %ne3A_774 = vector.broadcast %sign3A_773 : i32 to vector<16xi32>
      %ne3A_775 = arith.cmpi ne, %sign3A_766, %ne3A_774 : vector<16xi32>
      %rem3A_776 = vector.broadcast %jit3A_755 : i32 to vector<16xi32>
      %rem3A_777 = arith.remsi %add3A_754, %rem3A_776 : vector<16xi32>
      %ne3A_778 = arith.constant 0 : i32
      %ne3A_779 = vector.broadcast %ne3A_778 : i32 to vector<16xi32>
      %ne3A_780 = arith.cmpi ne, %rem3A_777, %ne3A_779 : vector<16xi32>
      %and3A_781 = arith.andi %ne3A_775, %ne3A_780 : vector<16xi1>
      %sub3A_782 = arith.constant 1 : i32
      %sub3A_783 = vector.broadcast %sub3A_782 : i32 to vector<16xi32>
      %sub3A_784 = arith.subi %div3A_757, %sub3A_783 : vector<16xi32>
      %select_n3A_785 = arith.select %and3A_781, %sub3A_784, %div3A_757 : vector<16xi1>, vector<16xi32>
      %jit3A_786 = arith.constant 1000 : i32
      %eq3A_787 = arith.constant 0 : i32
      %eq3A_788 = arith.cmpi eq, %jit3A_786, %eq3A_787 : i32
      %jit3A_789 = arith.constant 1 : i32
      %select_n3A_790 = arith.select %eq3A_788, %jit3A_789, %jit3A_786 : i32
      %rem3A_791 = vector.broadcast %select_n3A_790 : i32 to vector<16xi32>
      %rem3A_792 = arith.remsi %add3A_754, %rem3A_791 : vector<16xi32>
      %ne3A_793 = arith.constant 0 : i32
      %ne3A_794 = vector.broadcast %ne3A_793 : i32 to vector<16xi32>
      %ne3A_795 = arith.cmpi ne, %rem3A_792, %ne3A_794 : vector<16xi32>
      %lt3A_796 = arith.constant 0 : i32
      %lt3A_797 = vector.broadcast %lt3A_796 : i32 to vector<16xi32>
      %lt3A_798 = arith.cmpi slt, %rem3A_792, %lt3A_797 : vector<16xi32>
      %lt3A_799 = arith.constant 0 : i32
      %lt3A_800 = arith.cmpi slt, %select_n3A_790, %lt3A_799 : i32
      %ne3A_801 = vector.broadcast %lt3A_800 : i1 to vector<16xi1>
      %ne3A_802 = vector.broadcast %ne3A_801 : vector<16xi1> to vector<16xi1>
      %ne3A_803 = arith.xori %lt3A_798, %ne3A_802 : vector<16xi1>
      %and3A_804 = arith.andi %ne3A_803, %ne3A_795 : vector<16xi1>
      %add3A_805 = vector.broadcast %select_n3A_790 : i32 to vector<16xi32>
      %add3A_806 = arith.addi %rem3A_792, %add3A_805 : vector<16xi32>
      %select_n3A_807 = arith.select %and3A_804, %add3A_806, %rem3A_792 : vector<16xi1>, vector<16xi32>
      tpu.vector_store_idx %arg5[%select_n3A_785, %select_n3A_807], %broadcast_in_dim3A_5 : memref<32x1000xi32, #tpu.memory_space<vmem>>[vector<16xi32>, vector<16xi32>], vector<16xi32>,
      %add3A_808 = arith.constant 96 : i32
      %add3A_809 = vector.broadcast %add3A_808 : i32 to vector<16xi32>
      %add3A_810 = arith.addi %add3A_481, %add3A_809 : vector<16xi32>
      %jit3A_811 = arith.constant 1000 : i32
      %div3A_812 = vector.broadcast %jit3A_811 : i32 to vector<16xi32>
      %div3A_813 = arith.divsi %add3A_810, %div3A_812 : vector<16xi32>
      %sign3A_814 = arith.constant 0 : i32
      %sign3A_815 = vector.broadcast %sign3A_814 : i32 to vector<16xi32>
      %sign3A_816 = arith.cmpi sgt, %add3A_810, %sign3A_815 : vector<16xi32>
      %sign3A_817 = arith.extui %sign3A_816 : vector<16xi1> to vector<16xi32>
      %sign3A_818 = arith.constant 0 : i32
      %sign3A_819 = vector.broadcast %sign3A_818 : i32 to vector<16xi32>
      %sign3A_820 = arith.cmpi slt, %add3A_810, %sign3A_819 : vector<16xi32>
      %sign3A_821 = arith.extui %sign3A_820 : vector<16xi1> to vector<16xi32>
      %sign3A_822 = arith.subi %sign3A_817, %sign3A_821 : vector<16xi32>
      %sign3A_823 = arith.constant 0 : i32
      %sign3A_824 = arith.cmpi sgt, %jit3A_811, %sign3A_823 : i32
      %sign3A_825 = arith.extui %sign3A_824 : i1 to i32
      %sign3A_826 = arith.constant 0 : i32
      %sign3A_827 = arith.cmpi slt, %jit3A_811, %sign3A_826 : i32
      %sign3A_828 = arith.extui %sign3A_827 : i1 to i32
      %sign3A_829 = arith.subi %sign3A_825, %sign3A_828 : i32
      %ne3A_830 = vector.broadcast %sign3A_829 : i32 to vector<16xi32>
      %ne3A_831 = arith.cmpi ne, %sign3A_822, %ne3A_830 : vector<16xi32>
      %rem3A_832 = vector.broadcast %jit3A_811 : i32 to vector<16xi32>
      %rem3A_833 = arith.remsi %add3A_810, %rem3A_832 : vector<16xi32>
      %ne3A_834 = arith.constant 0 : i32
      %ne3A_835 = vector.broadcast %ne3A_834 : i32 to vector<16xi32>
      %ne3A_836 = arith.cmpi ne, %rem3A_833, %ne3A_835 : vector<16xi32>
      %and3A_837 = arith.andi %ne3A_831, %ne3A_836 : vector<16xi1>
      %sub3A_838 = arith.constant 1 : i32
      %sub3A_839 = vector.broadcast %sub3A_838 : i32 to vector<16xi32>
      %sub3A_840 = arith.subi %div3A_813, %sub3A_839 : vector<16xi32>
      %select_n3A_841 = arith.select %and3A_837, %sub3A_840, %div3A_813 : vector<16xi1>, vector<16xi32>
      %jit3A_842 = arith.constant 1000 : i32
      %eq3A_843 = arith.constant 0 : i32
      %eq3A_844 = arith.cmpi eq, %jit3A_842, %eq3A_843 : i32
      %jit3A_845 = arith.constant 1 : i32
      %select_n3A_846 = arith.select %eq3A_844, %jit3A_845, %jit3A_842 : i32
      %rem3A_847 = vector.broadcast %select_n3A_846 : i32 to vector<16xi32>
      %rem3A_848 = arith.remsi %add3A_810, %rem3A_847 : vector<16xi32>
      %ne3A_849 = arith.constant 0 : i32
      %ne3A_850 = vector.broadcast %ne3A_849 : i32 to vector<16xi32>
      %ne3A_851 = arith.cmpi ne, %rem3A_848, %ne3A_850 : vector<16xi32>
      %lt3A_852 = arith.constant 0 : i32
      %lt3A_853 = vector.broadcast %lt3A_852 : i32 to vector<16xi32>
      %lt3A_854 = arith.cmpi slt, %rem3A_848, %lt3A_853 : vector<16xi32>
      %lt3A_855 = arith.constant 0 : i32
      %lt3A_856 = arith.cmpi slt, %select_n3A_846, %lt3A_855 : i32
      %ne3A_857 = vector.broadcast %lt3A_856 : i1 to vector<16xi1>
      %ne3A_858 = vector.broadcast %ne3A_857 : vector<16xi1> to vector<16xi1>
      %ne3A_859 = arith.xori %lt3A_854, %ne3A_858 : vector<16xi1>
      %and3A_860 = arith.andi %ne3A_859, %ne3A_851 : vector<16xi1>
      %add3A_861 = vector.broadcast %select_n3A_846 : i32 to vector<16xi32>
      %add3A_862 = arith.addi %rem3A_848, %add3A_861 : vector<16xi32>
      %select_n3A_863 = arith.select %and3A_860, %add3A_862, %rem3A_848 : vector<16xi1>, vector<16xi32>
      tpu.vector_store_idx %arg5[%select_n3A_841, %select_n3A_863], %broadcast_in_dim3A_5 : memref<32x1000xi32, #tpu.memory_space<vmem>>[vector<16xi32>, vector<16xi32>], vector<16xi32>,
      %add3A_864 = arith.constant 112 : i32
      %add3A_865 = vector.broadcast %add3A_864 : i32 to vector<16xi32>
      %add3A_866 = arith.addi %add3A_481, %add3A_865 : vector<16xi32>
      %jit3A_867 = arith.constant 1000 : i32
      %div3A_868 = vector.broadcast %jit3A_867 : i32 to vector<16xi32>
      %div3A_869 = arith.divsi %add3A_866, %div3A_868 : vector<16xi32>
      %sign3A_870 = arith.constant 0 : i32
      %sign3A_871 = vector.broadcast %sign3A_870 : i32 to vector<16xi32>
      %sign3A_872 = arith.cmpi sgt, %add3A_866, %sign3A_871 : vector<16xi32>
      %sign3A_873 = arith.extui %sign3A_872 : vector<16xi1> to vector<16xi32>
      %sign3A_874 = arith.constant 0 : i32
      %sign3A_875 = vector.broadcast %sign3A_874 : i32 to vector<16xi32>
      %sign3A_876 = arith.cmpi slt, %add3A_866, %sign3A_875 : vector<16xi32>
      %sign3A_877 = arith.extui %sign3A_876 : vector<16xi1> to vector<16xi32>
      %sign3A_878 = arith.subi %sign3A_873, %sign3A_877 : vector<16xi32>
      %sign3A_879 = arith.constant 0 : i32
      %sign3A_880 = arith.cmpi sgt, %jit3A_867, %sign3A_879 : i32
      %sign3A_881 = arith.extui %sign3A_880 : i1 to i32
      %sign3A_882 = arith.constant 0 : i32
      %sign3A_883 = arith.cmpi slt, %jit3A_867, %sign3A_882 : i32
      %sign3A_884 = arith.extui %sign3A_883 : i1 to i32
      %sign3A_885 = arith.subi %sign3A_881, %sign3A_884 : i32
      %ne3A_886 = vector.broadcast %sign3A_885 : i32 to vector<16xi32>
      %ne3A_887 = arith.cmpi ne, %sign3A_878, %ne3A_886 : vector<16xi32>
      %rem3A_888 = vector.broadcast %jit3A_867 : i32 to vector<16xi32>
      %rem3A_889 = arith.remsi %add3A_866, %rem3A_888 : vector<16xi32>
      %ne3A_890 = arith.constant 0 : i32
      %ne3A_891 = vector.broadcast %ne3A_890 : i32 to vector<16xi32>
      %ne3A_892 = arith.cmpi ne, %rem3A_889, %ne3A_891 : vector<16xi32>
      %and3A_893 = arith.andi %ne3A_887, %ne3A_892 : vector<16xi1>
      %sub3A_894 = arith.constant 1 : i32
      %sub3A_895 = vector.broadcast %sub3A_894 : i32 to vector<16xi32>
      %sub3A_896 = arith.subi %div3A_869, %sub3A_895 : vector<16xi32>
      %select_n3A_897 = arith.select %and3A_893, %sub3A_896, %div3A_869 : vector<16xi1>, vector<16xi32>
      %jit3A_898 = arith.constant 1000 : i32
      %eq3A_899 = arith.constant 0 : i32
      %eq3A_900 = arith.cmpi eq, %jit3A_898, %eq3A_899 : i32
      %jit3A_901 = arith.constant 1 : i32
      %select_n3A_902 = arith.select %eq3A_900, %jit3A_901, %jit3A_898 : i32
      %rem3A_903 = vector.broadcast %select_n3A_902 : i32 to vector<16xi32>
      %rem3A_904 = arith.remsi %add3A_866, %rem3A_903 : vector<16xi32>
      %ne3A_905 = arith.constant 0 : i32
      %ne3A_906 = vector.broadcast %ne3A_905 : i32 to vector<16xi32>
      %ne3A_907 = arith.cmpi ne, %rem3A_904, %ne3A_906 : vector<16xi32>
      %lt3A_908 = arith.constant 0 : i32
      %lt3A_909 = vector.broadcast %lt3A_908 : i32 to vector<16xi32>
      %lt3A_910 = arith.cmpi slt, %rem3A_904, %lt3A_909 : vector<16xi32>
      %lt3A_911 = arith.constant 0 : i32
      %lt3A_912 = arith.cmpi slt, %select_n3A_902, %lt3A_911 : i32
      %ne3A_913 = vector.broadcast %lt3A_912 : i1 to vector<16xi1>
      %ne3A_914 = vector.broadcast %ne3A_913 : vector<16xi1> to vector<16xi1>
      %ne3A_915 = arith.xori %lt3A_910, %ne3A_914 : vector<16xi1>
      %and3A_916 = arith.andi %ne3A_915, %ne3A_907 : vector<16xi1>
      %add3A_917 = vector.broadcast %select_n3A_902 : i32 to vector<16xi32>
      %add3A_918 = arith.addi %rem3A_904, %add3A_917 : vector<16xi32>
      %select_n3A_919 = arith.select %and3A_916, %add3A_918, %rem3A_904 : vector<16xi1>, vector<16xi32>
      tpu.vector_store_idx %arg5[%select_n3A_897, %select_n3A_919], %broadcast_in_dim3A_5 : memref<32x1000xi32, #tpu.memory_space<vmem>>[vector<16xi32>, vector<16xi32>], vector<16xi32>,
      %add3A_920 = arith.constant 128 : i32
      %add3A_921 = vector.broadcast %add3A_920 : i32 to vector<16xi32>
      %add3A_922 = arith.addi %add3A_481, %add3A_921 : vector<16xi32>
      %jit3A_923 = arith.constant 1000 : i32
      %div3A_924 = vector.broadcast %jit3A_923 : i32 to vector<16xi32>
      %div3A_925 = arith.divsi %add3A_922, %div3A_924 : vector<16xi32>
      %sign3A_926 = arith.constant 0 : i32
      %sign3A_927 = vector.broadcast %sign3A_926 : i32 to vector<16xi32>
      %sign3A_928 = arith.cmpi sgt, %add3A_922, %sign3A_927 : vector<16xi32>
      %sign3A_929 = arith.extui %sign3A_928 : vector<16xi1> to vector<16xi32>
      %sign3A_930 = arith.constant 0 : i32
      %sign3A_931 = vector.broadcast %sign3A_930 : i32 to vector<16xi32>
      %sign3A_932 = arith.cmpi slt, %add3A_922, %sign3A_931 : vector<16xi32>
      %sign3A_933 = arith.extui %sign3A_932 : vector<16xi1> to vector<16xi32>
      %sign3A_934 = arith.subi %sign3A_929, %sign3A_933 : vector<16xi32>
      %sign3A_935 = arith.constant 0 : i32
      %sign3A_936 = arith.cmpi sgt, %jit3A_923, %sign3A_935 : i32
      %sign3A_937 = arith.extui %sign3A_936 : i1 to i32
      %sign3A_938 = arith.constant 0 : i32
      %sign3A_939 = arith.cmpi slt, %jit3A_923, %sign3A_938 : i32
      %sign3A_940 = arith.extui %sign3A_939 : i1 to i32
      %sign3A_941 = arith.subi %sign3A_937, %sign3A_940 : i32
      %ne3A_942 = vector.broadcast %sign3A_941 : i32 to vector<16xi32>
      %ne3A_943 = arith.cmpi ne, %sign3A_934, %ne3A_942 : vector<16xi32>
      %rem3A_944 = vector.broadcast %jit3A_923 : i32 to vector<16xi32>
      %rem3A_945 = arith.remsi %add3A_922, %rem3A_944 : vector<16xi32>
      %ne3A_946 = arith.constant 0 : i32
      %ne3A_947 = vector.broadcast %ne3A_946 : i32 to vector<16xi32>
      %ne3A_948 = arith.cmpi ne, %rem3A_945, %ne3A_947 : vector<16xi32>
      %and3A_949 = arith.andi %ne3A_943, %ne3A_948 : vector<16xi1>
      %sub3A_950 = arith.constant 1 : i32
      %sub3A_951 = vector.broadcast %sub3A_950 : i32 to vector<16xi32>
      %sub3A_952 = arith.subi %div3A_925, %sub3A_951 : vector<16xi32>
      %select_n3A_953 = arith.select %and3A_949, %sub3A_952, %div3A_925 : vector<16xi1>, vector<16xi32>
      %jit3A_954 = arith.constant 1000 : i32
      %eq3A_955 = arith.constant 0 : i32
      %eq3A_956 = arith.cmpi eq, %jit3A_954, %eq3A_955 : i32
      %jit3A_957 = arith.constant 1 : i32
      %select_n3A_958 = arith.select %eq3A_956, %jit3A_957, %jit3A_954 : i32
      %rem3A_959 = vector.broadcast %select_n3A_958 : i32 to vector<16xi32>
      %rem3A_960 = arith.remsi %add3A_922, %rem3A_959 : vector<16xi32>
      %ne3A_961 = arith.constant 0 : i32
      %ne3A_962 = vector.broadcast %ne3A_961 : i32 to vector<16xi32>
      %ne3A_963 = arith.cmpi ne, %rem3A_960, %ne3A_962 : vector<16xi32>
      %lt3A_964 = arith.constant 0 : i32
      %lt3A_965 = vector.broadcast %lt3A_964 : i32 to vector<16xi32>
      %lt3A_966 = arith.cmpi slt, %rem3A_960, %lt3A_965 : vector<16xi32>
      %lt3A_967 = arith.constant 0 : i32
      %lt3A_968 = arith.cmpi slt, %select_n3A_958, %lt3A_967 : i32
      %ne3A_969 = vector.broadcast %lt3A_968 : i1 to vector<16xi1>
      %ne3A_970 = vector.broadcast %ne3A_969 : vector<16xi1> to vector<16xi1>
      %ne3A_971 = arith.xori %lt3A_966, %ne3A_970 : vector<16xi1>
      %and3A_972 = arith.andi %ne3A_971, %ne3A_963 : vector<16xi1>
      %add3A_973 = vector.broadcast %select_n3A_958 : i32 to vector<16xi32>
      %add3A_974 = arith.addi %rem3A_960, %add3A_973 : vector<16xi32>
      %select_n3A_975 = arith.select %and3A_972, %add3A_974, %rem3A_960 : vector<16xi1>, vector<16xi32>
      tpu.vector_store_idx %arg5[%select_n3A_953, %select_n3A_975], %broadcast_in_dim3A_5 : memref<32x1000xi32, #tpu.memory_space<vmem>>[vector<16xi32>, vector<16xi32>], vector<16xi32>,
      %add3A_976 = arith.constant 144 : i32
      %add3A_977 = vector.broadcast %add3A_976 : i32 to vector<16xi32>
      %add3A_978 = arith.addi %add3A_481, %add3A_977 : vector<16xi32>
      %jit3A_979 = arith.constant 1000 : i32
      %div3A_980 = vector.broadcast %jit3A_979 : i32 to vector<16xi32>
      %div3A_981 = arith.divsi %add3A_978, %div3A_980 : vector<16xi32>
      %sign3A_982 = arith.constant 0 : i32
      %sign3A_983 = vector.broadcast %sign3A_982 : i32 to vector<16xi32>
      %sign3A_984 = arith.cmpi sgt, %add3A_978, %sign3A_983 : vector<16xi32>
      %sign3A_985 = arith.extui %sign3A_984 : vector<16xi1> to vector<16xi32>
      %sign3A_986 = arith.constant 0 : i32
      %sign3A_987 = vector.broadcast %sign3A_986 : i32 to vector<16xi32>
      %sign3A_988 = arith.cmpi slt, %add3A_978, %sign3A_987 : vector<16xi32>
      %sign3A_989 = arith.extui %sign3A_988 : vector<16xi1> to vector<16xi32>
      %sign3A_990 = arith.subi %sign3A_985, %sign3A_989 : vector<16xi32>
      %sign3A_991 = arith.constant 0 : i32
      %sign3A_992 = arith.cmpi sgt, %jit3A_979, %sign3A_991 : i32
      %sign3A_993 = arith.extui %sign3A_992 : i1 to i32
      %sign3A_994 = arith.constant 0 : i32
      %sign3A_995 = arith.cmpi slt, %jit3A_979, %sign3A_994 : i32
      %sign3A_996 = arith.extui %sign3A_995 : i1 to i32
      %sign3A_997 = arith.subi %sign3A_993, %sign3A_996 : i32
      %ne3A_998 = vector.broadcast %sign3A_997 : i32 to vector<16xi32>
      %ne3A_999 = arith.cmpi ne, %sign3A_990, %ne3A_998 : vector<16xi32>
      %rem3A_1000 = vector.broadcast %jit3A_979 : i32 to vector<16xi32>
      %rem3A_1001 = arith.remsi %add3A_978, %rem3A_1000 : vector<16xi32>
      %ne3A_1002 = arith.constant 0 : i32
      %ne3A_1003 = vector.broadcast %ne3A_1002 : i32 to vector<16xi32>
      %ne3A_1004 = arith.cmpi ne, %rem3A_1001, %ne3A_1003 : vector<16xi32>
      %and3A_1005 = arith.andi %ne3A_999, %ne3A_1004 : vector<16xi1>
      %sub3A_1006 = arith.constant 1 : i32
      %sub3A_1007 = vector.broadcast %sub3A_1006 : i32 to vector<16xi32>
      %sub3A_1008 = arith.subi %div3A_981, %sub3A_1007 : vector<16xi32>
      %select_n3A_1009 = arith.select %and3A_1005, %sub3A_1008, %div3A_981 : vector<16xi1>, vector<16xi32>
      %jit3A_1010 = arith.constant 1000 : i32
      %eq3A_1011 = arith.constant 0 : i32
      %eq3A_1012 = arith.cmpi eq, %jit3A_1010, %eq3A_1011 : i32
      %jit3A_1013 = arith.constant 1 : i32
      %select_n3A_1014 = arith.select %eq3A_1012, %jit3A_1013, %jit3A_1010 : i32
      %rem3A_1015 = vector.broadcast %select_n3A_1014 : i32 to vector<16xi32>
      %rem3A_1016 = arith.remsi %add3A_978, %rem3A_1015 : vector<16xi32>
      %ne3A_1017 = arith.constant 0 : i32
      %ne3A_1018 = vector.broadcast %ne3A_1017 : i32 to vector<16xi32>
      %ne3A_1019 = arith.cmpi ne, %rem3A_1016, %ne3A_1018 : vector<16xi32>
      %lt3A_1020 = arith.constant 0 : i32
      %lt3A_1021 = vector.broadcast %lt3A_1020 : i32 to vector<16xi32>
      %lt3A_1022 = arith.cmpi slt, %rem3A_1016, %lt3A_1021 : vector<16xi32>
      %lt3A_1023 = arith.constant 0 : i32
      %lt3A_1024 = arith.cmpi slt, %select_n3A_1014, %lt3A_1023 : i32
      %ne3A_1025 = vector.broadcast %lt3A_1024 : i1 to vector<16xi1>
      %ne3A_1026 = vector.broadcast %ne3A_1025 : vector<16xi1> to vector<16xi1>
      %ne3A_1027 = arith.xori %lt3A_1022, %ne3A_1026 : vector<16xi1>
      %and3A_1028 = arith.andi %ne3A_1027, %ne3A_1019 : vector<16xi1>
      %add3A_1029 = vector.broadcast %select_n3A_1014 : i32 to vector<16xi32>
      %add3A_1030 = arith.addi %rem3A_1016, %add3A_1029 : vector<16xi32>
      %select_n3A_1031 = arith.select %and3A_1028, %add3A_1030, %rem3A_1016 : vector<16xi1>, vector<16xi32>
      tpu.vector_store_idx %arg5[%select_n3A_1009, %select_n3A_1031], %broadcast_in_dim3A_5 : memref<32x1000xi32, #tpu.memory_space<vmem>>[vector<16xi32>, vector<16xi32>], vector<16xi32>,
      %add3A_1032 = arith.constant 160 : i32
      %add3A_1033 = vector.broadcast %add3A_1032 : i32 to vector<16xi32>
      %add3A_1034 = arith.addi %add3A_481, %add3A_1033 : vector<16xi32>
      %jit3A_1035 = arith.constant 1000 : i32
      %div3A_1036 = vector.broadcast %jit3A_1035 : i32 to vector<16xi32>
      %div3A_1037 = arith.divsi %add3A_1034, %div3A_1036 : vector<16xi32>
      %sign3A_1038 = arith.constant 0 : i32
      %sign3A_1039 = vector.broadcast %sign3A_1038 : i32 to vector<16xi32>
      %sign3A_1040 = arith.cmpi sgt, %add3A_1034, %sign3A_1039 : vector<16xi32>
      %sign3A_1041 = arith.extui %sign3A_1040 : vector<16xi1> to vector<16xi32>
      %sign3A_1042 = arith.constant 0 : i32
      %sign3A_1043 = vector.broadcast %sign3A_1042 : i32 to vector<16xi32>
      %sign3A_1044 = arith.cmpi slt, %add3A_1034, %sign3A_1043 : vector<16xi32>
      %sign3A_1045 = arith.extui %sign3A_1044 : vector<16xi1> to vector<16xi32>
      %sign3A_1046 = arith.subi %sign3A_1041, %sign3A_1045 : vector<16xi32>
      %sign3A_1047 = arith.constant 0 : i32
      %sign3A_1048 = arith.cmpi sgt, %jit3A_1035, %sign3A_1047 : i32
      %sign3A_1049 = arith.extui %sign3A_1048 : i1 to i32
      %sign3A_1050 = arith.constant 0 : i32
      %sign3A_1051 = arith.cmpi slt, %jit3A_1035, %sign3A_1050 : i32
      %sign3A_1052 = arith.extui %sign3A_1051 : i1 to i32
      %sign3A_1053 = arith.subi %sign3A_1049, %sign3A_1052 : i32
      %ne3A_1054 = vector.broadcast %sign3A_1053 : i32 to vector<16xi32>
      %ne3A_1055 = arith.cmpi ne, %sign3A_1046, %ne3A_1054 : vector<16xi32>
      %rem3A_1056 = vector.broadcast %jit3A_1035 : i32 to vector<16xi32>
      %rem3A_1057 = arith.remsi %add3A_1034, %rem3A_1056 : vector<16xi32>
      %ne3A_1058 = arith.constant 0 : i32
      %ne3A_1059 = vector.broadcast %ne3A_1058 : i32 to vector<16xi32>
      %ne3A_1060 = arith.cmpi ne, %rem3A_1057, %ne3A_1059 : vector<16xi32>
      %and3A_1061 = arith.andi %ne3A_1055, %ne3A_1060 : vector<16xi1>
      %sub3A_1062 = arith.constant 1 : i32
      %sub3A_1063 = vector.broadcast %sub3A_1062 : i32 to vector<16xi32>
      %sub3A_1064 = arith.subi %div3A_1037, %sub3A_1063 : vector<16xi32>
      %select_n3A_1065 = arith.select %and3A_1061, %sub3A_1064, %div3A_1037 : vector<16xi1>, vector<16xi32>
      %jit3A_1066 = arith.constant 1000 : i32
      %eq3A_1067 = arith.constant 0 : i32
      %eq3A_1068 = arith.cmpi eq, %jit3A_1066, %eq3A_1067 : i32
      %jit3A_1069 = arith.constant 1 : i32
      %select_n3A_1070 = arith.select %eq3A_1068, %jit3A_1069, %jit3A_1066 : i32
      %rem3A_1071 = vector.broadcast %select_n3A_1070 : i32 to vector<16xi32>
      %rem3A_1072 = arith.remsi %add3A_1034, %rem3A_1071 : vector<16xi32>
      %ne3A_1073 = arith.constant 0 : i32
      %ne3A_1074 = vector.broadcast %ne3A_1073 : i32 to vector<16xi32>
      %ne3A_1075 = arith.cmpi ne, %rem3A_1072, %ne3A_1074 : vector<16xi32>
      %lt3A_1076 = arith.constant 0 : i32
      %lt3A_1077 = vector.broadcast %lt3A_1076 : i32 to vector<16xi32>
      %lt3A_1078 = arith.cmpi slt, %rem3A_1072, %lt3A_1077 : vector<16xi32>
      %lt3A_1079 = arith.constant 0 : i32
      %lt3A_1080 = arith.cmpi slt, %select_n3A_1070, %lt3A_1079 : i32
      %ne3A_1081 = vector.broadcast %lt3A_1080 : i1 to vector<16xi1>
      %ne3A_1082 = vector.broadcast %ne3A_1081 : vector<16xi1> to vector<16xi1>
      %ne3A_1083 = arith.xori %lt3A_1078, %ne3A_1082 : vector<16xi1>
      %and3A_1084 = arith.andi %ne3A_1083, %ne3A_1075 : vector<16xi1>
      %add3A_1085 = vector.broadcast %select_n3A_1070 : i32 to vector<16xi32>
      %add3A_1086 = arith.addi %rem3A_1072, %add3A_1085 : vector<16xi32>
      %select_n3A_1087 = arith.select %and3A_1084, %add3A_1086, %rem3A_1072 : vector<16xi1>, vector<16xi32>
      tpu.vector_store_idx %arg5[%select_n3A_1065, %select_n3A_1087], %broadcast_in_dim3A_5 : memref<32x1000xi32, #tpu.memory_space<vmem>>[vector<16xi32>, vector<16xi32>], vector<16xi32>,
      %add3A_1088 = arith.constant 176 : i32
      %add3A_1089 = vector.broadcast %add3A_1088 : i32 to vector<16xi32>
      %add3A_1090 = arith.addi %add3A_481, %add3A_1089 : vector<16xi32>
      %jit3A_1091 = arith.constant 1000 : i32
      %div3A_1092 = vector.broadcast %jit3A_1091 : i32 to vector<16xi32>
      %div3A_1093 = arith.divsi %add3A_1090, %div3A_1092 : vector<16xi32>
      %sign3A_1094 = arith.constant 0 : i32
      %sign3A_1095 = vector.broadcast %sign3A_1094 : i32 to vector<16xi32>
      %sign3A_1096 = arith.cmpi sgt, %add3A_1090, %sign3A_1095 : vector<16xi32>
      %sign3A_1097 = arith.extui %sign3A_1096 : vector<16xi1> to vector<16xi32>
      %sign3A_1098 = arith.constant 0 : i32
      %sign3A_1099 = vector.broadcast %sign3A_1098 : i32 to vector<16xi32>
      %sign3A_1100 = arith.cmpi slt, %add3A_1090, %sign3A_1099 : vector<16xi32>
      %sign3A_1101 = arith.extui %sign3A_1100 : vector<16xi1> to vector<16xi32>
      %sign3A_1102 = arith.subi %sign3A_1097, %sign3A_1101 : vector<16xi32>
      %sign3A_1103 = arith.constant 0 : i32
      %sign3A_1104 = arith.cmpi sgt, %jit3A_1091, %sign3A_1103 : i32
      %sign3A_1105 = arith.extui %sign3A_1104 : i1 to i32
      %sign3A_1106 = arith.constant 0 : i32
      %sign3A_1107 = arith.cmpi slt, %jit3A_1091, %sign3A_1106 : i32
      %sign3A_1108 = arith.extui %sign3A_1107 : i1 to i32
      %sign3A_1109 = arith.subi %sign3A_1105, %sign3A_1108 : i32
      %ne3A_1110 = vector.broadcast %sign3A_1109 : i32 to vector<16xi32>
      %ne3A_1111 = arith.cmpi ne, %sign3A_1102, %ne3A_1110 : vector<16xi32>
      %rem3A_1112 = vector.broadcast %jit3A_1091 : i32 to vector<16xi32>
      %rem3A_1113 = arith.remsi %add3A_1090, %rem3A_1112 : vector<16xi32>
      %ne3A_1114 = arith.constant 0 : i32
      %ne3A_1115 = vector.broadcast %ne3A_1114 : i32 to vector<16xi32>
      %ne3A_1116 = arith.cmpi ne, %rem3A_1113, %ne3A_1115 : vector<16xi32>
      %and3A_1117 = arith.andi %ne3A_1111, %ne3A_1116 : vector<16xi1>
      %sub3A_1118 = arith.constant 1 : i32
      %sub3A_1119 = vector.broadcast %sub3A_1118 : i32 to vector<16xi32>
      %sub3A_1120 = arith.subi %div3A_1093, %sub3A_1119 : vector<16xi32>
      %select_n3A_1121 = arith.select %and3A_1117, %sub3A_1120, %div3A_1093 : vector<16xi1>, vector<16xi32>
      %jit3A_1122 = arith.constant 1000 : i32
      %eq3A_1123 = arith.constant 0 : i32
      %eq3A_1124 = arith.cmpi eq, %jit3A_1122, %eq3A_1123 : i32
      %jit3A_1125 = arith.constant 1 : i32
      %select_n3A_1126 = arith.select %eq3A_1124, %jit3A_1125, %jit3A_1122 : i32
      %rem3A_1127 = vector.broadcast %select_n3A_1126 : i32 to vector<16xi32>
      %rem3A_1128 = arith.remsi %add3A_1090, %rem3A_1127 : vector<16xi32>
      %ne3A_1129 = arith.constant 0 : i32
      %ne3A_1130 = vector.broadcast %ne3A_1129 : i32 to vector<16xi32>
      %ne3A_1131 = arith.cmpi ne, %rem3A_1128, %ne3A_1130 : vector<16xi32>
      %lt3A_1132 = arith.constant 0 : i32
      %lt3A_1133 = vector.broadcast %lt3A_1132 : i32 to vector<16xi32>
      %lt3A_1134 = arith.cmpi slt, %rem3A_1128, %lt3A_1133 : vector<16xi32>
      %lt3A_1135 = arith.constant 0 : i32
      %lt3A_1136 = arith.cmpi slt, %select_n3A_1126, %lt3A_1135 : i32
      %ne3A_1137 = vector.broadcast %lt3A_1136 : i1 to vector<16xi1>
      %ne3A_1138 = vector.broadcast %ne3A_1137 : vector<16xi1> to vector<16xi1>
      %ne3A_1139 = arith.xori %lt3A_1134, %ne3A_1138 : vector<16xi1>
      %and3A_1140 = arith.andi %ne3A_1139, %ne3A_1131 : vector<16xi1>
      %add3A_1141 = vector.broadcast %select_n3A_1126 : i32 to vector<16xi32>
      %add3A_1142 = arith.addi %rem3A_1128, %add3A_1141 : vector<16xi32>
      %select_n3A_1143 = arith.select %and3A_1140, %add3A_1142, %rem3A_1128 : vector<16xi1>, vector<16xi32>
      tpu.vector_store_idx %arg5[%select_n3A_1121, %select_n3A_1143], %broadcast_in_dim3A_5 : memref<32x1000xi32, #tpu.memory_space<vmem>>[vector<16xi32>, vector<16xi32>], vector<16xi32>,
      %add3A_1144 = arith.constant 192 : i32
      %add3A_1145 = vector.broadcast %add3A_1144 : i32 to vector<16xi32>
      %add3A_1146 = arith.addi %add3A_481, %add3A_1145 : vector<16xi32>
      %jit3A_1147 = arith.constant 1000 : i32
      %div3A_1148 = vector.broadcast %jit3A_1147 : i32 to vector<16xi32>
      %div3A_1149 = arith.divsi %add3A_1146, %div3A_1148 : vector<16xi32>
      %sign3A_1150 = arith.constant 0 : i32
      %sign3A_1151 = vector.broadcast %sign3A_1150 : i32 to vector<16xi32>
      %sign3A_1152 = arith.cmpi sgt, %add3A_1146, %sign3A_1151 : vector<16xi32>
      %sign3A_1153 = arith.extui %sign3A_1152 : vector<16xi1> to vector<16xi32>
      %sign3A_1154 = arith.constant 0 : i32
      %sign3A_1155 = vector.broadcast %sign3A_1154 : i32 to vector<16xi32>
      %sign3A_1156 = arith.cmpi slt, %add3A_1146, %sign3A_1155 : vector<16xi32>
      %sign3A_1157 = arith.extui %sign3A_1156 : vector<16xi1> to vector<16xi32>
      %sign3A_1158 = arith.subi %sign3A_1153, %sign3A_1157 : vector<16xi32>
      %sign3A_1159 = arith.constant 0 : i32
      %sign3A_1160 = arith.cmpi sgt, %jit3A_1147, %sign3A_1159 : i32
      %sign3A_1161 = arith.extui %sign3A_1160 : i1 to i32
      %sign3A_1162 = arith.constant 0 : i32
      %sign3A_1163 = arith.cmpi slt, %jit3A_1147, %sign3A_1162 : i32
      %sign3A_1164 = arith.extui %sign3A_1163 : i1 to i32
      %sign3A_1165 = arith.subi %sign3A_1161, %sign3A_1164 : i32
      %ne3A_1166 = vector.broadcast %sign3A_1165 : i32 to vector<16xi32>
      %ne3A_1167 = arith.cmpi ne, %sign3A_1158, %ne3A_1166 : vector<16xi32>
      %rem3A_1168 = vector.broadcast %jit3A_1147 : i32 to vector<16xi32>
      %rem3A_1169 = arith.remsi %add3A_1146, %rem3A_1168 : vector<16xi32>
      %ne3A_1170 = arith.constant 0 : i32
      %ne3A_1171 = vector.broadcast %ne3A_1170 : i32 to vector<16xi32>
      %ne3A_1172 = arith.cmpi ne, %rem3A_1169, %ne3A_1171 : vector<16xi32>
      %and3A_1173 = arith.andi %ne3A_1167, %ne3A_1172 : vector<16xi1>
      %sub3A_1174 = arith.constant 1 : i32
      %sub3A_1175 = vector.broadcast %sub3A_1174 : i32 to vector<16xi32>
      %sub3A_1176 = arith.subi %div3A_1149, %sub3A_1175 : vector<16xi32>
      %select_n3A_1177 = arith.select %and3A_1173, %sub3A_1176, %div3A_1149 : vector<16xi1>, vector<16xi32>
      %jit3A_1178 = arith.constant 1000 : i32
      %eq3A_1179 = arith.constant 0 : i32
      %eq3A_1180 = arith.cmpi eq, %jit3A_1178, %eq3A_1179 : i32
      %jit3A_1181 = arith.constant 1 : i32
      %select_n3A_1182 = arith.select %eq3A_1180, %jit3A_1181, %jit3A_1178 : i32
      %rem3A_1183 = vector.broadcast %select_n3A_1182 : i32 to vector<16xi32>
      %rem3A_1184 = arith.remsi %add3A_1146, %rem3A_1183 : vector<16xi32>
      %ne3A_1185 = arith.constant 0 : i32
      %ne3A_1186 = vector.broadcast %ne3A_1185 : i32 to vector<16xi32>
      %ne3A_1187 = arith.cmpi ne, %rem3A_1184, %ne3A_1186 : vector<16xi32>
      %lt3A_1188 = arith.constant 0 : i32
      %lt3A_1189 = vector.broadcast %lt3A_1188 : i32 to vector<16xi32>
      %lt3A_1190 = arith.cmpi slt, %rem3A_1184, %lt3A_1189 : vector<16xi32>
      %lt3A_1191 = arith.constant 0 : i32
      %lt3A_1192 = arith.cmpi slt, %select_n3A_1182, %lt3A_1191 : i32
      %ne3A_1193 = vector.broadcast %lt3A_1192 : i1 to vector<16xi1>
      %ne3A_1194 = vector.broadcast %ne3A_1193 : vector<16xi1> to vector<16xi1>
      %ne3A_1195 = arith.xori %lt3A_1190, %ne3A_1194 : vector<16xi1>
      %and3A_1196 = arith.andi %ne3A_1195, %ne3A_1187 : vector<16xi1>
      %add3A_1197 = vector.broadcast %select_n3A_1182 : i32 to vector<16xi32>
      %add3A_1198 = arith.addi %rem3A_1184, %add3A_1197 : vector<16xi32>
      %select_n3A_1199 = arith.select %and3A_1196, %add3A_1198, %rem3A_1184 : vector<16xi1>, vector<16xi32>
      tpu.vector_store_idx %arg5[%select_n3A_1177, %select_n3A_1199], %broadcast_in_dim3A_5 : memref<32x1000xi32, #tpu.memory_space<vmem>>[vector<16xi32>, vector<16xi32>], vector<16xi32>,
      %add3A_1200 = arith.constant 208 : i32
      %add3A_1201 = vector.broadcast %add3A_1200 : i32 to vector<16xi32>
      %add3A_1202 = arith.addi %add3A_481, %add3A_1201 : vector<16xi32>
      %jit3A_1203 = arith.constant 1000 : i32
      %div3A_1204 = vector.broadcast %jit3A_1203 : i32 to vector<16xi32>
      %div3A_1205 = arith.divsi %add3A_1202, %div3A_1204 : vector<16xi32>
      %sign3A_1206 = arith.constant 0 : i32
      %sign3A_1207 = vector.broadcast %sign3A_1206 : i32 to vector<16xi32>
      %sign3A_1208 = arith.cmpi sgt, %add3A_1202, %sign3A_1207 : vector<16xi32>
      %sign3A_1209 = arith.extui %sign3A_1208 : vector<16xi1> to vector<16xi32>
      %sign3A_1210 = arith.constant 0 : i32
      %sign3A_1211 = vector.broadcast %sign3A_1210 : i32 to vector<16xi32>
      %sign3A_1212 = arith.cmpi slt, %add3A_1202, %sign3A_1211 : vector<16xi32>
      %sign3A_1213 = arith.extui %sign3A_1212 : vector<16xi1> to vector<16xi32>
      %sign3A_1214 = arith.subi %sign3A_1209, %sign3A_1213 : vector<16xi32>
      %sign3A_1215 = arith.constant 0 : i32
      %sign3A_1216 = arith.cmpi sgt, %jit3A_1203, %sign3A_1215 : i32
      %sign3A_1217 = arith.extui %sign3A_1216 : i1 to i32
      %sign3A_1218 = arith.constant 0 : i32
      %sign3A_1219 = arith.cmpi slt, %jit3A_1203, %sign3A_1218 : i32
      %sign3A_1220 = arith.extui %sign3A_1219 : i1 to i32
      %sign3A_1221 = arith.subi %sign3A_1217, %sign3A_1220 : i32
      %ne3A_1222 = vector.broadcast %sign3A_1221 : i32 to vector<16xi32>
      %ne3A_1223 = arith.cmpi ne, %sign3A_1214, %ne3A_1222 : vector<16xi32>
      %rem3A_1224 = vector.broadcast %jit3A_1203 : i32 to vector<16xi32>
      %rem3A_1225 = arith.remsi %add3A_1202, %rem3A_1224 : vector<16xi32>
      %ne3A_1226 = arith.constant 0 : i32
      %ne3A_1227 = vector.broadcast %ne3A_1226 : i32 to vector<16xi32>
      %ne3A_1228 = arith.cmpi ne, %rem3A_1225, %ne3A_1227 : vector<16xi32>
      %and3A_1229 = arith.andi %ne3A_1223, %ne3A_1228 : vector<16xi1>
      %sub3A_1230 = arith.constant 1 : i32
      %sub3A_1231 = vector.broadcast %sub3A_1230 : i32 to vector<16xi32>
      %sub3A_1232 = arith.subi %div3A_1205, %sub3A_1231 : vector<16xi32>
      %select_n3A_1233 = arith.select %and3A_1229, %sub3A_1232, %div3A_1205 : vector<16xi1>, vector<16xi32>
      %jit3A_1234 = arith.constant 1000 : i32
      %eq3A_1235 = arith.constant 0 : i32
      %eq3A_1236 = arith.cmpi eq, %jit3A_1234, %eq3A_1235 : i32
      %jit3A_1237 = arith.constant 1 : i32
      %select_n3A_1238 = arith.select %eq3A_1236, %jit3A_1237, %jit3A_1234 : i32
      %rem3A_1239 = vector.broadcast %select_n3A_1238 : i32 to vector<16xi32>
      %rem3A_1240 = arith.remsi %add3A_1202, %rem3A_1239 : vector<16xi32>
      %ne3A_1241 = arith.constant 0 : i32
      %ne3A_1242 = vector.broadcast %ne3A_1241 : i32 to vector<16xi32>
      %ne3A_1243 = arith.cmpi ne, %rem3A_1240, %ne3A_1242 : vector<16xi32>
      %lt3A_1244 = arith.constant 0 : i32
      %lt3A_1245 = vector.broadcast %lt3A_1244 : i32 to vector<16xi32>
      %lt3A_1246 = arith.cmpi slt, %rem3A_1240, %lt3A_1245 : vector<16xi32>
      %lt3A_1247 = arith.constant 0 : i32
      %lt3A_1248 = arith.cmpi slt, %select_n3A_1238, %lt3A_1247 : i32
      %ne3A_1249 = vector.broadcast %lt3A_1248 : i1 to vector<16xi1>
      %ne3A_1250 = vector.broadcast %ne3A_1249 : vector<16xi1> to vector<16xi1>
      %ne3A_1251 = arith.xori %lt3A_1246, %ne3A_1250 : vector<16xi1>
      %and3A_1252 = arith.andi %ne3A_1251, %ne3A_1243 : vector<16xi1>
      %add3A_1253 = vector.broadcast %select_n3A_1238 : i32 to vector<16xi32>
      %add3A_1254 = arith.addi %rem3A_1240, %add3A_1253 : vector<16xi32>
      %select_n3A_1255 = arith.select %and3A_1252, %add3A_1254, %rem3A_1240 : vector<16xi1>, vector<16xi32>
      tpu.vector_store_idx %arg5[%select_n3A_1233, %select_n3A_1255], %broadcast_in_dim3A_5 : memref<32x1000xi32, #tpu.memory_space<vmem>>[vector<16xi32>, vector<16xi32>], vector<16xi32>,
      %add3A_1256 = arith.constant 224 : i32
      %add3A_1257 = vector.broadcast %add3A_1256 : i32 to vector<16xi32>
      %add3A_1258 = arith.addi %add3A_481, %add3A_1257 : vector<16xi32>
      %jit3A_1259 = arith.constant 1000 : i32
      %div3A_1260 = vector.broadcast %jit3A_1259 : i32 to vector<16xi32>
      %div3A_1261 = arith.divsi %add3A_1258, %div3A_1260 : vector<16xi32>
      %sign3A_1262 = arith.constant 0 : i32
      %sign3A_1263 = vector.broadcast %sign3A_1262 : i32 to vector<16xi32>
      %sign3A_1264 = arith.cmpi sgt, %add3A_1258, %sign3A_1263 : vector<16xi32>
      %sign3A_1265 = arith.extui %sign3A_1264 : vector<16xi1> to vector<16xi32>
      %sign3A_1266 = arith.constant 0 : i32
      %sign3A_1267 = vector.broadcast %sign3A_1266 : i32 to vector<16xi32>
      %sign3A_1268 = arith.cmpi slt, %add3A_1258, %sign3A_1267 : vector<16xi32>
      %sign3A_1269 = arith.extui %sign3A_1268 : vector<16xi1> to vector<16xi32>
      %sign3A_1270 = arith.subi %sign3A_1265, %sign3A_1269 : vector<16xi32>
      %sign3A_1271 = arith.constant 0 : i32
      %sign3A_1272 = arith.cmpi sgt, %jit3A_1259, %sign3A_1271 : i32
      %sign3A_1273 = arith.extui %sign3A_1272 : i1 to i32
      %sign3A_1274 = arith.constant 0 : i32
      %sign3A_1275 = arith.cmpi slt, %jit3A_1259, %sign3A_1274 : i32
      %sign3A_1276 = arith.extui %sign3A_1275 : i1 to i32
      %sign3A_1277 = arith.subi %sign3A_1273, %sign3A_1276 : i32
      %ne3A_1278 = vector.broadcast %sign3A_1277 : i32 to vector<16xi32>
      %ne3A_1279 = arith.cmpi ne, %sign3A_1270, %ne3A_1278 : vector<16xi32>
      %rem3A_1280 = vector.broadcast %jit3A_1259 : i32 to vector<16xi32>
      %rem3A_1281 = arith.remsi %add3A_1258, %rem3A_1280 : vector<16xi32>
      %ne3A_1282 = arith.constant 0 : i32
      %ne3A_1283 = vector.broadcast %ne3A_1282 : i32 to vector<16xi32>
      %ne3A_1284 = arith.cmpi ne, %rem3A_1281, %ne3A_1283 : vector<16xi32>
      %and3A_1285 = arith.andi %ne3A_1279, %ne3A_1284 : vector<16xi1>
      %sub3A_1286 = arith.constant 1 : i32
      %sub3A_1287 = vector.broadcast %sub3A_1286 : i32 to vector<16xi32>
      %sub3A_1288 = arith.subi %div3A_1261, %sub3A_1287 : vector<16xi32>
      %select_n3A_1289 = arith.select %and3A_1285, %sub3A_1288, %div3A_1261 : vector<16xi1>, vector<16xi32>
      %jit3A_1290 = arith.constant 1000 : i32
      %eq3A_1291 = arith.constant 0 : i32
      %eq3A_1292 = arith.cmpi eq, %jit3A_1290, %eq3A_1291 : i32
      %jit3A_1293 = arith.constant 1 : i32
      %select_n3A_1294 = arith.select %eq3A_1292, %jit3A_1293, %jit3A_1290 : i32
      %rem3A_1295 = vector.broadcast %select_n3A_1294 : i32 to vector<16xi32>
      %rem3A_1296 = arith.remsi %add3A_1258, %rem3A_1295 : vector<16xi32>
      %ne3A_1297 = arith.constant 0 : i32
      %ne3A_1298 = vector.broadcast %ne3A_1297 : i32 to vector<16xi32>
      %ne3A_1299 = arith.cmpi ne, %rem3A_1296, %ne3A_1298 : vector<16xi32>
      %lt3A_1300 = arith.constant 0 : i32
      %lt3A_1301 = vector.broadcast %lt3A_1300 : i32 to vector<16xi32>
      %lt3A_1302 = arith.cmpi slt, %rem3A_1296, %lt3A_1301 : vector<16xi32>
      %lt3A_1303 = arith.constant 0 : i32
      %lt3A_1304 = arith.cmpi slt, %select_n3A_1294, %lt3A_1303 : i32
      %ne3A_1305 = vector.broadcast %lt3A_1304 : i1 to vector<16xi1>
      %ne3A_1306 = vector.broadcast %ne3A_1305 : vector<16xi1> to vector<16xi1>
      %ne3A_1307 = arith.xori %lt3A_1302, %ne3A_1306 : vector<16xi1>
      %and3A_1308 = arith.andi %ne3A_1307, %ne3A_1299 : vector<16xi1>
      %add3A_1309 = vector.broadcast %select_n3A_1294 : i32 to vector<16xi32>
      %add3A_1310 = arith.addi %rem3A_1296, %add3A_1309 : vector<16xi32>
      %select_n3A_1311 = arith.select %and3A_1308, %add3A_1310, %rem3A_1296 : vector<16xi1>, vector<16xi32>
      tpu.vector_store_idx %arg5[%select_n3A_1289, %select_n3A_1311], %broadcast_in_dim3A_5 : memref<32x1000xi32, #tpu.memory_space<vmem>>[vector<16xi32>, vector<16xi32>], vector<16xi32>,
      %add3A_1312 = arith.constant 240 : i32
      %add3A_1313 = vector.broadcast %add3A_1312 : i32 to vector<16xi32>
      %add3A_1314 = arith.addi %add3A_481, %add3A_1313 : vector<16xi32>
      %jit3A_1315 = arith.constant 1000 : i32
      %div3A_1316 = vector.broadcast %jit3A_1315 : i32 to vector<16xi32>
      %div3A_1317 = arith.divsi %add3A_1314, %div3A_1316 : vector<16xi32>
      %sign3A_1318 = arith.constant 0 : i32
      %sign3A_1319 = vector.broadcast %sign3A_1318 : i32 to vector<16xi32>
      %sign3A_1320 = arith.cmpi sgt, %add3A_1314, %sign3A_1319 : vector<16xi32>
      %sign3A_1321 = arith.extui %sign3A_1320 : vector<16xi1> to vector<16xi32>
      %sign3A_1322 = arith.constant 0 : i32
      %sign3A_1323 = vector.broadcast %sign3A_1322 : i32 to vector<16xi32>
      %sign3A_1324 = arith.cmpi slt, %add3A_1314, %sign3A_1323 : vector<16xi32>
      %sign3A_1325 = arith.extui %sign3A_1324 : vector<16xi1> to vector<16xi32>
      %sign3A_1326 = arith.subi %sign3A_1321, %sign3A_1325 : vector<16xi32>
      %sign3A_1327 = arith.constant 0 : i32
      %sign3A_1328 = arith.cmpi sgt, %jit3A_1315, %sign3A_1327 : i32
      %sign3A_1329 = arith.extui %sign3A_1328 : i1 to i32
      %sign3A_1330 = arith.constant 0 : i32
      %sign3A_1331 = arith.cmpi slt, %jit3A_1315, %sign3A_1330 : i32
      %sign3A_1332 = arith.extui %sign3A_1331 : i1 to i32
      %sign3A_1333 = arith.subi %sign3A_1329, %sign3A_1332 : i32
      %ne3A_1334 = vector.broadcast %sign3A_1333 : i32 to vector<16xi32>
      %ne3A_1335 = arith.cmpi ne, %sign3A_1326, %ne3A_1334 : vector<16xi32>
      %rem3A_1336 = vector.broadcast %jit3A_1315 : i32 to vector<16xi32>
      %rem3A_1337 = arith.remsi %add3A_1314, %rem3A_1336 : vector<16xi32>
      %ne3A_1338 = arith.constant 0 : i32
      %ne3A_1339 = vector.broadcast %ne3A_1338 : i32 to vector<16xi32>
      %ne3A_1340 = arith.cmpi ne, %rem3A_1337, %ne3A_1339 : vector<16xi32>
      %and3A_1341 = arith.andi %ne3A_1335, %ne3A_1340 : vector<16xi1>
      %sub3A_1342 = arith.constant 1 : i32
      %sub3A_1343 = vector.broadcast %sub3A_1342 : i32 to vector<16xi32>
      %sub3A_1344 = arith.subi %div3A_1317, %sub3A_1343 : vector<16xi32>
      %select_n3A_1345 = arith.select %and3A_1341, %sub3A_1344, %div3A_1317 : vector<16xi1>, vector<16xi32>
      %jit3A_1346 = arith.constant 1000 : i32
      %eq3A_1347 = arith.constant 0 : i32
      %eq3A_1348 = arith.cmpi eq, %jit3A_1346, %eq3A_1347 : i32
      %jit3A_1349 = arith.constant 1 : i32
      %select_n3A_1350 = arith.select %eq3A_1348, %jit3A_1349, %jit3A_1346 : i32
      %rem3A_1351 = vector.broadcast %select_n3A_1350 : i32 to vector<16xi32>
      %rem3A_1352 = arith.remsi %add3A_1314, %rem3A_1351 : vector<16xi32>
      %ne3A_1353 = arith.constant 0 : i32
      %ne3A_1354 = vector.broadcast %ne3A_1353 : i32 to vector<16xi32>
      %ne3A_1355 = arith.cmpi ne, %rem3A_1352, %ne3A_1354 : vector<16xi32>
      %lt3A_1356 = arith.constant 0 : i32
      %lt3A_1357 = vector.broadcast %lt3A_1356 : i32 to vector<16xi32>
      %lt3A_1358 = arith.cmpi slt, %rem3A_1352, %lt3A_1357 : vector<16xi32>
      %lt3A_1359 = arith.constant 0 : i32
      %lt3A_1360 = arith.cmpi slt, %select_n3A_1350, %lt3A_1359 : i32
      %ne3A_1361 = vector.broadcast %lt3A_1360 : i1 to vector<16xi1>
      %ne3A_1362 = vector.broadcast %ne3A_1361 : vector<16xi1> to vector<16xi1>
      %ne3A_1363 = arith.xori %lt3A_1358, %ne3A_1362 : vector<16xi1>
      %and3A_1364 = arith.andi %ne3A_1363, %ne3A_1355 : vector<16xi1>
      %add3A_1365 = vector.broadcast %select_n3A_1350 : i32 to vector<16xi32>
      %add3A_1366 = arith.addi %rem3A_1352, %add3A_1365 : vector<16xi32>
      %select_n3A_1367 = arith.select %and3A_1364, %add3A_1366, %rem3A_1352 : vector<16xi1>, vector<16xi32>
      tpu.vector_store_idx %arg5[%select_n3A_1345, %select_n3A_1367], %broadcast_in_dim3A_5 : memref<32x1000xi32, #tpu.memory_space<vmem>>[vector<16xi32>, vector<16xi32>], vector<16xi32>,
      %scan3A_1368 = arith.constant 0 : i32
      scf.yield %scan3A_1368 : i32
    }
    %scan3A_11 = arith.constant 125 : i32
    %get3A = arith.constant 0 : index
    %get3A_12 = tpu.vector_load %arg4[%get3A] {strides = array<i32>} : memref<512xi32, #tpu.memory_space<vmem>>, vector<16xi32>,
    %add3A_13 = arith.constant 0 : i32
    %add3A_14 = vector.broadcast %add3A_13 : i32 to vector<16xi32>
    %add3A_15 = arith.addi %iota3A, %add3A_14 : vector<16xi32>
    tpu.vector_store_idx %arg5[%add3A_15, %get3A_12], %broadcast_in_dim3A_3 : memref<32x1000xi32, #tpu.memory_space<vmem>>[vector<16xi32>, vector<16xi32>], vector<16xi32>,
    %get3A_16 = arith.constant 16 : index
    %get3A_17 = tpu.vector_load %arg4[%get3A_16] {strides = array<i32>} : memref<512xi32, #tpu.memory_space<vmem>>, vector<16xi32>,
    %add3A_18 = arith.constant 16 : i32
    %add3A_19 = vector.broadcast %add3A_18 : i32 to vector<16xi32>
    %add3A_20 = arith.addi %iota3A, %add3A_19 : vector<16xi32>
    tpu.vector_store_idx %arg5[%add3A_20, %get3A_17], %broadcast_in_dim3A_3 : memref<32x1000xi32, #tpu.memory_space<vmem>>[vector<16xi32>, vector<16xi32>], vector<16xi32>,
    %add3A_21 = arith.constant 0 : i32
    %add3A_22 = arith.addi %mul3A_2, %add3A_21 : i32
    %dma_start3A = arith.constant 0 : i32
    %dma_start3A_23 = tpu.memref_slice %arg3[%add3A_22, %dma_start3A] : memref<16384x1000xi32, #tpu.memory_space<hbm>> -> memref<32x1000xi32, #tpu.memory_space<hbm>>
    %dma_start3A_24 = arith.constant 0 : i32
    %dma_start3A_25 = tpu.memref_slice %arg3[%add3A_22, %dma_start3A_24] : memref<16384x1000xi32, #tpu.memory_space<hbm>> -> memref<32x1000xi32, #tpu.memory_space<hbm>>
    tpu.enqueue_dma source(%arg5 : memref<32x1000xi32, #tpu.memory_space<vmem>>) target(%dma_start3A_25 : memref<32x1000xi32, #tpu.memory_space<hbm>>) target_semaphore(%arg7 : memref<!tpu.dma_semaphore, #tpu.memory_space<semaphore_mem>>)
    %scan3A_26 = arith.constant 0 : i32
    %scan3A_27 = arith.constant 0 : i32
    %scan3A_28 = arith.constant 125 : i32
    %scan3A_29 = arith.addi %scan3A_27, %scan3A_28 : i32
    %scan3A_30 = arith.constant 1 : i32
    %scan3A_31 = scf.for %scan3A_476 = %scan3A_27 to %scan3A_29 step %scan3A_30 iter_args(%scan3A_477 = %scan3A_26) -> (i32)  : i32 {
      %mul3A_478 = arith.constant 256 : i32
      %mul3A_479 = arith.muli %scan3A_476, %mul3A_478 : i32
      %add3A_480 = vector.broadcast %mul3A_479 : i32 to vector<16xi32>
      %add3A_481 = arith.addi %add3A_480, %iota3A : vector<16xi32>
      %add3A_482 = arith.constant 0 : i32
      %add3A_483 = vector.broadcast %add3A_482 : i32 to vector<16xi32>
      %add3A_484 = arith.addi %add3A_481, %add3A_483 : vector<16xi32>
      %jit3A = arith.constant 1000 : i32
      %div3A = vector.broadcast %jit3A : i32 to vector<16xi32>
      %div3A_485 = arith.divsi %add3A_484, %div3A : vector<16xi32>
      %sign3A = arith.constant 0 : i32
      %sign3A_486 = vector.broadcast %sign3A : i32 to vector<16xi32>
      %sign3A_487 = arith.cmpi sgt, %add3A_484, %sign3A_486 : vector<16xi32>
      %sign3A_488 = arith.extui %sign3A_487 : vector<16xi1> to vector<16xi32>
      %sign3A_489 = arith.constant 0 : i32
      %sign3A_490 = vector.broadcast %sign3A_489 : i32 to vector<16xi32>
      %sign3A_491 = arith.cmpi slt, %add3A_484, %sign3A_490 : vector<16xi32>
      %sign3A_492 = arith.extui %sign3A_491 : vector<16xi1> to vector<16xi32>
      %sign3A_493 = arith.subi %sign3A_488, %sign3A_492 : vector<16xi32>
      %sign3A_494 = arith.constant 0 : i32
      %sign3A_495 = arith.cmpi sgt, %jit3A, %sign3A_494 : i32
      %sign3A_496 = arith.extui %sign3A_495 : i1 to i32
      %sign3A_497 = arith.constant 0 : i32
      %sign3A_498 = arith.cmpi slt, %jit3A, %sign3A_497 : i32
      %sign3A_499 = arith.extui %sign3A_498 : i1 to i32
      %sign3A_500 = arith.subi %sign3A_496, %sign3A_499 : i32
      %ne3A = vector.broadcast %sign3A_500 : i32 to vector<16xi32>
      %ne3A_501 = arith.cmpi ne, %sign3A_493, %ne3A : vector<16xi32>
      %rem3A = vector.broadcast %jit3A : i32 to vector<16xi32>
      %rem3A_502 = arith.remsi %add3A_484, %rem3A : vector<16xi32>
      %ne3A_503 = arith.constant 0 : i32
      %ne3A_504 = vector.broadcast %ne3A_503 : i32 to vector<16xi32>
      %ne3A_505 = arith.cmpi ne, %rem3A_502, %ne3A_504 : vector<16xi32>
      %and3A = arith.andi %ne3A_501, %ne3A_505 : vector<16xi1>
      %sub3A = arith.constant 1 : i32
      %sub3A_506 = vector.broadcast %sub3A : i32 to vector<16xi32>
      %sub3A_507 = arith.subi %div3A_485, %sub3A_506 : vector<16xi32>
      %select_n3A = arith.select %and3A, %sub3A_507, %div3A_485 : vector<16xi1>, vector<16xi32>
      %jit3A_508 = arith.constant 1000 : i32
      %eq3A = arith.constant 0 : i32
      %eq3A_509 = arith.cmpi eq, %jit3A_508, %eq3A : i32
      %jit3A_510 = arith.constant 1 : i32
      %select_n3A_511 = arith.select %eq3A_509, %jit3A_510, %jit3A_508 : i32
      %rem3A_512 = vector.broadcast %select_n3A_511 : i32 to vector<16xi32>
      %rem3A_513 = arith.remsi %add3A_484, %rem3A_512 : vector<16xi32>
      %ne3A_514 = arith.constant 0 : i32
      %ne3A_515 = vector.broadcast %ne3A_514 : i32 to vector<16xi32>
      %ne3A_516 = arith.cmpi ne, %rem3A_513, %ne3A_515 : vector<16xi32>
      %lt3A = arith.constant 0 : i32
      %lt3A_517 = vector.broadcast %lt3A : i32 to vector<16xi32>
      %lt3A_518 = arith.cmpi slt, %rem3A_513, %lt3A_517 : vector<16xi32>
      %lt3A_519 = arith.constant 0 : i32
      %lt3A_520 = arith.cmpi slt, %select_n3A_511, %lt3A_519 : i32
      %ne3A_521 = vector.broadcast %lt3A_520 : i1 to vector<16xi1>
      %ne3A_522 = vector.broadcast %ne3A_521 : vector<16xi1> to vector<16xi1>
      %ne3A_523 = arith.xori %lt3A_518, %ne3A_522 : vector<16xi1>
      %and3A_524 = arith.andi %ne3A_523, %ne3A_516 : vector<16xi1>
      %add3A_525 = vector.broadcast %select_n3A_511 : i32 to vector<16xi32>
      %add3A_526 = arith.addi %rem3A_513, %add3A_525 : vector<16xi32>
      %select_n3A_527 = arith.select %and3A_524, %add3A_526, %rem3A_513 : vector<16xi1>, vector<16xi32>
      tpu.vector_store_idx %arg6[%select_n3A, %select_n3A_527], %broadcast_in_dim3A_5 : memref<32x1000xi32, #tpu.memory_space<vmem>>[vector<16xi32>, vector<16xi32>], vector<16xi32>,
      %add3A_528 = arith.constant 16 : i32
      %add3A_529 = vector.broadcast %add3A_528 : i32 to vector<16xi32>
      %add3A_530 = arith.addi %add3A_481, %add3A_529 : vector<16xi32>
      %jit3A_531 = arith.constant 1000 : i32
      %div3A_532 = vector.broadcast %jit3A_531 : i32 to vector<16xi32>
      %div3A_533 = arith.divsi %add3A_530, %div3A_532 : vector<16xi32>
      %sign3A_534 = arith.constant 0 : i32
      %sign3A_535 = vector.broadcast %sign3A_534 : i32 to vector<16xi32>
      %sign3A_536 = arith.cmpi sgt, %add3A_530, %sign3A_535 : vector<16xi32>
      %sign3A_537 = arith.extui %sign3A_536 : vector<16xi1> to vector<16xi32>
      %sign3A_538 = arith.constant 0 : i32
      %sign3A_539 = vector.broadcast %sign3A_538 : i32 to vector<16xi32>
      %sign3A_540 = arith.cmpi slt, %add3A_530, %sign3A_539 : vector<16xi32>
      %sign3A_541 = arith.extui %sign3A_540 : vector<16xi1> to vector<16xi32>
      %sign3A_542 = arith.subi %sign3A_537, %sign3A_541 : vector<16xi32>
      %sign3A_543 = arith.constant 0 : i32
      %sign3A_544 = arith.cmpi sgt, %jit3A_531, %sign3A_543 : i32
      %sign3A_545 = arith.extui %sign3A_544 : i1 to i32
      %sign3A_546 = arith.constant 0 : i32
      %sign3A_547 = arith.cmpi slt, %jit3A_531, %sign3A_546 : i32
      %sign3A_548 = arith.extui %sign3A_547 : i1 to i32
      %sign3A_549 = arith.subi %sign3A_545, %sign3A_548 : i32
      %ne3A_550 = vector.broadcast %sign3A_549 : i32 to vector<16xi32>
      %ne3A_551 = arith.cmpi ne, %sign3A_542, %ne3A_550 : vector<16xi32>
      %rem3A_552 = vector.broadcast %jit3A_531 : i32 to vector<16xi32>
      %rem3A_553 = arith.remsi %add3A_530, %rem3A_552 : vector<16xi32>
      %ne3A_554 = arith.constant 0 : i32
      %ne3A_555 = vector.broadcast %ne3A_554 : i32 to vector<16xi32>
      %ne3A_556 = arith.cmpi ne, %rem3A_553, %ne3A_555 : vector<16xi32>
      %and3A_557 = arith.andi %ne3A_551, %ne3A_556 : vector<16xi1>
      %sub3A_558 = arith.constant 1 : i32
      %sub3A_559 = vector.broadcast %sub3A_558 : i32 to vector<16xi32>
      %sub3A_560 = arith.subi %div3A_533, %sub3A_559 : vector<16xi32>
      %select_n3A_561 = arith.select %and3A_557, %sub3A_560, %div3A_533 : vector<16xi1>, vector<16xi32>
      %jit3A_562 = arith.constant 1000 : i32
      %eq3A_563 = arith.constant 0 : i32
      %eq3A_564 = arith.cmpi eq, %jit3A_562, %eq3A_563 : i32
      %jit3A_565 = arith.constant 1 : i32
      %select_n3A_566 = arith.select %eq3A_564, %jit3A_565, %jit3A_562 : i32
      %rem3A_567 = vector.broadcast %select_n3A_566 : i32 to vector<16xi32>
      %rem3A_568 = arith.remsi %add3A_530, %rem3A_567 : vector<16xi32>
      %ne3A_569 = arith.constant 0 : i32
      %ne3A_570 = vector.broadcast %ne3A_569 : i32 to vector<16xi32>
      %ne3A_571 = arith.cmpi ne, %rem3A_568, %ne3A_570 : vector<16xi32>
      %lt3A_572 = arith.constant 0 : i32
      %lt3A_573 = vector.broadcast %lt3A_572 : i32 to vector<16xi32>
      %lt3A_574 = arith.cmpi slt, %rem3A_568, %lt3A_573 : vector<16xi32>
      %lt3A_575 = arith.constant 0 : i32
      %lt3A_576 = arith.cmpi slt, %select_n3A_566, %lt3A_575 : i32
      %ne3A_577 = vector.broadcast %lt3A_576 : i1 to vector<16xi1>
      %ne3A_578 = vector.broadcast %ne3A_577 : vector<16xi1> to vector<16xi1>
      %ne3A_579 = arith.xori %lt3A_574, %ne3A_578 : vector<16xi1>
      %and3A_580 = arith.andi %ne3A_579, %ne3A_571 : vector<16xi1>
      %add3A_581 = vector.broadcast %select_n3A_566 : i32 to vector<16xi32>
      %add3A_582 = arith.addi %rem3A_568, %add3A_581 : vector<16xi32>
      %select_n3A_583 = arith.select %and3A_580, %add3A_582, %rem3A_568 : vector<16xi1>, vector<16xi32>
      tpu.vector_store_idx %arg6[%select_n3A_561, %select_n3A_583], %broadcast_in_dim3A_5 : memref<32x1000xi32, #tpu.memory_space<vmem>>[vector<16xi32>, vector<16xi32>], vector<16xi32>,
      %add3A_584 = arith.constant 32 : i32
      %add3A_585 = vector.broadcast %add3A_584 : i32 to vector<16xi32>
      %add3A_586 = arith.addi %add3A_481, %add3A_585 : vector<16xi32>
      %jit3A_587 = arith.constant 1000 : i32
      %div3A_588 = vector.broadcast %jit3A_587 : i32 to vector<16xi32>
      %div3A_589 = arith.divsi %add3A_586, %div3A_588 : vector<16xi32>
      %sign3A_590 = arith.constant 0 : i32
      %sign3A_591 = vector.broadcast %sign3A_590 : i32 to vector<16xi32>
      %sign3A_592 = arith.cmpi sgt, %add3A_586, %sign3A_591 : vector<16xi32>
      %sign3A_593 = arith.extui %sign3A_592 : vector<16xi1> to vector<16xi32>
      %sign3A_594 = arith.constant 0 : i32
      %sign3A_595 = vector.broadcast %sign3A_594 : i32 to vector<16xi32>
      %sign3A_596 = arith.cmpi slt, %add3A_586, %sign3A_595 : vector<16xi32>
      %sign3A_597 = arith.extui %sign3A_596 : vector<16xi1> to vector<16xi32>
      %sign3A_598 = arith.subi %sign3A_593, %sign3A_597 : vector<16xi32>
      %sign3A_599 = arith.constant 0 : i32
      %sign3A_600 = arith.cmpi sgt, %jit3A_587, %sign3A_599 : i32
      %sign3A_601 = arith.extui %sign3A_600 : i1 to i32
      %sign3A_602 = arith.constant 0 : i32
      %sign3A_603 = arith.cmpi slt, %jit3A_587, %sign3A_602 : i32
      %sign3A_604 = arith.extui %sign3A_603 : i1 to i32
      %sign3A_605 = arith.subi %sign3A_601, %sign3A_604 : i32
      %ne3A_606 = vector.broadcast %sign3A_605 : i32 to vector<16xi32>
      %ne3A_607 = arith.cmpi ne, %sign3A_598, %ne3A_606 : vector<16xi32>
      %rem3A_608 = vector.broadcast %jit3A_587 : i32 to vector<16xi32>
      %rem3A_609 = arith.remsi %add3A_586, %rem3A_608 : vector<16xi32>
      %ne3A_610 = arith.constant 0 : i32
      %ne3A_611 = vector.broadcast %ne3A_610 : i32 to vector<16xi32>
      %ne3A_612 = arith.cmpi ne, %rem3A_609, %ne3A_611 : vector<16xi32>
      %and3A_613 = arith.andi %ne3A_607, %ne3A_612 : vector<16xi1>
      %sub3A_614 = arith.constant 1 : i32
      %sub3A_615 = vector.broadcast %sub3A_614 : i32 to vector<16xi32>
      %sub3A_616 = arith.subi %div3A_589, %sub3A_615 : vector<16xi32>
      %select_n3A_617 = arith.select %and3A_613, %sub3A_616, %div3A_589 : vector<16xi1>, vector<16xi32>
      %jit3A_618 = arith.constant 1000 : i32
      %eq3A_619 = arith.constant 0 : i32
      %eq3A_620 = arith.cmpi eq, %jit3A_618, %eq3A_619 : i32
      %jit3A_621 = arith.constant 1 : i32
      %select_n3A_622 = arith.select %eq3A_620, %jit3A_621, %jit3A_618 : i32
      %rem3A_623 = vector.broadcast %select_n3A_622 : i32 to vector<16xi32>
      %rem3A_624 = arith.remsi %add3A_586, %rem3A_623 : vector<16xi32>
      %ne3A_625 = arith.constant 0 : i32
      %ne3A_626 = vector.broadcast %ne3A_625 : i32 to vector<16xi32>
      %ne3A_627 = arith.cmpi ne, %rem3A_624, %ne3A_626 : vector<16xi32>
      %lt3A_628 = arith.constant 0 : i32
      %lt3A_629 = vector.broadcast %lt3A_628 : i32 to vector<16xi32>
      %lt3A_630 = arith.cmpi slt, %rem3A_624, %lt3A_629 : vector<16xi32>
      %lt3A_631 = arith.constant 0 : i32
      %lt3A_632 = arith.cmpi slt, %select_n3A_622, %lt3A_631 : i32
      %ne3A_633 = vector.broadcast %lt3A_632 : i1 to vector<16xi1>
      %ne3A_634 = vector.broadcast %ne3A_633 : vector<16xi1> to vector<16xi1>
      %ne3A_635 = arith.xori %lt3A_630, %ne3A_634 : vector<16xi1>
      %and3A_636 = arith.andi %ne3A_635, %ne3A_627 : vector<16xi1>
      %add3A_637 = vector.broadcast %select_n3A_622 : i32 to vector<16xi32>
      %add3A_638 = arith.addi %rem3A_624, %add3A_637 : vector<16xi32>
      %select_n3A_639 = arith.select %and3A_636, %add3A_638, %rem3A_624 : vector<16xi1>, vector<16xi32>
      tpu.vector_store_idx %arg6[%select_n3A_617, %select_n3A_639], %broadcast_in_dim3A_5 : memref<32x1000xi32, #tpu.memory_space<vmem>>[vector<16xi32>, vector<16xi32>], vector<16xi32>,
      %add3A_640 = arith.constant 48 : i32
      %add3A_641 = vector.broadcast %add3A_640 : i32 to vector<16xi32>
      %add3A_642 = arith.addi %add3A_481, %add3A_641 : vector<16xi32>
      %jit3A_643 = arith.constant 1000 : i32
      %div3A_644 = vector.broadcast %jit3A_643 : i32 to vector<16xi32>
      %div3A_645 = arith.divsi %add3A_642, %div3A_644 : vector<16xi32>
      %sign3A_646 = arith.constant 0 : i32
      %sign3A_647 = vector.broadcast %sign3A_646 : i32 to vector<16xi32>
      %sign3A_648 = arith.cmpi sgt, %add3A_642, %sign3A_647 : vector<16xi32>
      %sign3A_649 = arith.extui %sign3A_648 : vector<16xi1> to vector<16xi32>
      %sign3A_650 = arith.constant 0 : i32
      %sign3A_651 = vector.broadcast %sign3A_650 : i32 to vector<16xi32>
      %sign3A_652 = arith.cmpi slt, %add3A_642, %sign3A_651 : vector<16xi32>
      %sign3A_653 = arith.extui %sign3A_652 : vector<16xi1> to vector<16xi32>
      %sign3A_654 = arith.subi %sign3A_649, %sign3A_653 : vector<16xi32>
      %sign3A_655 = arith.constant 0 : i32
      %sign3A_656 = arith.cmpi sgt, %jit3A_643, %sign3A_655 : i32
      %sign3A_657 = arith.extui %sign3A_656 : i1 to i32
      %sign3A_658 = arith.constant 0 : i32
      %sign3A_659 = arith.cmpi slt, %jit3A_643, %sign3A_658 : i32
      %sign3A_660 = arith.extui %sign3A_659 : i1 to i32
      %sign3A_661 = arith.subi %sign3A_657, %sign3A_660 : i32
      %ne3A_662 = vector.broadcast %sign3A_661 : i32 to vector<16xi32>
      %ne3A_663 = arith.cmpi ne, %sign3A_654, %ne3A_662 : vector<16xi32>
      %rem3A_664 = vector.broadcast %jit3A_643 : i32 to vector<16xi32>
      %rem3A_665 = arith.remsi %add3A_642, %rem3A_664 : vector<16xi32>
      %ne3A_666 = arith.constant 0 : i32
      %ne3A_667 = vector.broadcast %ne3A_666 : i32 to vector<16xi32>
      %ne3A_668 = arith.cmpi ne, %rem3A_665, %ne3A_667 : vector<16xi32>
      %and3A_669 = arith.andi %ne3A_663, %ne3A_668 : vector<16xi1>
      %sub3A_670 = arith.constant 1 : i32
      %sub3A_671 = vector.broadcast %sub3A_670 : i32 to vector<16xi32>
      %sub3A_672 = arith.subi %div3A_645, %sub3A_671 : vector<16xi32>
      %select_n3A_673 = arith.select %and3A_669, %sub3A_672, %div3A_645 : vector<16xi1>, vector<16xi32>
      %jit3A_674 = arith.constant 1000 : i32
      %eq3A_675 = arith.constant 0 : i32
      %eq3A_676 = arith.cmpi eq, %jit3A_674, %eq3A_675 : i32
      %jit3A_677 = arith.constant 1 : i32
      %select_n3A_678 = arith.select %eq3A_676, %jit3A_677, %jit3A_674 : i32
      %rem3A_679 = vector.broadcast %select_n3A_678 : i32 to vector<16xi32>
      %rem3A_680 = arith.remsi %add3A_642, %rem3A_679 : vector<16xi32>
      %ne3A_681 = arith.constant 0 : i32
      %ne3A_682 = vector.broadcast %ne3A_681 : i32 to vector<16xi32>
      %ne3A_683 = arith.cmpi ne, %rem3A_680, %ne3A_682 : vector<16xi32>
      %lt3A_684 = arith.constant 0 : i32
      %lt3A_685 = vector.broadcast %lt3A_684 : i32 to vector<16xi32>
      %lt3A_686 = arith.cmpi slt, %rem3A_680, %lt3A_685 : vector<16xi32>
      %lt3A_687 = arith.constant 0 : i32
      %lt3A_688 = arith.cmpi slt, %select_n3A_678, %lt3A_687 : i32
      %ne3A_689 = vector.broadcast %lt3A_688 : i1 to vector<16xi1>
      %ne3A_690 = vector.broadcast %ne3A_689 : vector<16xi1> to vector<16xi1>
      %ne3A_691 = arith.xori %lt3A_686, %ne3A_690 : vector<16xi1>
      %and3A_692 = arith.andi %ne3A_691, %ne3A_683 : vector<16xi1>
      %add3A_693 = vector.broadcast %select_n3A_678 : i32 to vector<16xi32>
      %add3A_694 = arith.addi %rem3A_680, %add3A_693 : vector<16xi32>
      %select_n3A_695 = arith.select %and3A_692, %add3A_694, %rem3A_680 : vector<16xi1>, vector<16xi32>
      tpu.vector_store_idx %arg6[%select_n3A_673, %select_n3A_695], %broadcast_in_dim3A_5 : memref<32x1000xi32, #tpu.memory_space<vmem>>[vector<16xi32>, vector<16xi32>], vector<16xi32>,
      %add3A_696 = arith.constant 64 : i32
      %add3A_697 = vector.broadcast %add3A_696 : i32 to vector<16xi32>
      %add3A_698 = arith.addi %add3A_481, %add3A_697 : vector<16xi32>
      %jit3A_699 = arith.constant 1000 : i32
      %div3A_700 = vector.broadcast %jit3A_699 : i32 to vector<16xi32>
      %div3A_701 = arith.divsi %add3A_698, %div3A_700 : vector<16xi32>
      %sign3A_702 = arith.constant 0 : i32
      %sign3A_703 = vector.broadcast %sign3A_702 : i32 to vector<16xi32>
      %sign3A_704 = arith.cmpi sgt, %add3A_698, %sign3A_703 : vector<16xi32>
      %sign3A_705 = arith.extui %sign3A_704 : vector<16xi1> to vector<16xi32>
      %sign3A_706 = arith.constant 0 : i32
      %sign3A_707 = vector.broadcast %sign3A_706 : i32 to vector<16xi32>
      %sign3A_708 = arith.cmpi slt, %add3A_698, %sign3A_707 : vector<16xi32>
      %sign3A_709 = arith.extui %sign3A_708 : vector<16xi1> to vector<16xi32>
      %sign3A_710 = arith.subi %sign3A_705, %sign3A_709 : vector<16xi32>
      %sign3A_711 = arith.constant 0 : i32
      %sign3A_712 = arith.cmpi sgt, %jit3A_699, %sign3A_711 : i32
      %sign3A_713 = arith.extui %sign3A_712 : i1 to i32
      %sign3A_714 = arith.constant 0 : i32
      %sign3A_715 = arith.cmpi slt, %jit3A_699, %sign3A_714 : i32
      %sign3A_716 = arith.extui %sign3A_715 : i1 to i32
      %sign3A_717 = arith.subi %sign3A_713, %sign3A_716 : i32
      %ne3A_718 = vector.broadcast %sign3A_717 : i32 to vector<16xi32>
      %ne3A_719 = arith.cmpi ne, %sign3A_710, %ne3A_718 : vector<16xi32>
      %rem3A_720 = vector.broadcast %jit3A_699 : i32 to vector<16xi32>
      %rem3A_721 = arith.remsi %add3A_698, %rem3A_720 : vector<16xi32>
      %ne3A_722 = arith.constant 0 : i32
      %ne3A_723 = vector.broadcast %ne3A_722 : i32 to vector<16xi32>
      %ne3A_724 = arith.cmpi ne, %rem3A_721, %ne3A_723 : vector<16xi32>
      %and3A_725 = arith.andi %ne3A_719, %ne3A_724 : vector<16xi1>
      %sub3A_726 = arith.constant 1 : i32
      %sub3A_727 = vector.broadcast %sub3A_726 : i32 to vector<16xi32>
      %sub3A_728 = arith.subi %div3A_701, %sub3A_727 : vector<16xi32>
      %select_n3A_729 = arith.select %and3A_725, %sub3A_728, %div3A_701 : vector<16xi1>, vector<16xi32>
      %jit3A_730 = arith.constant 1000 : i32
      %eq3A_731 = arith.constant 0 : i32
      %eq3A_732 = arith.cmpi eq, %jit3A_730, %eq3A_731 : i32
      %jit3A_733 = arith.constant 1 : i32
      %select_n3A_734 = arith.select %eq3A_732, %jit3A_733, %jit3A_730 : i32
      %rem3A_735 = vector.broadcast %select_n3A_734 : i32 to vector<16xi32>
      %rem3A_736 = arith.remsi %add3A_698, %rem3A_735 : vector<16xi32>
      %ne3A_737 = arith.constant 0 : i32
      %ne3A_738 = vector.broadcast %ne3A_737 : i32 to vector<16xi32>
      %ne3A_739 = arith.cmpi ne, %rem3A_736, %ne3A_738 : vector<16xi32>
      %lt3A_740 = arith.constant 0 : i32
      %lt3A_741 = vector.broadcast %lt3A_740 : i32 to vector<16xi32>
      %lt3A_742 = arith.cmpi slt, %rem3A_736, %lt3A_741 : vector<16xi32>
      %lt3A_743 = arith.constant 0 : i32
      %lt3A_744 = arith.cmpi slt, %select_n3A_734, %lt3A_743 : i32
      %ne3A_745 = vector.broadcast %lt3A_744 : i1 to vector<16xi1>
      %ne3A_746 = vector.broadcast %ne3A_745 : vector<16xi1> to vector<16xi1>
      %ne3A_747 = arith.xori %lt3A_742, %ne3A_746 : vector<16xi1>
      %and3A_748 = arith.andi %ne3A_747, %ne3A_739 : vector<16xi1>
      %add3A_749 = vector.broadcast %select_n3A_734 : i32 to vector<16xi32>
      %add3A_750 = arith.addi %rem3A_736, %add3A_749 : vector<16xi32>
      %select_n3A_751 = arith.select %and3A_748, %add3A_750, %rem3A_736 : vector<16xi1>, vector<16xi32>
      tpu.vector_store_idx %arg6[%select_n3A_729, %select_n3A_751], %broadcast_in_dim3A_5 : memref<32x1000xi32, #tpu.memory_space<vmem>>[vector<16xi32>, vector<16xi32>], vector<16xi32>,
      %add3A_752 = arith.constant 80 : i32
      %add3A_753 = vector.broadcast %add3A_752 : i32 to vector<16xi32>
      %add3A_754 = arith.addi %add3A_481, %add3A_753 : vector<16xi32>
      %jit3A_755 = arith.constant 1000 : i32
      %div3A_756 = vector.broadcast %jit3A_755 : i32 to vector<16xi32>
      %div3A_757 = arith.divsi %add3A_754, %div3A_756 : vector<16xi32>
      %sign3A_758 = arith.constant 0 : i32
      %sign3A_759 = vector.broadcast %sign3A_758 : i32 to vector<16xi32>
      %sign3A_760 = arith.cmpi sgt, %add3A_754, %sign3A_759 : vector<16xi32>
      %sign3A_761 = arith.extui %sign3A_760 : vector<16xi1> to vector<16xi32>
      %sign3A_762 = arith.constant 0 : i32
      %sign3A_763 = vector.broadcast %sign3A_762 : i32 to vector<16xi32>
      %sign3A_764 = arith.cmpi slt, %add3A_754, %sign3A_763 : vector<16xi32>
      %sign3A_765 = arith.extui %sign3A_764 : vector<16xi1> to vector<16xi32>
      %sign3A_766 = arith.subi %sign3A_761, %sign3A_765 : vector<16xi32>
      %sign3A_767 = arith.constant 0 : i32
      %sign3A_768 = arith.cmpi sgt, %jit3A_755, %sign3A_767 : i32
      %sign3A_769 = arith.extui %sign3A_768 : i1 to i32
      %sign3A_770 = arith.constant 0 : i32
      %sign3A_771 = arith.cmpi slt, %jit3A_755, %sign3A_770 : i32
      %sign3A_772 = arith.extui %sign3A_771 : i1 to i32
      %sign3A_773 = arith.subi %sign3A_769, %sign3A_772 : i32
      %ne3A_774 = vector.broadcast %sign3A_773 : i32 to vector<16xi32>
      %ne3A_775 = arith.cmpi ne, %sign3A_766, %ne3A_774 : vector<16xi32>
      %rem3A_776 = vector.broadcast %jit3A_755 : i32 to vector<16xi32>
      %rem3A_777 = arith.remsi %add3A_754, %rem3A_776 : vector<16xi32>
      %ne3A_778 = arith.constant 0 : i32
      %ne3A_779 = vector.broadcast %ne3A_778 : i32 to vector<16xi32>
      %ne3A_780 = arith.cmpi ne, %rem3A_777, %ne3A_779 : vector<16xi32>
      %and3A_781 = arith.andi %ne3A_775, %ne3A_780 : vector<16xi1>
      %sub3A_782 = arith.constant 1 : i32
      %sub3A_783 = vector.broadcast %sub3A_782 : i32 to vector<16xi32>
      %sub3A_784 = arith.subi %div3A_757, %sub3A_783 : vector<16xi32>
      %select_n3A_785 = arith.select %and3A_781, %sub3A_784, %div3A_757 : vector<16xi1>, vector<16xi32>
      %jit3A_786 = arith.constant 1000 : i32
      %eq3A_787 = arith.constant 0 : i32
      %eq3A_788 = arith.cmpi eq, %jit3A_786, %eq3A_787 : i32
      %jit3A_789 = arith.constant 1 : i32
      %select_n3A_790 = arith.select %eq3A_788, %jit3A_789, %jit3A_786 : i32
      %rem3A_791 = vector.broadcast %select_n3A_790 : i32 to vector<16xi32>
      %rem3A_792 = arith.remsi %add3A_754, %rem3A_791 : vector<16xi32>
      %ne3A_793 = arith.constant 0 : i32
      %ne3A_794 = vector.broadcast %ne3A_793 : i32 to vector<16xi32>
      %ne3A_795 = arith.cmpi ne, %rem3A_792, %ne3A_794 : vector<16xi32>
      %lt3A_796 = arith.constant 0 : i32
      %lt3A_797 = vector.broadcast %lt3A_796 : i32 to vector<16xi32>
      %lt3A_798 = arith.cmpi slt, %rem3A_792, %lt3A_797 : vector<16xi32>
      %lt3A_799 = arith.constant 0 : i32
      %lt3A_800 = arith.cmpi slt, %select_n3A_790, %lt3A_799 : i32
      %ne3A_801 = vector.broadcast %lt3A_800 : i1 to vector<16xi1>
      %ne3A_802 = vector.broadcast %ne3A_801 : vector<16xi1> to vector<16xi1>
      %ne3A_803 = arith.xori %lt3A_798, %ne3A_802 : vector<16xi1>
      %and3A_804 = arith.andi %ne3A_803, %ne3A_795 : vector<16xi1>
      %add3A_805 = vector.broadcast %select_n3A_790 : i32 to vector<16xi32>
      %add3A_806 = arith.addi %rem3A_792, %add3A_805 : vector<16xi32>
      %select_n3A_807 = arith.select %and3A_804, %add3A_806, %rem3A_792 : vector<16xi1>, vector<16xi32>
      tpu.vector_store_idx %arg6[%select_n3A_785, %select_n3A_807], %broadcast_in_dim3A_5 : memref<32x1000xi32, #tpu.memory_space<vmem>>[vector<16xi32>, vector<16xi32>], vector<16xi32>,
      %add3A_808 = arith.constant 96 : i32
      %add3A_809 = vector.broadcast %add3A_808 : i32 to vector<16xi32>
      %add3A_810 = arith.addi %add3A_481, %add3A_809 : vector<16xi32>
      %jit3A_811 = arith.constant 1000 : i32
      %div3A_812 = vector.broadcast %jit3A_811 : i32 to vector<16xi32>
      %div3A_813 = arith.divsi %add3A_810, %div3A_812 : vector<16xi32>
      %sign3A_814 = arith.constant 0 : i32
      %sign3A_815 = vector.broadcast %sign3A_814 : i32 to vector<16xi32>
      %sign3A_816 = arith.cmpi sgt, %add3A_810, %sign3A_815 : vector<16xi32>
      %sign3A_817 = arith.extui %sign3A_816 : vector<16xi1> to vector<16xi32>
      %sign3A_818 = arith.constant 0 : i32
      %sign3A_819 = vector.broadcast %sign3A_818 : i32 to vector<16xi32>
      %sign3A_820 = arith.cmpi slt, %add3A_810, %sign3A_819 : vector<16xi32>
      %sign3A_821 = arith.extui %sign3A_820 : vector<16xi1> to vector<16xi32>
      %sign3A_822 = arith.subi %sign3A_817, %sign3A_821 : vector<16xi32>
      %sign3A_823 = arith.constant 0 : i32
      %sign3A_824 = arith.cmpi sgt, %jit3A_811, %sign3A_823 : i32
      %sign3A_825 = arith.extui %sign3A_824 : i1 to i32
      %sign3A_826 = arith.constant 0 : i32
      %sign3A_827 = arith.cmpi slt, %jit3A_811, %sign3A_826 : i32
      %sign3A_828 = arith.extui %sign3A_827 : i1 to i32
      %sign3A_829 = arith.subi %sign3A_825, %sign3A_828 : i32
      %ne3A_830 = vector.broadcast %sign3A_829 : i32 to vector<16xi32>
      %ne3A_831 = arith.cmpi ne, %sign3A_822, %ne3A_830 : vector<16xi32>
      %rem3A_832 = vector.broadcast %jit3A_811 : i32 to vector<16xi32>
      %rem3A_833 = arith.remsi %add3A_810, %rem3A_832 : vector<16xi32>
      %ne3A_834 = arith.constant 0 : i32
      %ne3A_835 = vector.broadcast %ne3A_834 : i32 to vector<16xi32>
      %ne3A_836 = arith.cmpi ne, %rem3A_833, %ne3A_835 : vector<16xi32>
      %and3A_837 = arith.andi %ne3A_831, %ne3A_836 : vector<16xi1>
      %sub3A_838 = arith.constant 1 : i32
      %sub3A_839 = vector.broadcast %sub3A_838 : i32 to vector<16xi32>
      %sub3A_840 = arith.subi %div3A_813, %sub3A_839 : vector<16xi32>
      %select_n3A_841 = arith.select %and3A_837, %sub3A_840, %div3A_813 : vector<16xi1>, vector<16xi32>
      %jit3A_842 = arith.constant 1000 : i32
      %eq3A_843 = arith.constant 0 : i32
      %eq3A_844 = arith.cmpi eq, %jit3A_842, %eq3A_843 : i32
      %jit3A_845 = arith.constant 1 : i32
      %select_n3A_846 = arith.select %eq3A_844, %jit3A_845, %jit3A_842 : i32
      %rem3A_847 = vector.broadcast %select_n3A_846 : i32 to vector<16xi32>
      %rem3A_848 = arith.remsi %add3A_810, %rem3A_847 : vector<16xi32>
      %ne3A_849 = arith.constant 0 : i32
      %ne3A_850 = vector.broadcast %ne3A_849 : i32 to vector<16xi32>
      %ne3A_851 = arith.cmpi ne, %rem3A_848, %ne3A_850 : vector<16xi32>
      %lt3A_852 = arith.constant 0 : i32
      %lt3A_853 = vector.broadcast %lt3A_852 : i32 to vector<16xi32>
      %lt3A_854 = arith.cmpi slt, %rem3A_848, %lt3A_853 : vector<16xi32>
      %lt3A_855 = arith.constant 0 : i32
      %lt3A_856 = arith.cmpi slt, %select_n3A_846, %lt3A_855 : i32
      %ne3A_857 = vector.broadcast %lt3A_856 : i1 to vector<16xi1>
      %ne3A_858 = vector.broadcast %ne3A_857 : vector<16xi1> to vector<16xi1>
      %ne3A_859 = arith.xori %lt3A_854, %ne3A_858 : vector<16xi1>
      %and3A_860 = arith.andi %ne3A_859, %ne3A_851 : vector<16xi1>
      %add3A_861 = vector.broadcast %select_n3A_846 : i32 to vector<16xi32>
      %add3A_862 = arith.addi %rem3A_848, %add3A_861 : vector<16xi32>
      %select_n3A_863 = arith.select %and3A_860, %add3A_862, %rem3A_848 : vector<16xi1>, vector<16xi32>
      tpu.vector_store_idx %arg6[%select_n3A_841, %select_n3A_863], %broadcast_in_dim3A_5 : memref<32x1000xi32, #tpu.memory_space<vmem>>[vector<16xi32>, vector<16xi32>], vector<16xi32>,
      %add3A_864 = arith.constant 112 : i32
      %add3A_865 = vector.broadcast %add3A_864 : i32 to vector<16xi32>
      %add3A_866 = arith.addi %add3A_481, %add3A_865 : vector<16xi32>
      %jit3A_867 = arith.constant 1000 : i32
      %div3A_868 = vector.broadcast %jit3A_867 : i32 to vector<16xi32>
      %div3A_869 = arith.divsi %add3A_866, %div3A_868 : vector<16xi32>
      %sign3A_870 = arith.constant 0 : i32
      %sign3A_871 = vector.broadcast %sign3A_870 : i32 to vector<16xi32>
      %sign3A_872 = arith.cmpi sgt, %add3A_866, %sign3A_871 : vector<16xi32>
      %sign3A_873 = arith.extui %sign3A_872 : vector<16xi1> to vector<16xi32>
      %sign3A_874 = arith.constant 0 : i32
      %sign3A_875 = vector.broadcast %sign3A_874 : i32 to vector<16xi32>
      %sign3A_876 = arith.cmpi slt, %add3A_866, %sign3A_875 : vector<16xi32>
      %sign3A_877 = arith.extui %sign3A_876 : vector<16xi1> to vector<16xi32>
      %sign3A_878 = arith.subi %sign3A_873, %sign3A_877 : vector<16xi32>
      %sign3A_879 = arith.constant 0 : i32
      %sign3A_880 = arith.cmpi sgt, %jit3A_867, %sign3A_879 : i32
      %sign3A_881 = arith.extui %sign3A_880 : i1 to i32
      %sign3A_882 = arith.constant 0 : i32
      %sign3A_883 = arith.cmpi slt, %jit3A_867, %sign3A_882 : i32
      %sign3A_884 = arith.extui %sign3A_883 : i1 to i32
      %sign3A_885 = arith.subi %sign3A_881, %sign3A_884 : i32
      %ne3A_886 = vector.broadcast %sign3A_885 : i32 to vector<16xi32>
      %ne3A_887 = arith.cmpi ne, %sign3A_878, %ne3A_886 : vector<16xi32>
      %rem3A_888 = vector.broadcast %jit3A_867 : i32 to vector<16xi32>
      %rem3A_889 = arith.remsi %add3A_866, %rem3A_888 : vector<16xi32>
      %ne3A_890 = arith.constant 0 : i32
      %ne3A_891 = vector.broadcast %ne3A_890 : i32 to vector<16xi32>
      %ne3A_892 = arith.cmpi ne, %rem3A_889, %ne3A_891 : vector<16xi32>
      %and3A_893 = arith.andi %ne3A_887, %ne3A_892 : vector<16xi1>
      %sub3A_894 = arith.constant 1 : i32
      %sub3A_895 = vector.broadcast %sub3A_894 : i32 to vector<16xi32>
      %sub3A_896 = arith.subi %div3A_869, %sub3A_895 : vector<16xi32>
      %select_n3A_897 = arith.select %and3A_893, %sub3A_896, %div3A_869 : vector<16xi1>, vector<16xi32>
      %jit3A_898 = arith.constant 1000 : i32
      %eq3A_899 = arith.constant 0 : i32
      %eq3A_900 = arith.cmpi eq, %jit3A_898, %eq3A_899 : i32
      %jit3A_901 = arith.constant 1 : i32
      %select_n3A_902 = arith.select %eq3A_900, %jit3A_901, %jit3A_898 : i32
      %rem3A_903 = vector.broadcast %select_n3A_902 : i32 to vector<16xi32>
      %rem3A_904 = arith.remsi %add3A_866, %rem3A_903 : vector<16xi32>
      %ne3A_905 = arith.constant 0 : i32
      %ne3A_906 = vector.broadcast %ne3A_905 : i32 to vector<16xi32>
      %ne3A_907 = arith.cmpi ne, %rem3A_904, %ne3A_906 : vector<16xi32>
      %lt3A_908 = arith.constant 0 : i32
      %lt3A_909 = vector.broadcast %lt3A_908 : i32 to vector<16xi32>
      %lt3A_910 = arith.cmpi slt, %rem3A_904, %lt3A_909 : vector<16xi32>
      %lt3A_911 = arith.constant 0 : i32
      %lt3A_912 = arith.cmpi slt, %select_n3A_902, %lt3A_911 : i32
      %ne3A_913 = vector.broadcast %lt3A_912 : i1 to vector<16xi1>
      %ne3A_914 = vector.broadcast %ne3A_913 : vector<16xi1> to vector<16xi1>
      %ne3A_915 = arith.xori %lt3A_910, %ne3A_914 : vector<16xi1>
      %and3A_916 = arith.andi %ne3A_915, %ne3A_907 : vector<16xi1>
      %add3A_917 = vector.broadcast %select_n3A_902 : i32 to vector<16xi32>
      %add3A_918 = arith.addi %rem3A_904, %add3A_917 : vector<16xi32>
      %select_n3A_919 = arith.select %and3A_916, %add3A_918, %rem3A_904 : vector<16xi1>, vector<16xi32>
      tpu.vector_store_idx %arg6[%select_n3A_897, %select_n3A_919], %broadcast_in_dim3A_5 : memref<32x1000xi32, #tpu.memory_space<vmem>>[vector<16xi32>, vector<16xi32>], vector<16xi32>,
      %add3A_920 = arith.constant 128 : i32
      %add3A_921 = vector.broadcast %add3A_920 : i32 to vector<16xi32>
      %add3A_922 = arith.addi %add3A_481, %add3A_921 : vector<16xi32>
      %jit3A_923 = arith.constant 1000 : i32
      %div3A_924 = vector.broadcast %jit3A_923 : i32 to vector<16xi32>
      %div3A_925 = arith.divsi %add3A_922, %div3A_924 : vector<16xi32>
      %sign3A_926 = arith.constant 0 : i32
      %sign3A_927 = vector.broadcast %sign3A_926 : i32 to vector<16xi32>
      %sign3A_928 = arith.cmpi sgt, %add3A_922, %sign3A_927 : vector<16xi32>
      %sign3A_929 = arith.extui %sign3A_928 : vector<16xi1> to vector<16xi32>
      %sign3A_930 = arith.constant 0 : i32
      %sign3A_931 = vector.broadcast %sign3A_930 : i32 to vector<16xi32>
      %sign3A_932 = arith.cmpi slt, %add3A_922, %sign3A_931 : vector<16xi32>
      %sign3A_933 = arith.extui %sign3A_932 : vector<16xi1> to vector<16xi32>
      %sign3A_934 = arith.subi %sign3A_929, %sign3A_933 : vector<16xi32>
      %sign3A_935 = arith.constant 0 : i32
      %sign3A_936 = arith.cmpi sgt, %jit3A_923, %sign3A_935 : i32
      %sign3A_937 = arith.extui %sign3A_936 : i1 to i32
      %sign3A_938 = arith.constant 0 : i32
      %sign3A_939 = arith.cmpi slt, %jit3A_923, %sign3A_938 : i32
      %sign3A_940 = arith.extui %sign3A_939 : i1 to i32
      %sign3A_941 = arith.subi %sign3A_937, %sign3A_940 : i32
      %ne3A_942 = vector.broadcast %sign3A_941 : i32 to vector<16xi32>
      %ne3A_943 = arith.cmpi ne, %sign3A_934, %ne3A_942 : vector<16xi32>
      %rem3A_944 = vector.broadcast %jit3A_923 : i32 to vector<16xi32>
      %rem3A_945 = arith.remsi %add3A_922, %rem3A_944 : vector<16xi32>
      %ne3A_946 = arith.constant 0 : i32
      %ne3A_947 = vector.broadcast %ne3A_946 : i32 to vector<16xi32>
      %ne3A_948 = arith.cmpi ne, %rem3A_945, %ne3A_947 : vector<16xi32>
      %and3A_949 = arith.andi %ne3A_943, %ne3A_948 : vector<16xi1>
      %sub3A_950 = arith.constant 1 : i32
      %sub3A_951 = vector.broadcast %sub3A_950 : i32 to vector<16xi32>
      %sub3A_952 = arith.subi %div3A_925, %sub3A_951 : vector<16xi32>
      %select_n3A_953 = arith.select %and3A_949, %sub3A_952, %div3A_925 : vector<16xi1>, vector<16xi32>
      %jit3A_954 = arith.constant 1000 : i32
      %eq3A_955 = arith.constant 0 : i32
      %eq3A_956 = arith.cmpi eq, %jit3A_954, %eq3A_955 : i32
      %jit3A_957 = arith.constant 1 : i32
      %select_n3A_958 = arith.select %eq3A_956, %jit3A_957, %jit3A_954 : i32
      %rem3A_959 = vector.broadcast %select_n3A_958 : i32 to vector<16xi32>
      %rem3A_960 = arith.remsi %add3A_922, %rem3A_959 : vector<16xi32>
      %ne3A_961 = arith.constant 0 : i32
      %ne3A_962 = vector.broadcast %ne3A_961 : i32 to vector<16xi32>
      %ne3A_963 = arith.cmpi ne, %rem3A_960, %ne3A_962 : vector<16xi32>
      %lt3A_964 = arith.constant 0 : i32
      %lt3A_965 = vector.broadcast %lt3A_964 : i32 to vector<16xi32>
      %lt3A_966 = arith.cmpi slt, %rem3A_960, %lt3A_965 : vector<16xi32>
      %lt3A_967 = arith.constant 0 : i32
      %lt3A_968 = arith.cmpi slt, %select_n3A_958, %lt3A_967 : i32
      %ne3A_969 = vector.broadcast %lt3A_968 : i1 to vector<16xi1>
      %ne3A_970 = vector.broadcast %ne3A_969 : vector<16xi1> to vector<16xi1>
      %ne3A_971 = arith.xori %lt3A_966, %ne3A_970 : vector<16xi1>
      %and3A_972 = arith.andi %ne3A_971, %ne3A_963 : vector<16xi1>
      %add3A_973 = vector.broadcast %select_n3A_958 : i32 to vector<16xi32>
      %add3A_974 = arith.addi %rem3A_960, %add3A_973 : vector<16xi32>
      %select_n3A_975 = arith.select %and3A_972, %add3A_974, %rem3A_960 : vector<16xi1>, vector<16xi32>
      tpu.vector_store_idx %arg6[%select_n3A_953, %select_n3A_975], %broadcast_in_dim3A_5 : memref<32x1000xi32, #tpu.memory_space<vmem>>[vector<16xi32>, vector<16xi32>], vector<16xi32>,
      %add3A_976 = arith.constant 144 : i32
      %add3A_977 = vector.broadcast %add3A_976 : i32 to vector<16xi32>
      %add3A_978 = arith.addi %add3A_481, %add3A_977 : vector<16xi32>
      %jit3A_979 = arith.constant 1000 : i32
      %div3A_980 = vector.broadcast %jit3A_979 : i32 to vector<16xi32>
      %div3A_981 = arith.divsi %add3A_978, %div3A_980 : vector<16xi32>
      %sign3A_982 = arith.constant 0 : i32
      %sign3A_983 = vector.broadcast %sign3A_982 : i32 to vector<16xi32>
      %sign3A_984 = arith.cmpi sgt, %add3A_978, %sign3A_983 : vector<16xi32>
      %sign3A_985 = arith.extui %sign3A_984 : vector<16xi1> to vector<16xi32>
      %sign3A_986 = arith.constant 0 : i32
      %sign3A_987 = vector.broadcast %sign3A_986 : i32 to vector<16xi32>
      %sign3A_988 = arith.cmpi slt, %add3A_978, %sign3A_987 : vector<16xi32>
      %sign3A_989 = arith.extui %sign3A_988 : vector<16xi1> to vector<16xi32>
      %sign3A_990 = arith.subi %sign3A_985, %sign3A_989 : vector<16xi32>
      %sign3A_991 = arith.constant 0 : i32
      %sign3A_992 = arith.cmpi sgt, %jit3A_979, %sign3A_991 : i32
      %sign3A_993 = arith.extui %sign3A_992 : i1 to i32
      %sign3A_994 = arith.constant 0 : i32
      %sign3A_995 = arith.cmpi slt, %jit3A_979, %sign3A_994 : i32
      %sign3A_996 = arith.extui %sign3A_995 : i1 to i32
      %sign3A_997 = arith.subi %sign3A_993, %sign3A_996 : i32
      %ne3A_998 = vector.broadcast %sign3A_997 : i32 to vector<16xi32>
      %ne3A_999 = arith.cmpi ne, %sign3A_990, %ne3A_998 : vector<16xi32>
      %rem3A_1000 = vector.broadcast %jit3A_979 : i32 to vector<16xi32>
      %rem3A_1001 = arith.remsi %add3A_978, %rem3A_1000 : vector<16xi32>
      %ne3A_1002 = arith.constant 0 : i32
      %ne3A_1003 = vector.broadcast %ne3A_1002 : i32 to vector<16xi32>
      %ne3A_1004 = arith.cmpi ne, %rem3A_1001, %ne3A_1003 : vector<16xi32>
      %and3A_1005 = arith.andi %ne3A_999, %ne3A_1004 : vector<16xi1>
      %sub3A_1006 = arith.constant 1 : i32
      %sub3A_1007 = vector.broadcast %sub3A_1006 : i32 to vector<16xi32>
      %sub3A_1008 = arith.subi %div3A_981, %sub3A_1007 : vector<16xi32>
      %select_n3A_1009 = arith.select %and3A_1005, %sub3A_1008, %div3A_981 : vector<16xi1>, vector<16xi32>
      %jit3A_1010 = arith.constant 1000 : i32
      %eq3A_1011 = arith.constant 0 : i32
      %eq3A_1012 = arith.cmpi eq, %jit3A_1010, %eq3A_1011 : i32
      %jit3A_1013 = arith.constant 1 : i32
      %select_n3A_1014 = arith.select %eq3A_1012, %jit3A_1013, %jit3A_1010 : i32
      %rem3A_1015 = vector.broadcast %select_n3A_1014 : i32 to vector<16xi32>
      %rem3A_1016 = arith.remsi %add3A_978, %rem3A_1015 : vector<16xi32>
      %ne3A_1017 = arith.constant 0 : i32
      %ne3A_1018 = vector.broadcast %ne3A_1017 : i32 to vector<16xi32>
      %ne3A_1019 = arith.cmpi ne, %rem3A_1016, %ne3A_1018 : vector<16xi32>
      %lt3A_1020 = arith.constant 0 : i32
      %lt3A_1021 = vector.broadcast %lt3A_1020 : i32 to vector<16xi32>
      %lt3A_1022 = arith.cmpi slt, %rem3A_1016, %lt3A_1021 : vector<16xi32>
      %lt3A_1023 = arith.constant 0 : i32
      %lt3A_1024 = arith.cmpi slt, %select_n3A_1014, %lt3A_1023 : i32
      %ne3A_1025 = vector.broadcast %lt3A_1024 : i1 to vector<16xi1>
      %ne3A_1026 = vector.broadcast %ne3A_1025 : vector<16xi1> to vector<16xi1>
      %ne3A_1027 = arith.xori %lt3A_1022, %ne3A_1026 : vector<16xi1>
      %and3A_1028 = arith.andi %ne3A_1027, %ne3A_1019 : vector<16xi1>
      %add3A_1029 = vector.broadcast %select_n3A_1014 : i32 to vector<16xi32>
      %add3A_1030 = arith.addi %rem3A_1016, %add3A_1029 : vector<16xi32>
      %select_n3A_1031 = arith.select %and3A_1028, %add3A_1030, %rem3A_1016 : vector<16xi1>, vector<16xi32>
      tpu.vector_store_idx %arg6[%select_n3A_1009, %select_n3A_1031], %broadcast_in_dim3A_5 : memref<32x1000xi32, #tpu.memory_space<vmem>>[vector<16xi32>, vector<16xi32>], vector<16xi32>,
      %add3A_1032 = arith.constant 160 : i32
      %add3A_1033 = vector.broadcast %add3A_1032 : i32 to vector<16xi32>
      %add3A_1034 = arith.addi %add3A_481, %add3A_1033 : vector<16xi32>
      %jit3A_1035 = arith.constant 1000 : i32
      %div3A_1036 = vector.broadcast %jit3A_1035 : i32 to vector<16xi32>
      %div3A_1037 = arith.divsi %add3A_1034, %div3A_1036 : vector<16xi32>
      %sign3A_1038 = arith.constant 0 : i32
      %sign3A_1039 = vector.broadcast %sign3A_1038 : i32 to vector<16xi32>
      %sign3A_1040 = arith.cmpi sgt, %add3A_1034, %sign3A_1039 : vector<16xi32>
      %sign3A_1041 = arith.extui %sign3A_1040 : vector<16xi1> to vector<16xi32>
      %sign3A_1042 = arith.constant 0 : i32
      %sign3A_1043 = vector.broadcast %sign3A_1042 : i32 to vector<16xi32>
      %sign3A_1044 = arith.cmpi slt, %add3A_1034, %sign3A_1043 : vector<16xi32>
      %sign3A_1045 = arith.extui %sign3A_1044 : vector<16xi1> to vector<16xi32>
      %sign3A_1046 = arith.subi %sign3A_1041, %sign3A_1045 : vector<16xi32>
      %sign3A_1047 = arith.constant 0 : i32
      %sign3A_1048 = arith.cmpi sgt, %jit3A_1035, %sign3A_1047 : i32
      %sign3A_1049 = arith.extui %sign3A_1048 : i1 to i32
      %sign3A_1050 = arith.constant 0 : i32
      %sign3A_1051 = arith.cmpi slt, %jit3A_1035, %sign3A_1050 : i32
      %sign3A_1052 = arith.extui %sign3A_1051 : i1 to i32
      %sign3A_1053 = arith.subi %sign3A_1049, %sign3A_1052 : i32
      %ne3A_1054 = vector.broadcast %sign3A_1053 : i32 to vector<16xi32>
      %ne3A_1055 = arith.cmpi ne, %sign3A_1046, %ne3A_1054 : vector<16xi32>
      %rem3A_1056 = vector.broadcast %jit3A_1035 : i32 to vector<16xi32>
      %rem3A_1057 = arith.remsi %add3A_1034, %rem3A_1056 : vector<16xi32>
      %ne3A_1058 = arith.constant 0 : i32
      %ne3A_1059 = vector.broadcast %ne3A_1058 : i32 to vector<16xi32>
      %ne3A_1060 = arith.cmpi ne, %rem3A_1057, %ne3A_1059 : vector<16xi32>
      %and3A_1061 = arith.andi %ne3A_1055, %ne3A_1060 : vector<16xi1>
      %sub3A_1062 = arith.constant 1 : i32
      %sub3A_1063 = vector.broadcast %sub3A_1062 : i32 to vector<16xi32>
      %sub3A_1064 = arith.subi %div3A_1037, %sub3A_1063 : vector<16xi32>
      %select_n3A_1065 = arith.select %and3A_1061, %sub3A_1064, %div3A_1037 : vector<16xi1>, vector<16xi32>
      %jit3A_1066 = arith.constant 1000 : i32
      %eq3A_1067 = arith.constant 0 : i32
      %eq3A_1068 = arith.cmpi eq, %jit3A_1066, %eq3A_1067 : i32
      %jit3A_1069 = arith.constant 1 : i32
      %select_n3A_1070 = arith.select %eq3A_1068, %jit3A_1069, %jit3A_1066 : i32
      %rem3A_1071 = vector.broadcast %select_n3A_1070 : i32 to vector<16xi32>
      %rem3A_1072 = arith.remsi %add3A_1034, %rem3A_1071 : vector<16xi32>
      %ne3A_1073 = arith.constant 0 : i32
      %ne3A_1074 = vector.broadcast %ne3A_1073 : i32 to vector<16xi32>
      %ne3A_1075 = arith.cmpi ne, %rem3A_1072, %ne3A_1074 : vector<16xi32>
      %lt3A_1076 = arith.constant 0 : i32
      %lt3A_1077 = vector.broadcast %lt3A_1076 : i32 to vector<16xi32>
      %lt3A_1078 = arith.cmpi slt, %rem3A_1072, %lt3A_1077 : vector<16xi32>
      %lt3A_1079 = arith.constant 0 : i32
      %lt3A_1080 = arith.cmpi slt, %select_n3A_1070, %lt3A_1079 : i32
      %ne3A_1081 = vector.broadcast %lt3A_1080 : i1 to vector<16xi1>
      %ne3A_1082 = vector.broadcast %ne3A_1081 : vector<16xi1> to vector<16xi1>
      %ne3A_1083 = arith.xori %lt3A_1078, %ne3A_1082 : vector<16xi1>
      %and3A_1084 = arith.andi %ne3A_1083, %ne3A_1075 : vector<16xi1>
      %add3A_1085 = vector.broadcast %select_n3A_1070 : i32 to vector<16xi32>
      %add3A_1086 = arith.addi %rem3A_1072, %add3A_1085 : vector<16xi32>
      %select_n3A_1087 = arith.select %and3A_1084, %add3A_1086, %rem3A_1072 : vector<16xi1>, vector<16xi32>
      tpu.vector_store_idx %arg6[%select_n3A_1065, %select_n3A_1087], %broadcast_in_dim3A_5 : memref<32x1000xi32, #tpu.memory_space<vmem>>[vector<16xi32>, vector<16xi32>], vector<16xi32>,
      %add3A_1088 = arith.constant 176 : i32
      %add3A_1089 = vector.broadcast %add3A_1088 : i32 to vector<16xi32>
      %add3A_1090 = arith.addi %add3A_481, %add3A_1089 : vector<16xi32>
      %jit3A_1091 = arith.constant 1000 : i32
      %div3A_1092 = vector.broadcast %jit3A_1091 : i32 to vector<16xi32>
      %div3A_1093 = arith.divsi %add3A_1090, %div3A_1092 : vector<16xi32>
      %sign3A_1094 = arith.constant 0 : i32
      %sign3A_1095 = vector.broadcast %sign3A_1094 : i32 to vector<16xi32>
      %sign3A_1096 = arith.cmpi sgt, %add3A_1090, %sign3A_1095 : vector<16xi32>
      %sign3A_1097 = arith.extui %sign3A_1096 : vector<16xi1> to vector<16xi32>
      %sign3A_1098 = arith.constant 0 : i32
      %sign3A_1099 = vector.broadcast %sign3A_1098 : i32 to vector<16xi32>
      %sign3A_1100 = arith.cmpi slt, %add3A_1090, %sign3A_1099 : vector<16xi32>
      %sign3A_1101 = arith.extui %sign3A_1100 : vector<16xi1> to vector<16xi32>
      %sign3A_1102 = arith.subi %sign3A_1097, %sign3A_1101 : vector<16xi32>
      %sign3A_1103 = arith.constant 0 : i32
      %sign3A_1104 = arith.cmpi sgt, %jit3A_1091, %sign3A_1103 : i32
      %sign3A_1105 = arith.extui %sign3A_1104 : i1 to i32
      %sign3A_1106 = arith.constant 0 : i32
      %sign3A_1107 = arith.cmpi slt, %jit3A_1091, %sign3A_1106 : i32
      %sign3A_1108 = arith.extui %sign3A_1107 : i1 to i32
      %sign3A_1109 = arith.subi %sign3A_1105, %sign3A_1108 : i32
      %ne3A_1110 = vector.broadcast %sign3A_1109 : i32 to vector<16xi32>
      %ne3A_1111 = arith.cmpi ne, %sign3A_1102, %ne3A_1110 : vector<16xi32>
      %rem3A_1112 = vector.broadcast %jit3A_1091 : i32 to vector<16xi32>
      %rem3A_1113 = arith.remsi %add3A_1090, %rem3A_1112 : vector<16xi32>
      %ne3A_1114 = arith.constant 0 : i32
      %ne3A_1115 = vector.broadcast %ne3A_1114 : i32 to vector<16xi32>
      %ne3A_1116 = arith.cmpi ne, %rem3A_1113, %ne3A_1115 : vector<16xi32>
      %and3A_1117 = arith.andi %ne3A_1111, %ne3A_1116 : vector<16xi1>
      %sub3A_1118 = arith.constant 1 : i32
      %sub3A_1119 = vector.broadcast %sub3A_1118 : i32 to vector<16xi32>
      %sub3A_1120 = arith.subi %div3A_1093, %sub3A_1119 : vector<16xi32>
      %select_n3A_1121 = arith.select %and3A_1117, %sub3A_1120, %div3A_1093 : vector<16xi1>, vector<16xi32>
      %jit3A_1122 = arith.constant 1000 : i32
      %eq3A_1123 = arith.constant 0 : i32
      %eq3A_1124 = arith.cmpi eq, %jit3A_1122, %eq3A_1123 : i32
      %jit3A_1125 = arith.constant 1 : i32
      %select_n3A_1126 = arith.select %eq3A_1124, %jit3A_1125, %jit3A_1122 : i32
      %rem3A_1127 = vector.broadcast %select_n3A_1126 : i32 to vector<16xi32>
      %rem3A_1128 = arith.remsi %add3A_1090, %rem3A_1127 : vector<16xi32>
      %ne3A_1129 = arith.constant 0 : i32
      %ne3A_1130 = vector.broadcast %ne3A_1129 : i32 to vector<16xi32>
      %ne3A_1131 = arith.cmpi ne, %rem3A_1128, %ne3A_1130 : vector<16xi32>
      %lt3A_1132 = arith.constant 0 : i32
      %lt3A_1133 = vector.broadcast %lt3A_1132 : i32 to vector<16xi32>
      %lt3A_1134 = arith.cmpi slt, %rem3A_1128, %lt3A_1133 : vector<16xi32>
      %lt3A_1135 = arith.constant 0 : i32
      %lt3A_1136 = arith.cmpi slt, %select_n3A_1126, %lt3A_1135 : i32
      %ne3A_1137 = vector.broadcast %lt3A_1136 : i1 to vector<16xi1>
      %ne3A_1138 = vector.broadcast %ne3A_1137 : vector<16xi1> to vector<16xi1>
      %ne3A_1139 = arith.xori %lt3A_1134, %ne3A_1138 : vector<16xi1>
      %and3A_1140 = arith.andi %ne3A_1139, %ne3A_1131 : vector<16xi1>
      %add3A_1141 = vector.broadcast %select_n3A_1126 : i32 to vector<16xi32>
      %add3A_1142 = arith.addi %rem3A_1128, %add3A_1141 : vector<16xi32>
      %select_n3A_1143 = arith.select %and3A_1140, %add3A_1142, %rem3A_1128 : vector<16xi1>, vector<16xi32>
      tpu.vector_store_idx %arg6[%select_n3A_1121, %select_n3A_1143], %broadcast_in_dim3A_5 : memref<32x1000xi32, #tpu.memory_space<vmem>>[vector<16xi32>, vector<16xi32>], vector<16xi32>,
      %add3A_1144 = arith.constant 192 : i32
      %add3A_1145 = vector.broadcast %add3A_1144 : i32 to vector<16xi32>
      %add3A_1146 = arith.addi %add3A_481, %add3A_1145 : vector<16xi32>
      %jit3A_1147 = arith.constant 1000 : i32
      %div3A_1148 = vector.broadcast %jit3A_1147 : i32 to vector<16xi32>
      %div3A_1149 = arith.divsi %add3A_1146, %div3A_1148 : vector<16xi32>
      %sign3A_1150 = arith.constant 0 : i32
      %sign3A_1151 = vector.broadcast %sign3A_1150 : i32 to vector<16xi32>
      %sign3A_1152 = arith.cmpi sgt, %add3A_1146, %sign3A_1151 : vector<16xi32>
      %sign3A_1153 = arith.extui %sign3A_1152 : vector<16xi1> to vector<16xi32>
      %sign3A_1154 = arith.constant 0 : i32
      %sign3A_1155 = vector.broadcast %sign3A_1154 : i32 to vector<16xi32>
      %sign3A_1156 = arith.cmpi slt, %add3A_1146, %sign3A_1155 : vector<16xi32>
      %sign3A_1157 = arith.extui %sign3A_1156 : vector<16xi1> to vector<16xi32>
      %sign3A_1158 = arith.subi %sign3A_1153, %sign3A_1157 : vector<16xi32>
      %sign3A_1159 = arith.constant 0 : i32
      %sign3A_1160 = arith.cmpi sgt, %jit3A_1147, %sign3A_1159 : i32
      %sign3A_1161 = arith.extui %sign3A_1160 : i1 to i32
      %sign3A_1162 = arith.constant 0 : i32
      %sign3A_1163 = arith.cmpi slt, %jit3A_1147, %sign3A_1162 : i32
      %sign3A_1164 = arith.extui %sign3A_1163 : i1 to i32
      %sign3A_1165 = arith.subi %sign3A_1161, %sign3A_1164 : i32
      %ne3A_1166 = vector.broadcast %sign3A_1165 : i32 to vector<16xi32>
      %ne3A_1167 = arith.cmpi ne, %sign3A_1158, %ne3A_1166 : vector<16xi32>
      %rem3A_1168 = vector.broadcast %jit3A_1147 : i32 to vector<16xi32>
      %rem3A_1169 = arith.remsi %add3A_1146, %rem3A_1168 : vector<16xi32>
      %ne3A_1170 = arith.constant 0 : i32
      %ne3A_1171 = vector.broadcast %ne3A_1170 : i32 to vector<16xi32>
      %ne3A_1172 = arith.cmpi ne, %rem3A_1169, %ne3A_1171 : vector<16xi32>
      %and3A_1173 = arith.andi %ne3A_1167, %ne3A_1172 : vector<16xi1>
      %sub3A_1174 = arith.constant 1 : i32
      %sub3A_1175 = vector.broadcast %sub3A_1174 : i32 to vector<16xi32>
      %sub3A_1176 = arith.subi %div3A_1149, %sub3A_1175 : vector<16xi32>
      %select_n3A_1177 = arith.select %and3A_1173, %sub3A_1176, %div3A_1149 : vector<16xi1>, vector<16xi32>
      %jit3A_1178 = arith.constant 1000 : i32
      %eq3A_1179 = arith.constant 0 : i32
      %eq3A_1180 = arith.cmpi eq, %jit3A_1178, %eq3A_1179 : i32
      %jit3A_1181 = arith.constant 1 : i32
      %select_n3A_1182 = arith.select %eq3A_1180, %jit3A_1181, %jit3A_1178 : i32
      %rem3A_1183 = vector.broadcast %select_n3A_1182 : i32 to vector<16xi32>
      %rem3A_1184 = arith.remsi %add3A_1146, %rem3A_1183 : vector<16xi32>
      %ne3A_1185 = arith.constant 0 : i32
      %ne3A_1186 = vector.broadcast %ne3A_1185 : i32 to vector<16xi32>
      %ne3A_1187 = arith.cmpi ne, %rem3A_1184, %ne3A_1186 : vector<16xi32>
      %lt3A_1188 = arith.constant 0 : i32
      %lt3A_1189 = vector.broadcast %lt3A_1188 : i32 to vector<16xi32>
      %lt3A_1190 = arith.cmpi slt, %rem3A_1184, %lt3A_1189 : vector<16xi32>
      %lt3A_1191 = arith.constant 0 : i32
      %lt3A_1192 = arith.cmpi slt, %select_n3A_1182, %lt3A_1191 : i32
      %ne3A_1193 = vector.broadcast %lt3A_1192 : i1 to vector<16xi1>
      %ne3A_1194 = vector.broadcast %ne3A_1193 : vector<16xi1> to vector<16xi1>
      %ne3A_1195 = arith.xori %lt3A_1190, %ne3A_1194 : vector<16xi1>
      %and3A_1196 = arith.andi %ne3A_1195, %ne3A_1187 : vector<16xi1>
      %add3A_1197 = vector.broadcast %select_n3A_1182 : i32 to vector<16xi32>
      %add3A_1198 = arith.addi %rem3A_1184, %add3A_1197 : vector<16xi32>
      %select_n3A_1199 = arith.select %and3A_1196, %add3A_1198, %rem3A_1184 : vector<16xi1>, vector<16xi32>
      tpu.vector_store_idx %arg6[%select_n3A_1177, %select_n3A_1199], %broadcast_in_dim3A_5 : memref<32x1000xi32, #tpu.memory_space<vmem>>[vector<16xi32>, vector<16xi32>], vector<16xi32>,
      %add3A_1200 = arith.constant 208 : i32
      %add3A_1201 = vector.broadcast %add3A_1200 : i32 to vector<16xi32>
      %add3A_1202 = arith.addi %add3A_481, %add3A_1201 : vector<16xi32>
      %jit3A_1203 = arith.constant 1000 : i32
      %div3A_1204 = vector.broadcast %jit3A_1203 : i32 to vector<16xi32>
      %div3A_1205 = arith.divsi %add3A_1202, %div3A_1204 : vector<16xi32>
      %sign3A_1206 = arith.constant 0 : i32
      %sign3A_1207 = vector.broadcast %sign3A_1206 : i32 to vector<16xi32>
      %sign3A_1208 = arith.cmpi sgt, %add3A_1202, %sign3A_1207 : vector<16xi32>
      %sign3A_1209 = arith.extui %sign3A_1208 : vector<16xi1> to vector<16xi32>
      %sign3A_1210 = arith.constant 0 : i32
      %sign3A_1211 = vector.broadcast %sign3A_1210 : i32 to vector<16xi32>
      %sign3A_1212 = arith.cmpi slt, %add3A_1202, %sign3A_1211 : vector<16xi32>
      %sign3A_1213 = arith.extui %sign3A_1212 : vector<16xi1> to vector<16xi32>
      %sign3A_1214 = arith.subi %sign3A_1209, %sign3A_1213 : vector<16xi32>
      %sign3A_1215 = arith.constant 0 : i32
      %sign3A_1216 = arith.cmpi sgt, %jit3A_1203, %sign3A_1215 : i32
      %sign3A_1217 = arith.extui %sign3A_1216 : i1 to i32
      %sign3A_1218 = arith.constant 0 : i32
      %sign3A_1219 = arith.cmpi slt, %jit3A_1203, %sign3A_1218 : i32
      %sign3A_1220 = arith.extui %sign3A_1219 : i1 to i32
      %sign3A_1221 = arith.subi %sign3A_1217, %sign3A_1220 : i32
      %ne3A_1222 = vector.broadcast %sign3A_1221 : i32 to vector<16xi32>
      %ne3A_1223 = arith.cmpi ne, %sign3A_1214, %ne3A_1222 : vector<16xi32>
      %rem3A_1224 = vector.broadcast %jit3A_1203 : i32 to vector<16xi32>
      %rem3A_1225 = arith.remsi %add3A_1202, %rem3A_1224 : vector<16xi32>
      %ne3A_1226 = arith.constant 0 : i32
      %ne3A_1227 = vector.broadcast %ne3A_1226 : i32 to vector<16xi32>
      %ne3A_1228 = arith.cmpi ne, %rem3A_1225, %ne3A_1227 : vector<16xi32>
      %and3A_1229 = arith.andi %ne3A_1223, %ne3A_1228 : vector<16xi1>
      %sub3A_1230 = arith.constant 1 : i32
      %sub3A_1231 = vector.broadcast %sub3A_1230 : i32 to vector<16xi32>
      %sub3A_1232 = arith.subi %div3A_1205, %sub3A_1231 : vector<16xi32>
      %select_n3A_1233 = arith.select %and3A_1229, %sub3A_1232, %div3A_1205 : vector<16xi1>, vector<16xi32>
      %jit3A_1234 = arith.constant 1000 : i32
      %eq3A_1235 = arith.constant 0 : i32
      %eq3A_1236 = arith.cmpi eq, %jit3A_1234, %eq3A_1235 : i32
      %jit3A_1237 = arith.constant 1 : i32
      %select_n3A_1238 = arith.select %eq3A_1236, %jit3A_1237, %jit3A_1234 : i32
      %rem3A_1239 = vector.broadcast %select_n3A_1238 : i32 to vector<16xi32>
      %rem3A_1240 = arith.remsi %add3A_1202, %rem3A_1239 : vector<16xi32>
      %ne3A_1241 = arith.constant 0 : i32
      %ne3A_1242 = vector.broadcast %ne3A_1241 : i32 to vector<16xi32>
      %ne3A_1243 = arith.cmpi ne, %rem3A_1240, %ne3A_1242 : vector<16xi32>
      %lt3A_1244 = arith.constant 0 : i32
      %lt3A_1245 = vector.broadcast %lt3A_1244 : i32 to vector<16xi32>
      %lt3A_1246 = arith.cmpi slt, %rem3A_1240, %lt3A_1245 : vector<16xi32>
      %lt3A_1247 = arith.constant 0 : i32
      %lt3A_1248 = arith.cmpi slt, %select_n3A_1238, %lt3A_1247 : i32
      %ne3A_1249 = vector.broadcast %lt3A_1248 : i1 to vector<16xi1>
      %ne3A_1250 = vector.broadcast %ne3A_1249 : vector<16xi1> to vector<16xi1>
      %ne3A_1251 = arith.xori %lt3A_1246, %ne3A_1250 : vector<16xi1>
      %and3A_1252 = arith.andi %ne3A_1251, %ne3A_1243 : vector<16xi1>
      %add3A_1253 = vector.broadcast %select_n3A_1238 : i32 to vector<16xi32>
      %add3A_1254 = arith.addi %rem3A_1240, %add3A_1253 : vector<16xi32>
      %select_n3A_1255 = arith.select %and3A_1252, %add3A_1254, %rem3A_1240 : vector<16xi1>, vector<16xi32>
      tpu.vector_store_idx %arg6[%select_n3A_1233, %select_n3A_1255], %broadcast_in_dim3A_5 : memref<32x1000xi32, #tpu.memory_space<vmem>>[vector<16xi32>, vector<16xi32>], vector<16xi32>,
      %add3A_1256 = arith.constant 224 : i32
      %add3A_1257 = vector.broadcast %add3A_1256 : i32 to vector<16xi32>
      %add3A_1258 = arith.addi %add3A_481, %add3A_1257 : vector<16xi32>
      %jit3A_1259 = arith.constant 1000 : i32
      %div3A_1260 = vector.broadcast %jit3A_1259 : i32 to vector<16xi32>
      %div3A_1261 = arith.divsi %add3A_1258, %div3A_1260 : vector<16xi32>
      %sign3A_1262 = arith.constant 0 : i32
      %sign3A_1263 = vector.broadcast %sign3A_1262 : i32 to vector<16xi32>
      %sign3A_1264 = arith.cmpi sgt, %add3A_1258, %sign3A_1263 : vector<16xi32>
      %sign3A_1265 = arith.extui %sign3A_1264 : vector<16xi1> to vector<16xi32>
      %sign3A_1266 = arith.constant 0 : i32
      %sign3A_1267 = vector.broadcast %sign3A_1266 : i32 to vector<16xi32>
      %sign3A_1268 = arith.cmpi slt, %add3A_1258, %sign3A_1267 : vector<16xi32>
      %sign3A_1269 = arith.extui %sign3A_1268 : vector<16xi1> to vector<16xi32>
      %sign3A_1270 = arith.subi %sign3A_1265, %sign3A_1269 : vector<16xi32>
      %sign3A_1271 = arith.constant 0 : i32
      %sign3A_1272 = arith.cmpi sgt, %jit3A_1259, %sign3A_1271 : i32
      %sign3A_1273 = arith.extui %sign3A_1272 : i1 to i32
      %sign3A_1274 = arith.constant 0 : i32
      %sign3A_1275 = arith.cmpi slt, %jit3A_1259, %sign3A_1274 : i32
      %sign3A_1276 = arith.extui %sign3A_1275 : i1 to i32
      %sign3A_1277 = arith.subi %sign3A_1273, %sign3A_1276 : i32
      %ne3A_1278 = vector.broadcast %sign3A_1277 : i32 to vector<16xi32>
      %ne3A_1279 = arith.cmpi ne, %sign3A_1270, %ne3A_1278 : vector<16xi32>
      %rem3A_1280 = vector.broadcast %jit3A_1259 : i32 to vector<16xi32>
      %rem3A_1281 = arith.remsi %add3A_1258, %rem3A_1280 : vector<16xi32>
      %ne3A_1282 = arith.constant 0 : i32
      %ne3A_1283 = vector.broadcast %ne3A_1282 : i32 to vector<16xi32>
      %ne3A_1284 = arith.cmpi ne, %rem3A_1281, %ne3A_1283 : vector<16xi32>
      %and3A_1285 = arith.andi %ne3A_1279, %ne3A_1284 : vector<16xi1>
      %sub3A_1286 = arith.constant 1 : i32
      %sub3A_1287 = vector.broadcast %sub3A_1286 : i32 to vector<16xi32>
      %sub3A_1288 = arith.subi %div3A_1261, %sub3A_1287 : vector<16xi32>
      %select_n3A_1289 = arith.select %and3A_1285, %sub3A_1288, %div3A_1261 : vector<16xi1>, vector<16xi32>
      %jit3A_1290 = arith.constant 1000 : i32
      %eq3A_1291 = arith.constant 0 : i32
      %eq3A_1292 = arith.cmpi eq, %jit3A_1290, %eq3A_1291 : i32
      %jit3A_1293 = arith.constant 1 : i32
      %select_n3A_1294 = arith.select %eq3A_1292, %jit3A_1293, %jit3A_1290 : i32
      %rem3A_1295 = vector.broadcast %select_n3A_1294 : i32 to vector<16xi32>
      %rem3A_1296 = arith.remsi %add3A_1258, %rem3A_1295 : vector<16xi32>
      %ne3A_1297 = arith.constant 0 : i32
      %ne3A_1298 = vector.broadcast %ne3A_1297 : i32 to vector<16xi32>
      %ne3A_1299 = arith.cmpi ne, %rem3A_1296, %ne3A_1298 : vector<16xi32>
      %lt3A_1300 = arith.constant 0 : i32
      %lt3A_1301 = vector.broadcast %lt3A_1300 : i32 to vector<16xi32>
      %lt3A_1302 = arith.cmpi slt, %rem3A_1296, %lt3A_1301 : vector<16xi32>
      %lt3A_1303 = arith.constant 0 : i32
      %lt3A_1304 = arith.cmpi slt, %select_n3A_1294, %lt3A_1303 : i32
      %ne3A_1305 = vector.broadcast %lt3A_1304 : i1 to vector<16xi1>
      %ne3A_1306 = vector.broadcast %ne3A_1305 : vector<16xi1> to vector<16xi1>
      %ne3A_1307 = arith.xori %lt3A_1302, %ne3A_1306 : vector<16xi1>
      %and3A_1308 = arith.andi %ne3A_1307, %ne3A_1299 : vector<16xi1>
      %add3A_1309 = vector.broadcast %select_n3A_1294 : i32 to vector<16xi32>
      %add3A_1310 = arith.addi %rem3A_1296, %add3A_1309 : vector<16xi32>
      %select_n3A_1311 = arith.select %and3A_1308, %add3A_1310, %rem3A_1296 : vector<16xi1>, vector<16xi32>
      tpu.vector_store_idx %arg6[%select_n3A_1289, %select_n3A_1311], %broadcast_in_dim3A_5 : memref<32x1000xi32, #tpu.memory_space<vmem>>[vector<16xi32>, vector<16xi32>], vector<16xi32>,
      %add3A_1312 = arith.constant 240 : i32
      %add3A_1313 = vector.broadcast %add3A_1312 : i32 to vector<16xi32>
      %add3A_1314 = arith.addi %add3A_481, %add3A_1313 : vector<16xi32>
      %jit3A_1315 = arith.constant 1000 : i32
      %div3A_1316 = vector.broadcast %jit3A_1315 : i32 to vector<16xi32>
      %div3A_1317 = arith.divsi %add3A_1314, %div3A_1316 : vector<16xi32>
      %sign3A_1318 = arith.constant 0 : i32
      %sign3A_1319 = vector.broadcast %sign3A_1318 : i32 to vector<16xi32>
      %sign3A_1320 = arith.cmpi sgt, %add3A_1314, %sign3A_1319 : vector<16xi32>
      %sign3A_1321 = arith.extui %sign3A_1320 : vector<16xi1> to vector<16xi32>
      %sign3A_1322 = arith.constant 0 : i32
      %sign3A_1323 = vector.broadcast %sign3A_1322 : i32 to vector<16xi32>
      %sign3A_1324 = arith.cmpi slt, %add3A_1314, %sign3A_1323 : vector<16xi32>
      %sign3A_1325 = arith.extui %sign3A_1324 : vector<16xi1> to vector<16xi32>
      %sign3A_1326 = arith.subi %sign3A_1321, %sign3A_1325 : vector<16xi32>
      %sign3A_1327 = arith.constant 0 : i32
      %sign3A_1328 = arith.cmpi sgt, %jit3A_1315, %sign3A_1327 : i32
      %sign3A_1329 = arith.extui %sign3A_1328 : i1 to i32
      %sign3A_1330 = arith.constant 0 : i32
      %sign3A_1331 = arith.cmpi slt, %jit3A_1315, %sign3A_1330 : i32
      %sign3A_1332 = arith.extui %sign3A_1331 : i1 to i32
      %sign3A_1333 = arith.subi %sign3A_1329, %sign3A_1332 : i32
      %ne3A_1334 = vector.broadcast %sign3A_1333 : i32 to vector<16xi32>
      %ne3A_1335 = arith.cmpi ne, %sign3A_1326, %ne3A_1334 : vector<16xi32>
      %rem3A_1336 = vector.broadcast %jit3A_1315 : i32 to vector<16xi32>
      %rem3A_1337 = arith.remsi %add3A_1314, %rem3A_1336 : vector<16xi32>
      %ne3A_1338 = arith.constant 0 : i32
      %ne3A_1339 = vector.broadcast %ne3A_1338 : i32 to vector<16xi32>
      %ne3A_1340 = arith.cmpi ne, %rem3A_1337, %ne3A_1339 : vector<16xi32>
      %and3A_1341 = arith.andi %ne3A_1335, %ne3A_1340 : vector<16xi1>
      %sub3A_1342 = arith.constant 1 : i32
      %sub3A_1343 = vector.broadcast %sub3A_1342 : i32 to vector<16xi32>
      %sub3A_1344 = arith.subi %div3A_1317, %sub3A_1343 : vector<16xi32>
      %select_n3A_1345 = arith.select %and3A_1341, %sub3A_1344, %div3A_1317 : vector<16xi1>, vector<16xi32>
      %jit3A_1346 = arith.constant 1000 : i32
      %eq3A_1347 = arith.constant 0 : i32
      %eq3A_1348 = arith.cmpi eq, %jit3A_1346, %eq3A_1347 : i32
      %jit3A_1349 = arith.constant 1 : i32
      %select_n3A_1350 = arith.select %eq3A_1348, %jit3A_1349, %jit3A_1346 : i32
      %rem3A_1351 = vector.broadcast %select_n3A_1350 : i32 to vector<16xi32>
      %rem3A_1352 = arith.remsi %add3A_1314, %rem3A_1351 : vector<16xi32>
      %ne3A_1353 = arith.constant 0 : i32
      %ne3A_1354 = vector.broadcast %ne3A_1353 : i32 to vector<16xi32>
      %ne3A_1355 = arith.cmpi ne, %rem3A_1352, %ne3A_1354 : vector<16xi32>
      %lt3A_1356 = arith.constant 0 : i32
      %lt3A_1357 = vector.broadcast %lt3A_1356 : i32 to vector<16xi32>
      %lt3A_1358 = arith.cmpi slt, %rem3A_1352, %lt3A_1357 : vector<16xi32>
      %lt3A_1359 = arith.constant 0 : i32
      %lt3A_1360 = arith.cmpi slt, %select_n3A_1350, %lt3A_1359 : i32
      %ne3A_1361 = vector.broadcast %lt3A_1360 : i1 to vector<16xi1>
      %ne3A_1362 = vector.broadcast %ne3A_1361 : vector<16xi1> to vector<16xi1>
      %ne3A_1363 = arith.xori %lt3A_1358, %ne3A_1362 : vector<16xi1>
      %and3A_1364 = arith.andi %ne3A_1363, %ne3A_1355 : vector<16xi1>
      %add3A_1365 = vector.broadcast %select_n3A_1350 : i32 to vector<16xi32>
      %add3A_1366 = arith.addi %rem3A_1352, %add3A_1365 : vector<16xi32>
      %select_n3A_1367 = arith.select %and3A_1364, %add3A_1366, %rem3A_1352 : vector<16xi1>, vector<16xi32>
      tpu.vector_store_idx %arg6[%select_n3A_1345, %select_n3A_1367], %broadcast_in_dim3A_5 : memref<32x1000xi32, #tpu.memory_space<vmem>>[vector<16xi32>, vector<16xi32>], vector<16xi32>,
      %scan3A_1368 = arith.constant 0 : i32
      scf.yield %scan3A_1368 : i32
    }
    %scan3A_32 = arith.constant 125 : i32
    %get3A_33 = arith.constant 32 : index
    %get3A_34 = tpu.vector_load %arg4[%get3A_33] {strides = array<i32>} : memref<512xi32, #tpu.memory_space<vmem>>, vector<16xi32>,
    %add3A_35 = arith.constant 0 : i32
    %add3A_36 = vector.broadcast %add3A_35 : i32 to vector<16xi32>
    %add3A_37 = arith.addi %iota3A, %add3A_36 : vector<16xi32>
    tpu.vector_store_idx %arg6[%add3A_37, %get3A_34], %broadcast_in_dim3A_3 : memref<32x1000xi32, #tpu.memory_space<vmem>>[vector<16xi32>, vector<16xi32>], vector<16xi32>,
    %get3A_38 = arith.constant 48 : index
    %get3A_39 = tpu.vector_load %arg4[%get3A_38] {strides = array<i32>} : memref<512xi32, #tpu.memory_space<vmem>>, vector<16xi32>,
    %add3A_40 = arith.constant 16 : i32
    %add3A_41 = vector.broadcast %add3A_40 : i32 to vector<16xi32>
    %add3A_42 = arith.addi %iota3A, %add3A_41 : vector<16xi32>
    tpu.vector_store_idx %arg6[%add3A_42, %get3A_39], %broadcast_in_dim3A_3 : memref<32x1000xi32, #tpu.memory_space<vmem>>[vector<16xi32>, vector<16xi32>], vector<16xi32>,
    %add3A_43 = arith.constant 32 : i32
    %add3A_44 = arith.addi %mul3A_2, %add3A_43 : i32
    %dma_start3A_45 = arith.constant 0 : i32
    %dma_start3A_46 = tpu.memref_slice %arg3[%add3A_44, %dma_start3A_45] : memref<16384x1000xi32, #tpu.memory_space<hbm>> -> memref<32x1000xi32, #tpu.memory_space<hbm>>
    %dma_start3A_47 = arith.constant 0 : i32
    %dma_start3A_48 = tpu.memref_slice %arg3[%add3A_44, %dma_start3A_47] : memref<16384x1000xi32, #tpu.memory_space<hbm>> -> memref<32x1000xi32, #tpu.memory_space<hbm>>
    tpu.enqueue_dma source(%arg6 : memref<32x1000xi32, #tpu.memory_space<vmem>>) target(%dma_start3A_48 : memref<32x1000xi32, #tpu.memory_space<hbm>>) target_semaphore(%arg8 : memref<!tpu.dma_semaphore, #tpu.memory_space<semaphore_mem>>)
    %dma_wait3A = arith.constant 0 : i32
    %dma_wait3A_49 = tpu.memref_slice %arg3[%add3A_22, %dma_wait3A] : memref<16384x1000xi32, #tpu.memory_space<hbm>> -> memref<32x1000xi32, #tpu.memory_space<hbm>>
    %dma_wait3A_50 = arith.constant 0 : i32
    %dma_wait3A_51 = tpu.memref_slice %arg3[%add3A_22, %dma_wait3A_50] : memref<16384x1000xi32, #tpu.memory_space<hbm>> -> memref<32x1000xi32, #tpu.memory_space<hbm>>
    tpu.wait_dma2 semaphore(%arg7 : memref<!tpu.dma_semaphore, #tpu.memory_space<semaphore_mem>>) src(%arg5 : memref<32x1000xi32, #tpu.memory_space<vmem>>) dst(%dma_wait3A_51 : memref<32x1000xi32, #tpu.memory_space<hbm>>)
    %get3A_52 = arith.constant 0 : index
    %get3A_53 = tpu.vector_load %arg4[%get3A_52] {strides = array<i32>} : memref<512xi32, #tpu.memory_space<vmem>>, vector<16xi32>,
    %add3A_54 = arith.constant 0 : i32
    %add3A_55 = vector.broadcast %add3A_54 : i32 to vector<16xi32>
    %add3A_56 = arith.addi %iota3A, %add3A_55 : vector<16xi32>
    tpu.vector_store_idx %arg5[%add3A_56, %get3A_53], %broadcast_in_dim3A_5 : memref<32x1000xi32, #tpu.memory_space<vmem>>[vector<16xi32>, vector<16xi32>], vector<16xi32>,
    %get3A_57 = arith.constant 16 : index
    %get3A_58 = tpu.vector_load %arg4[%get3A_57] {strides = array<i32>} : memref<512xi32, #tpu.memory_space<vmem>>, vector<16xi32>,
    %add3A_59 = arith.constant 16 : i32
    %add3A_60 = vector.broadcast %add3A_59 : i32 to vector<16xi32>
    %add3A_61 = arith.addi %iota3A, %add3A_60 : vector<16xi32>
    tpu.vector_store_idx %arg5[%add3A_61, %get3A_58], %broadcast_in_dim3A_5 : memref<32x1000xi32, #tpu.memory_space<vmem>>[vector<16xi32>, vector<16xi32>], vector<16xi32>,
    %get3A_62 = arith.constant 64 : index
    %get3A_63 = tpu.vector_load %arg4[%get3A_62] {strides = array<i32>} : memref<512xi32, #tpu.memory_space<vmem>>, vector<16xi32>,
    %add3A_64 = arith.constant 0 : i32
    %add3A_65 = vector.broadcast %add3A_64 : i32 to vector<16xi32>
    %add3A_66 = arith.addi %iota3A, %add3A_65 : vector<16xi32>
    tpu.vector_store_idx %arg5[%add3A_66, %get3A_63], %broadcast_in_dim3A_3 : memref<32x1000xi32, #tpu.memory_space<vmem>>[vector<16xi32>, vector<16xi32>], vector<16xi32>,
    %get3A_67 = arith.constant 80 : index
    %get3A_68 = tpu.vector_load %arg4[%get3A_67] {strides = array<i32>} : memref<512xi32, #tpu.memory_space<vmem>>, vector<16xi32>,
    %add3A_69 = arith.constant 16 : i32
    %add3A_70 = vector.broadcast %add3A_69 : i32 to vector<16xi32>
    %add3A_71 = arith.addi %iota3A, %add3A_70 : vector<16xi32>
    tpu.vector_store_idx %arg5[%add3A_71, %get3A_68], %broadcast_in_dim3A_3 : memref<32x1000xi32, #tpu.memory_space<vmem>>[vector<16xi32>, vector<16xi32>], vector<16xi32>,
    %add3A_72 = arith.constant 64 : i32
    %add3A_73 = arith.addi %mul3A_2, %add3A_72 : i32
    %dma_start3A_74 = arith.constant 0 : i32
    %dma_start3A_75 = tpu.memref_slice %arg3[%add3A_73, %dma_start3A_74] : memref<16384x1000xi32, #tpu.memory_space<hbm>> -> memref<32x1000xi32, #tpu.memory_space<hbm>>
    %dma_start3A_76 = arith.constant 0 : i32
    %dma_start3A_77 = tpu.memref_slice %arg3[%add3A_73, %dma_start3A_76] : memref<16384x1000xi32, #tpu.memory_space<hbm>> -> memref<32x1000xi32, #tpu.memory_space<hbm>>
    tpu.enqueue_dma source(%arg5 : memref<32x1000xi32, #tpu.memory_space<vmem>>) target(%dma_start3A_77 : memref<32x1000xi32, #tpu.memory_space<hbm>>) target_semaphore(%arg7 : memref<!tpu.dma_semaphore, #tpu.memory_space<semaphore_mem>>)
    %dma_wait3A_78 = arith.constant 0 : i32
    %dma_wait3A_79 = tpu.memref_slice %arg3[%add3A_44, %dma_wait3A_78] : memref<16384x1000xi32, #tpu.memory_space<hbm>> -> memref<32x1000xi32, #tpu.memory_space<hbm>>
    %dma_wait3A_80 = arith.constant 0 : i32
    %dma_wait3A_81 = tpu.memref_slice %arg3[%add3A_44, %dma_wait3A_80] : memref<16384x1000xi32, #tpu.memory_space<hbm>> -> memref<32x1000xi32, #tpu.memory_space<hbm>>
    tpu.wait_dma2 semaphore(%arg8 : memref<!tpu.dma_semaphore, #tpu.memory_space<semaphore_mem>>) src(%arg6 : memref<32x1000xi32, #tpu.memory_space<vmem>>) dst(%dma_wait3A_81 : memref<32x1000xi32, #tpu.memory_space<hbm>>)
    %get3A_82 = arith.constant 32 : index
    %get3A_83 = tpu.vector_load %arg4[%get3A_82] {strides = array<i32>} : memref<512xi32, #tpu.memory_space<vmem>>, vector<16xi32>,
    %add3A_84 = arith.constant 0 : i32
    %add3A_85 = vector.broadcast %add3A_84 : i32 to vector<16xi32>
    %add3A_86 = arith.addi %iota3A, %add3A_85 : vector<16xi32>
    tpu.vector_store_idx %arg6[%add3A_86, %get3A_83], %broadcast_in_dim3A_5 : memref<32x1000xi32, #tpu.memory_space<vmem>>[vector<16xi32>, vector<16xi32>], vector<16xi32>,
    %get3A_87 = arith.constant 48 : index
    %get3A_88 = tpu.vector_load %arg4[%get3A_87] {strides = array<i32>} : memref<512xi32, #tpu.memory_space<vmem>>, vector<16xi32>,
    %add3A_89 = arith.constant 16 : i32
    %add3A_90 = vector.broadcast %add3A_89 : i32 to vector<16xi32>
    %add3A_91 = arith.addi %iota3A, %add3A_90 : vector<16xi32>
    tpu.vector_store_idx %arg6[%add3A_91, %get3A_88], %broadcast_in_dim3A_5 : memref<32x1000xi32, #tpu.memory_space<vmem>>[vector<16xi32>, vector<16xi32>], vector<16xi32>,
    %get3A_92 = arith.constant 96 : index
    %get3A_93 = tpu.vector_load %arg4[%get3A_92] {strides = array<i32>} : memref<512xi32, #tpu.memory_space<vmem>>, vector<16xi32>,
    %add3A_94 = arith.constant 0 : i32
    %add3A_95 = vector.broadcast %add3A_94 : i32 to vector<16xi32>
    %add3A_96 = arith.addi %iota3A, %add3A_95 : vector<16xi32>
    tpu.vector_store_idx %arg6[%add3A_96, %get3A_93], %broadcast_in_dim3A_3 : memref<32x1000xi32, #tpu.memory_space<vmem>>[vector<16xi32>, vector<16xi32>], vector<16xi32>,
    %get3A_97 = arith.constant 112 : index
    %get3A_98 = tpu.vector_load %arg4[%get3A_97] {strides = array<i32>} : memref<512xi32, #tpu.memory_space<vmem>>, vector<16xi32>,
    %add3A_99 = arith.constant 16 : i32
    %add3A_100 = vector.broadcast %add3A_99 : i32 to vector<16xi32>
    %add3A_101 = arith.addi %iota3A, %add3A_100 : vector<16xi32>
    tpu.vector_store_idx %arg6[%add3A_101, %get3A_98], %broadcast_in_dim3A_3 : memref<32x1000xi32, #tpu.memory_space<vmem>>[vector<16xi32>, vector<16xi32>], vector<16xi32>,
    %add3A_102 = arith.constant 96 : i32
    %add3A_103 = arith.addi %mul3A_2, %add3A_102 : i32
    %dma_start3A_104 = arith.constant 0 : i32
    %dma_start3A_105 = tpu.memref_slice %arg3[%add3A_103, %dma_start3A_104] : memref<16384x1000xi32, #tpu.memory_space<hbm>> -> memref<32x1000xi32, #tpu.memory_space<hbm>>
    %dma_start3A_106 = arith.constant 0 : i32
    %dma_start3A_107 = tpu.memref_slice %arg3[%add3A_103, %dma_start3A_106] : memref<16384x1000xi32, #tpu.memory_space<hbm>> -> memref<32x1000xi32, #tpu.memory_space<hbm>>
    tpu.enqueue_dma source(%arg6 : memref<32x1000xi32, #tpu.memory_space<vmem>>) target(%dma_start3A_107 : memref<32x1000xi32, #tpu.memory_space<hbm>>) target_semaphore(%arg8 : memref<!tpu.dma_semaphore, #tpu.memory_space<semaphore_mem>>)
    %dma_wait3A_108 = arith.constant 0 : i32
    %dma_wait3A_109 = tpu.memref_slice %arg3[%add3A_73, %dma_wait3A_108] : memref<16384x1000xi32, #tpu.memory_space<hbm>> -> memref<32x1000xi32, #tpu.memory_space<hbm>>
    %dma_wait3A_110 = arith.constant 0 : i32
    %dma_wait3A_111 = tpu.memref_slice %arg3[%add3A_73, %dma_wait3A_110] : memref<16384x1000xi32, #tpu.memory_space<hbm>> -> memref<32x1000xi32, #tpu.memory_space<hbm>>
    tpu.wait_dma2 semaphore(%arg7 : memref<!tpu.dma_semaphore, #tpu.memory_space<semaphore_mem>>) src(%arg5 : memref<32x1000xi32, #tpu.memory_space<vmem>>) dst(%dma_wait3A_111 : memref<32x1000xi32, #tpu.memory_space<hbm>>)
    %get3A_112 = arith.constant 64 : index
    %get3A_113 = tpu.vector_load %arg4[%get3A_112] {strides = array<i32>} : memref<512xi32, #tpu.memory_space<vmem>>, vector<16xi32>,
    %add3A_114 = arith.constant 0 : i32
    %add3A_115 = vector.broadcast %add3A_114 : i32 to vector<16xi32>
    %add3A_116 = arith.addi %iota3A, %add3A_115 : vector<16xi32>
    tpu.vector_store_idx %arg5[%add3A_116, %get3A_113], %broadcast_in_dim3A_5 : memref<32x1000xi32, #tpu.memory_space<vmem>>[vector<16xi32>, vector<16xi32>], vector<16xi32>,
    %get3A_117 = arith.constant 80 : index
    %get3A_118 = tpu.vector_load %arg4[%get3A_117] {strides = array<i32>} : memref<512xi32, #tpu.memory_space<vmem>>, vector<16xi32>,
    %add3A_119 = arith.constant 16 : i32
    %add3A_120 = vector.broadcast %add3A_119 : i32 to vector<16xi32>
    %add3A_121 = arith.addi %iota3A, %add3A_120 : vector<16xi32>
    tpu.vector_store_idx %arg5[%add3A_121, %get3A_118], %broadcast_in_dim3A_5 : memref<32x1000xi32, #tpu.memory_space<vmem>>[vector<16xi32>, vector<16xi32>], vector<16xi32>,
    %get3A_122 = arith.constant 128 : index
    %get3A_123 = tpu.vector_load %arg4[%get3A_122] {strides = array<i32>} : memref<512xi32, #tpu.memory_space<vmem>>, vector<16xi32>,
    %add3A_124 = arith.constant 0 : i32
    %add3A_125 = vector.broadcast %add3A_124 : i32 to vector<16xi32>
    %add3A_126 = arith.addi %iota3A, %add3A_125 : vector<16xi32>
    tpu.vector_store_idx %arg5[%add3A_126, %get3A_123], %broadcast_in_dim3A_3 : memref<32x1000xi32, #tpu.memory_space<vmem>>[vector<16xi32>, vector<16xi32>], vector<16xi32>,
    %get3A_127 = arith.constant 144 : index
    %get3A_128 = tpu.vector_load %arg4[%get3A_127] {strides = array<i32>} : memref<512xi32, #tpu.memory_space<vmem>>, vector<16xi32>,
    %add3A_129 = arith.constant 16 : i32
    %add3A_130 = vector.broadcast %add3A_129 : i32 to vector<16xi32>
    %add3A_131 = arith.addi %iota3A, %add3A_130 : vector<16xi32>
    tpu.vector_store_idx %arg5[%add3A_131, %get3A_128], %broadcast_in_dim3A_3 : memref<32x1000xi32, #tpu.memory_space<vmem>>[vector<16xi32>, vector<16xi32>], vector<16xi32>,
    %add3A_132 = arith.constant 128 : i32
    %add3A_133 = arith.addi %mul3A_2, %add3A_132 : i32
    %dma_start3A_134 = arith.constant 0 : i32
    %dma_start3A_135 = tpu.memref_slice %arg3[%add3A_133, %dma_start3A_134] : memref<16384x1000xi32, #tpu.memory_space<hbm>> -> memref<32x1000xi32, #tpu.memory_space<hbm>>
    %dma_start3A_136 = arith.constant 0 : i32
    %dma_start3A_137 = tpu.memref_slice %arg3[%add3A_133, %dma_start3A_136] : memref<16384x1000xi32, #tpu.memory_space<hbm>> -> memref<32x1000xi32, #tpu.memory_space<hbm>>
    tpu.enqueue_dma source(%arg5 : memref<32x1000xi32, #tpu.memory_space<vmem>>) target(%dma_start3A_137 : memref<32x1000xi32, #tpu.memory_space<hbm>>) target_semaphore(%arg7 : memref<!tpu.dma_semaphore, #tpu.memory_space<semaphore_mem>>)
    %dma_wait3A_138 = arith.constant 0 : i32
    %dma_wait3A_139 = tpu.memref_slice %arg3[%add3A_103, %dma_wait3A_138] : memref<16384x1000xi32, #tpu.memory_space<hbm>> -> memref<32x1000xi32, #tpu.memory_space<hbm>>
    %dma_wait3A_140 = arith.constant 0 : i32
    %dma_wait3A_141 = tpu.memref_slice %arg3[%add3A_103, %dma_wait3A_140] : memref<16384x1000xi32, #tpu.memory_space<hbm>> -> memref<32x1000xi32, #tpu.memory_space<hbm>>
    tpu.wait_dma2 semaphore(%arg8 : memref<!tpu.dma_semaphore, #tpu.memory_space<semaphore_mem>>) src(%arg6 : memref<32x1000xi32, #tpu.memory_space<vmem>>) dst(%dma_wait3A_141 : memref<32x1000xi32, #tpu.memory_space<hbm>>)
    %get3A_142 = arith.constant 96 : index
    %get3A_143 = tpu.vector_load %arg4[%get3A_142] {strides = array<i32>} : memref<512xi32, #tpu.memory_space<vmem>>, vector<16xi32>,
    %add3A_144 = arith.constant 0 : i32
    %add3A_145 = vector.broadcast %add3A_144 : i32 to vector<16xi32>
    %add3A_146 = arith.addi %iota3A, %add3A_145 : vector<16xi32>
    tpu.vector_store_idx %arg6[%add3A_146, %get3A_143], %broadcast_in_dim3A_5 : memref<32x1000xi32, #tpu.memory_space<vmem>>[vector<16xi32>, vector<16xi32>], vector<16xi32>,
    %get3A_147 = arith.constant 112 : index
    %get3A_148 = tpu.vector_load %arg4[%get3A_147] {strides = array<i32>} : memref<512xi32, #tpu.memory_space<vmem>>, vector<16xi32>,
    %add3A_149 = arith.constant 16 : i32
    %add3A_150 = vector.broadcast %add3A_149 : i32 to vector<16xi32>
    %add3A_151 = arith.addi %iota3A, %add3A_150 : vector<16xi32>
    tpu.vector_store_idx %arg6[%add3A_151, %get3A_148], %broadcast_in_dim3A_5 : memref<32x1000xi32, #tpu.memory_space<vmem>>[vector<16xi32>, vector<16xi32>], vector<16xi32>,
    %get3A_152 = arith.constant 160 : index
    %get3A_153 = tpu.vector_load %arg4[%get3A_152] {strides = array<i32>} : memref<512xi32, #tpu.memory_space<vmem>>, vector<16xi32>,
    %add3A_154 = arith.constant 0 : i32
    %add3A_155 = vector.broadcast %add3A_154 : i32 to vector<16xi32>
    %add3A_156 = arith.addi %iota3A, %add3A_155 : vector<16xi32>
    tpu.vector_store_idx %arg6[%add3A_156, %get3A_153], %broadcast_in_dim3A_3 : memref<32x1000xi32, #tpu.memory_space<vmem>>[vector<16xi32>, vector<16xi32>], vector<16xi32>,
    %get3A_157 = arith.constant 176 : index
    %get3A_158 = tpu.vector_load %arg4[%get3A_157] {strides = array<i32>} : memref<512xi32, #tpu.memory_space<vmem>>, vector<16xi32>,
    %add3A_159 = arith.constant 16 : i32
    %add3A_160 = vector.broadcast %add3A_159 : i32 to vector<16xi32>
    %add3A_161 = arith.addi %iota3A, %add3A_160 : vector<16xi32>
    tpu.vector_store_idx %arg6[%add3A_161, %get3A_158], %broadcast_in_dim3A_3 : memref<32x1000xi32, #tpu.memory_space<vmem>>[vector<16xi32>, vector<16xi32>], vector<16xi32>,
    %add3A_162 = arith.constant 160 : i32
    %add3A_163 = arith.addi %mul3A_2, %add3A_162 : i32
    %dma_start3A_164 = arith.constant 0 : i32
    %dma_start3A_165 = tpu.memref_slice %arg3[%add3A_163, %dma_start3A_164] : memref<16384x1000xi32, #tpu.memory_space<hbm>> -> memref<32x1000xi32, #tpu.memory_space<hbm>>
    %dma_start3A_166 = arith.constant 0 : i32
    %dma_start3A_167 = tpu.memref_slice %arg3[%add3A_163, %dma_start3A_166] : memref<16384x1000xi32, #tpu.memory_space<hbm>> -> memref<32x1000xi32, #tpu.memory_space<hbm>>
    tpu.enqueue_dma source(%arg6 : memref<32x1000xi32, #tpu.memory_space<vmem>>) target(%dma_start3A_167 : memref<32x1000xi32, #tpu.memory_space<hbm>>) target_semaphore(%arg8 : memref<!tpu.dma_semaphore, #tpu.memory_space<semaphore_mem>>)
    %dma_wait3A_168 = arith.constant 0 : i32
    %dma_wait3A_169 = tpu.memref_slice %arg3[%add3A_133, %dma_wait3A_168] : memref<16384x1000xi32, #tpu.memory_space<hbm>> -> memref<32x1000xi32, #tpu.memory_space<hbm>>
    %dma_wait3A_170 = arith.constant 0 : i32
    %dma_wait3A_171 = tpu.memref_slice %arg3[%add3A_133, %dma_wait3A_170] : memref<16384x1000xi32, #tpu.memory_space<hbm>> -> memref<32x1000xi32, #tpu.memory_space<hbm>>
    tpu.wait_dma2 semaphore(%arg7 : memref<!tpu.dma_semaphore, #tpu.memory_space<semaphore_mem>>) src(%arg5 : memref<32x1000xi32, #tpu.memory_space<vmem>>) dst(%dma_wait3A_171 : memref<32x1000xi32, #tpu.memory_space<hbm>>)
    %get3A_172 = arith.constant 128 : index
    %get3A_173 = tpu.vector_load %arg4[%get3A_172] {strides = array<i32>} : memref<512xi32, #tpu.memory_space<vmem>>, vector<16xi32>,
    %add3A_174 = arith.constant 0 : i32
    %add3A_175 = vector.broadcast %add3A_174 : i32 to vector<16xi32>
    %add3A_176 = arith.addi %iota3A, %add3A_175 : vector<16xi32>
    tpu.vector_store_idx %arg5[%add3A_176, %get3A_173], %broadcast_in_dim3A_5 : memref<32x1000xi32, #tpu.memory_space<vmem>>[vector<16xi32>, vector<16xi32>], vector<16xi32>,
    %get3A_177 = arith.constant 144 : index
    %get3A_178 = tpu.vector_load %arg4[%get3A_177] {strides = array<i32>} : memref<512xi32, #tpu.memory_space<vmem>>, vector<16xi32>,
    %add3A_179 = arith.constant 16 : i32
    %add3A_180 = vector.broadcast %add3A_179 : i32 to vector<16xi32>
    %add3A_181 = arith.addi %iota3A, %add3A_180 : vector<16xi32>
    tpu.vector_store_idx %arg5[%add3A_181, %get3A_178], %broadcast_in_dim3A_5 : memref<32x1000xi32, #tpu.memory_space<vmem>>[vector<16xi32>, vector<16xi32>], vector<16xi32>,
    %get3A_182 = arith.constant 192 : index
    %get3A_183 = tpu.vector_load %arg4[%get3A_182] {strides = array<i32>} : memref<512xi32, #tpu.memory_space<vmem>>, vector<16xi32>,
    %add3A_184 = arith.constant 0 : i32
    %add3A_185 = vector.broadcast %add3A_184 : i32 to vector<16xi32>
    %add3A_186 = arith.addi %iota3A, %add3A_185 : vector<16xi32>
    tpu.vector_store_idx %arg5[%add3A_186, %get3A_183], %broadcast_in_dim3A_3 : memref<32x1000xi32, #tpu.memory_space<vmem>>[vector<16xi32>, vector<16xi32>], vector<16xi32>,
    %get3A_187 = arith.constant 208 : index
    %get3A_188 = tpu.vector_load %arg4[%get3A_187] {strides = array<i32>} : memref<512xi32, #tpu.memory_space<vmem>>, vector<16xi32>,
    %add3A_189 = arith.constant 16 : i32
    %add3A_190 = vector.broadcast %add3A_189 : i32 to vector<16xi32>
    %add3A_191 = arith.addi %iota3A, %add3A_190 : vector<16xi32>
    tpu.vector_store_idx %arg5[%add3A_191, %get3A_188], %broadcast_in_dim3A_3 : memref<32x1000xi32, #tpu.memory_space<vmem>>[vector<16xi32>, vector<16xi32>], vector<16xi32>,
    %add3A_192 = arith.constant 192 : i32
    %add3A_193 = arith.addi %mul3A_2, %add3A_192 : i32
    %dma_start3A_194 = arith.constant 0 : i32
    %dma_start3A_195 = tpu.memref_slice %arg3[%add3A_193, %dma_start3A_194] : memref<16384x1000xi32, #tpu.memory_space<hbm>> -> memref<32x1000xi32, #tpu.memory_space<hbm>>
    %dma_start3A_196 = arith.constant 0 : i32
    %dma_start3A_197 = tpu.memref_slice %arg3[%add3A_193, %dma_start3A_196] : memref<16384x1000xi32, #tpu.memory_space<hbm>> -> memref<32x1000xi32, #tpu.memory_space<hbm>>
    tpu.enqueue_dma source(%arg5 : memref<32x1000xi32, #tpu.memory_space<vmem>>) target(%dma_start3A_197 : memref<32x1000xi32, #tpu.memory_space<hbm>>) target_semaphore(%arg7 : memref<!tpu.dma_semaphore, #tpu.memory_space<semaphore_mem>>)
    %dma_wait3A_198 = arith.constant 0 : i32
    %dma_wait3A_199 = tpu.memref_slice %arg3[%add3A_163, %dma_wait3A_198] : memref<16384x1000xi32, #tpu.memory_space<hbm>> -> memref<32x1000xi32, #tpu.memory_space<hbm>>
    %dma_wait3A_200 = arith.constant 0 : i32
    %dma_wait3A_201 = tpu.memref_slice %arg3[%add3A_163, %dma_wait3A_200] : memref<16384x1000xi32, #tpu.memory_space<hbm>> -> memref<32x1000xi32, #tpu.memory_space<hbm>>
    tpu.wait_dma2 semaphore(%arg8 : memref<!tpu.dma_semaphore, #tpu.memory_space<semaphore_mem>>) src(%arg6 : memref<32x1000xi32, #tpu.memory_space<vmem>>) dst(%dma_wait3A_201 : memref<32x1000xi32, #tpu.memory_space<hbm>>)
    %get3A_202 = arith.constant 160 : index
    %get3A_203 = tpu.vector_load %arg4[%get3A_202] {strides = array<i32>} : memref<512xi32, #tpu.memory_space<vmem>>, vector<16xi32>,
    %add3A_204 = arith.constant 0 : i32
    %add3A_205 = vector.broadcast %add3A_204 : i32 to vector<16xi32>
    %add3A_206 = arith.addi %iota3A, %add3A_205 : vector<16xi32>
    tpu.vector_store_idx %arg6[%add3A_206, %get3A_203], %broadcast_in_dim3A_5 : memref<32x1000xi32, #tpu.memory_space<vmem>>[vector<16xi32>, vector<16xi32>], vector<16xi32>,
    %get3A_207 = arith.constant 176 : index
    %get3A_208 = tpu.vector_load %arg4[%get3A_207] {strides = array<i32>} : memref<512xi32, #tpu.memory_space<vmem>>, vector<16xi32>,
    %add3A_209 = arith.constant 16 : i32
    %add3A_210 = vector.broadcast %add3A_209 : i32 to vector<16xi32>
    %add3A_211 = arith.addi %iota3A, %add3A_210 : vector<16xi32>
    tpu.vector_store_idx %arg6[%add3A_211, %get3A_208], %broadcast_in_dim3A_5 : memref<32x1000xi32, #tpu.memory_space<vmem>>[vector<16xi32>, vector<16xi32>], vector<16xi32>,
    %get3A_212 = arith.constant 224 : index
    %get3A_213 = tpu.vector_load %arg4[%get3A_212] {strides = array<i32>} : memref<512xi32, #tpu.memory_space<vmem>>, vector<16xi32>,
    %add3A_214 = arith.constant 0 : i32
    %add3A_215 = vector.broadcast %add3A_214 : i32 to vector<16xi32>
    %add3A_216 = arith.addi %iota3A, %add3A_215 : vector<16xi32>
    tpu.vector_store_idx %arg6[%add3A_216, %get3A_213], %broadcast_in_dim3A_3 : memref<32x1000xi32, #tpu.memory_space<vmem>>[vector<16xi32>, vector<16xi32>], vector<16xi32>,
    %get3A_217 = arith.constant 240 : index
    %get3A_218 = tpu.vector_load %arg4[%get3A_217] {strides = array<i32>} : memref<512xi32, #tpu.memory_space<vmem>>, vector<16xi32>,
    %add3A_219 = arith.constant 16 : i32
    %add3A_220 = vector.broadcast %add3A_219 : i32 to vector<16xi32>
    %add3A_221 = arith.addi %iota3A, %add3A_220 : vector<16xi32>
    tpu.vector_store_idx %arg6[%add3A_221, %get3A_218], %broadcast_in_dim3A_3 : memref<32x1000xi32, #tpu.memory_space<vmem>>[vector<16xi32>, vector<16xi32>], vector<16xi32>,
    %add3A_222 = arith.constant 224 : i32
    %add3A_223 = arith.addi %mul3A_2, %add3A_222 : i32
    %dma_start3A_224 = arith.constant 0 : i32
    %dma_start3A_225 = tpu.memref_slice %arg3[%add3A_223, %dma_start3A_224] : memref<16384x1000xi32, #tpu.memory_space<hbm>> -> memref<32x1000xi32, #tpu.memory_space<hbm>>
    %dma_start3A_226 = arith.constant 0 : i32
    %dma_start3A_227 = tpu.memref_slice %arg3[%add3A_223, %dma_start3A_226] : memref<16384x1000xi32, #tpu.memory_space<hbm>> -> memref<32x1000xi32, #tpu.memory_space<hbm>>
    tpu.enqueue_dma source(%arg6 : memref<32x1000xi32, #tpu.memory_space<vmem>>) target(%dma_start3A_227 : memref<32x1000xi32, #tpu.memory_space<hbm>>) target_semaphore(%arg8 : memref<!tpu.dma_semaphore, #tpu.memory_space<semaphore_mem>>)
    %dma_wait3A_228 = arith.constant 0 : i32
    %dma_wait3A_229 = tpu.memref_slice %arg3[%add3A_193, %dma_wait3A_228] : memref<16384x1000xi32, #tpu.memory_space<hbm>> -> memref<32x1000xi32, #tpu.memory_space<hbm>>
    %dma_wait3A_230 = arith.constant 0 : i32
    %dma_wait3A_231 = tpu.memref_slice %arg3[%add3A_193, %dma_wait3A_230] : memref<16384x1000xi32, #tpu.memory_space<hbm>> -> memref<32x1000xi32, #tpu.memory_space<hbm>>
    tpu.wait_dma2 semaphore(%arg7 : memref<!tpu.dma_semaphore, #tpu.memory_space<semaphore_mem>>) src(%arg5 : memref<32x1000xi32, #tpu.memory_space<vmem>>) dst(%dma_wait3A_231 : memref<32x1000xi32, #tpu.memory_space<hbm>>)
    %get3A_232 = arith.constant 192 : index
    %get3A_233 = tpu.vector_load %arg4[%get3A_232] {strides = array<i32>} : memref<512xi32, #tpu.memory_space<vmem>>, vector<16xi32>,
    %add3A_234 = arith.constant 0 : i32
    %add3A_235 = vector.broadcast %add3A_234 : i32 to vector<16xi32>
    %add3A_236 = arith.addi %iota3A, %add3A_235 : vector<16xi32>
    tpu.vector_store_idx %arg5[%add3A_236, %get3A_233], %broadcast_in_dim3A_5 : memref<32x1000xi32, #tpu.memory_space<vmem>>[vector<16xi32>, vector<16xi32>], vector<16xi32>,
    %get3A_237 = arith.constant 208 : index
    %get3A_238 = tpu.vector_load %arg4[%get3A_237] {strides = array<i32>} : memref<512xi32, #tpu.memory_space<vmem>>, vector<16xi32>,
    %add3A_239 = arith.constant 16 : i32
    %add3A_240 = vector.broadcast %add3A_239 : i32 to vector<16xi32>
    %add3A_241 = arith.addi %iota3A, %add3A_240 : vector<16xi32>
    tpu.vector_store_idx %arg5[%add3A_241, %get3A_238], %broadcast_in_dim3A_5 : memref<32x1000xi32, #tpu.memory_space<vmem>>[vector<16xi32>, vector<16xi32>], vector<16xi32>,
    %get3A_242 = arith.constant 256 : index
    %get3A_243 = tpu.vector_load %arg4[%get3A_242] {strides = array<i32>} : memref<512xi32, #tpu.memory_space<vmem>>, vector<16xi32>,
    %add3A_244 = arith.constant 0 : i32
    %add3A_245 = vector.broadcast %add3A_244 : i32 to vector<16xi32>
    %add3A_246 = arith.addi %iota3A, %add3A_245 : vector<16xi32>
    tpu.vector_store_idx %arg5[%add3A_246, %get3A_243], %broadcast_in_dim3A_3 : memref<32x1000xi32, #tpu.memory_space<vmem>>[vector<16xi32>, vector<16xi32>], vector<16xi32>,
    %get3A_247 = arith.constant 272 : index
    %get3A_248 = tpu.vector_load %arg4[%get3A_247] {strides = array<i32>} : memref<512xi32, #tpu.memory_space<vmem>>, vector<16xi32>,
    %add3A_249 = arith.constant 16 : i32
    %add3A_250 = vector.broadcast %add3A_249 : i32 to vector<16xi32>
    %add3A_251 = arith.addi %iota3A, %add3A_250 : vector<16xi32>
    tpu.vector_store_idx %arg5[%add3A_251, %get3A_248], %broadcast_in_dim3A_3 : memref<32x1000xi32, #tpu.memory_space<vmem>>[vector<16xi32>, vector<16xi32>], vector<16xi32>,
    %add3A_252 = arith.constant 256 : i32
    %add3A_253 = arith.addi %mul3A_2, %add3A_252 : i32
    %dma_start3A_254 = arith.constant 0 : i32
    %dma_start3A_255 = tpu.memref_slice %arg3[%add3A_253, %dma_start3A_254] : memref<16384x1000xi32, #tpu.memory_space<hbm>> -> memref<32x1000xi32, #tpu.memory_space<hbm>>
    %dma_start3A_256 = arith.constant 0 : i32
    %dma_start3A_257 = tpu.memref_slice %arg3[%add3A_253, %dma_start3A_256] : memref<16384x1000xi32, #tpu.memory_space<hbm>> -> memref<32x1000xi32, #tpu.memory_space<hbm>>
    tpu.enqueue_dma source(%arg5 : memref<32x1000xi32, #tpu.memory_space<vmem>>) target(%dma_start3A_257 : memref<32x1000xi32, #tpu.memory_space<hbm>>) target_semaphore(%arg7 : memref<!tpu.dma_semaphore, #tpu.memory_space<semaphore_mem>>)
    %dma_wait3A_258 = arith.constant 0 : i32
    %dma_wait3A_259 = tpu.memref_slice %arg3[%add3A_223, %dma_wait3A_258] : memref<16384x1000xi32, #tpu.memory_space<hbm>> -> memref<32x1000xi32, #tpu.memory_space<hbm>>
    %dma_wait3A_260 = arith.constant 0 : i32
    %dma_wait3A_261 = tpu.memref_slice %arg3[%add3A_223, %dma_wait3A_260] : memref<16384x1000xi32, #tpu.memory_space<hbm>> -> memref<32x1000xi32, #tpu.memory_space<hbm>>
    tpu.wait_dma2 semaphore(%arg8 : memref<!tpu.dma_semaphore, #tpu.memory_space<semaphore_mem>>) src(%arg6 : memref<32x1000xi32, #tpu.memory_space<vmem>>) dst(%dma_wait3A_261 : memref<32x1000xi32, #tpu.memory_space<hbm>>)
    %get3A_262 = arith.constant 224 : index
    %get3A_263 = tpu.vector_load %arg4[%get3A_262] {strides = array<i32>} : memref<512xi32, #tpu.memory_space<vmem>>, vector<16xi32>,
    %add3A_264 = arith.constant 0 : i32
    %add3A_265 = vector.broadcast %add3A_264 : i32 to vector<16xi32>
    %add3A_266 = arith.addi %iota3A, %add3A_265 : vector<16xi32>
    tpu.vector_store_idx %arg6[%add3A_266, %get3A_263], %broadcast_in_dim3A_5 : memref<32x1000xi32, #tpu.memory_space<vmem>>[vector<16xi32>, vector<16xi32>], vector<16xi32>,
    %get3A_267 = arith.constant 240 : index
    %get3A_268 = tpu.vector_load %arg4[%get3A_267] {strides = array<i32>} : memref<512xi32, #tpu.memory_space<vmem>>, vector<16xi32>,
    %add3A_269 = arith.constant 16 : i32
    %add3A_270 = vector.broadcast %add3A_269 : i32 to vector<16xi32>
    %add3A_271 = arith.addi %iota3A, %add3A_270 : vector<16xi32>
    tpu.vector_store_idx %arg6[%add3A_271, %get3A_268], %broadcast_in_dim3A_5 : memref<32x1000xi32, #tpu.memory_space<vmem>>[vector<16xi32>, vector<16xi32>], vector<16xi32>,
    %get3A_272 = arith.constant 288 : index
    %get3A_273 = tpu.vector_load %arg4[%get3A_272] {strides = array<i32>} : memref<512xi32, #tpu.memory_space<vmem>>, vector<16xi32>,
    %add3A_274 = arith.constant 0 : i32
    %add3A_275 = vector.broadcast %add3A_274 : i32 to vector<16xi32>
    %add3A_276 = arith.addi %iota3A, %add3A_275 : vector<16xi32>
    tpu.vector_store_idx %arg6[%add3A_276, %get3A_273], %broadcast_in_dim3A_3 : memref<32x1000xi32, #tpu.memory_space<vmem>>[vector<16xi32>, vector<16xi32>], vector<16xi32>,
    %get3A_277 = arith.constant 304 : index
    %get3A_278 = tpu.vector_load %arg4[%get3A_277] {strides = array<i32>} : memref<512xi32, #tpu.memory_space<vmem>>, vector<16xi32>,
    %add3A_279 = arith.constant 16 : i32
    %add3A_280 = vector.broadcast %add3A_279 : i32 to vector<16xi32>
    %add3A_281 = arith.addi %iota3A, %add3A_280 : vector<16xi32>
    tpu.vector_store_idx %arg6[%add3A_281, %get3A_278], %broadcast_in_dim3A_3 : memref<32x1000xi32, #tpu.memory_space<vmem>>[vector<16xi32>, vector<16xi32>], vector<16xi32>,
    %add3A_282 = arith.constant 288 : i32
    %add3A_283 = arith.addi %mul3A_2, %add3A_282 : i32
    %dma_start3A_284 = arith.constant 0 : i32
    %dma_start3A_285 = tpu.memref_slice %arg3[%add3A_283, %dma_start3A_284] : memref<16384x1000xi32, #tpu.memory_space<hbm>> -> memref<32x1000xi32, #tpu.memory_space<hbm>>
    %dma_start3A_286 = arith.constant 0 : i32
    %dma_start3A_287 = tpu.memref_slice %arg3[%add3A_283, %dma_start3A_286] : memref<16384x1000xi32, #tpu.memory_space<hbm>> -> memref<32x1000xi32, #tpu.memory_space<hbm>>
    tpu.enqueue_dma source(%arg6 : memref<32x1000xi32, #tpu.memory_space<vmem>>) target(%dma_start3A_287 : memref<32x1000xi32, #tpu.memory_space<hbm>>) target_semaphore(%arg8 : memref<!tpu.dma_semaphore, #tpu.memory_space<semaphore_mem>>)
    %dma_wait3A_288 = arith.constant 0 : i32
    %dma_wait3A_289 = tpu.memref_slice %arg3[%add3A_253, %dma_wait3A_288] : memref<16384x1000xi32, #tpu.memory_space<hbm>> -> memref<32x1000xi32, #tpu.memory_space<hbm>>
    %dma_wait3A_290 = arith.constant 0 : i32
    %dma_wait3A_291 = tpu.memref_slice %arg3[%add3A_253, %dma_wait3A_290] : memref<16384x1000xi32, #tpu.memory_space<hbm>> -> memref<32x1000xi32, #tpu.memory_space<hbm>>
    tpu.wait_dma2 semaphore(%arg7 : memref<!tpu.dma_semaphore, #tpu.memory_space<semaphore_mem>>) src(%arg5 : memref<32x1000xi32, #tpu.memory_space<vmem>>) dst(%dma_wait3A_291 : memref<32x1000xi32, #tpu.memory_space<hbm>>)
    %get3A_292 = arith.constant 256 : index
    %get3A_293 = tpu.vector_load %arg4[%get3A_292] {strides = array<i32>} : memref<512xi32, #tpu.memory_space<vmem>>, vector<16xi32>,
    %add3A_294 = arith.constant 0 : i32
    %add3A_295 = vector.broadcast %add3A_294 : i32 to vector<16xi32>
    %add3A_296 = arith.addi %iota3A, %add3A_295 : vector<16xi32>
    tpu.vector_store_idx %arg5[%add3A_296, %get3A_293], %broadcast_in_dim3A_5 : memref<32x1000xi32, #tpu.memory_space<vmem>>[vector<16xi32>, vector<16xi32>], vector<16xi32>,
    %get3A_297 = arith.constant 272 : index
    %get3A_298 = tpu.vector_load %arg4[%get3A_297] {strides = array<i32>} : memref<512xi32, #tpu.memory_space<vmem>>, vector<16xi32>,
    %add3A_299 = arith.constant 16 : i32
    %add3A_300 = vector.broadcast %add3A_299 : i32 to vector<16xi32>
    %add3A_301 = arith.addi %iota3A, %add3A_300 : vector<16xi32>
    tpu.vector_store_idx %arg5[%add3A_301, %get3A_298], %broadcast_in_dim3A_5 : memref<32x1000xi32, #tpu.memory_space<vmem>>[vector<16xi32>, vector<16xi32>], vector<16xi32>,
    %get3A_302 = arith.constant 320 : index
    %get3A_303 = tpu.vector_load %arg4[%get3A_302] {strides = array<i32>} : memref<512xi32, #tpu.memory_space<vmem>>, vector<16xi32>,
    %add3A_304 = arith.constant 0 : i32
    %add3A_305 = vector.broadcast %add3A_304 : i32 to vector<16xi32>
    %add3A_306 = arith.addi %iota3A, %add3A_305 : vector<16xi32>
    tpu.vector_store_idx %arg5[%add3A_306, %get3A_303], %broadcast_in_dim3A_3 : memref<32x1000xi32, #tpu.memory_space<vmem>>[vector<16xi32>, vector<16xi32>], vector<16xi32>,
    %get3A_307 = arith.constant 336 : index
    %get3A_308 = tpu.vector_load %arg4[%get3A_307] {strides = array<i32>} : memref<512xi32, #tpu.memory_space<vmem>>, vector<16xi32>,
    %add3A_309 = arith.constant 16 : i32
    %add3A_310 = vector.broadcast %add3A_309 : i32 to vector<16xi32>
    %add3A_311 = arith.addi %iota3A, %add3A_310 : vector<16xi32>
    tpu.vector_store_idx %arg5[%add3A_311, %get3A_308], %broadcast_in_dim3A_3 : memref<32x1000xi32, #tpu.memory_space<vmem>>[vector<16xi32>, vector<16xi32>], vector<16xi32>,
    %add3A_312 = arith.constant 320 : i32
    %add3A_313 = arith.addi %mul3A_2, %add3A_312 : i32
    %dma_start3A_314 = arith.constant 0 : i32
    %dma_start3A_315 = tpu.memref_slice %arg3[%add3A_313, %dma_start3A_314] : memref<16384x1000xi32, #tpu.memory_space<hbm>> -> memref<32x1000xi32, #tpu.memory_space<hbm>>
    %dma_start3A_316 = arith.constant 0 : i32
    %dma_start3A_317 = tpu.memref_slice %arg3[%add3A_313, %dma_start3A_316] : memref<16384x1000xi32, #tpu.memory_space<hbm>> -> memref<32x1000xi32, #tpu.memory_space<hbm>>
    tpu.enqueue_dma source(%arg5 : memref<32x1000xi32, #tpu.memory_space<vmem>>) target(%dma_start3A_317 : memref<32x1000xi32, #tpu.memory_space<hbm>>) target_semaphore(%arg7 : memref<!tpu.dma_semaphore, #tpu.memory_space<semaphore_mem>>)
    %dma_wait3A_318 = arith.constant 0 : i32
    %dma_wait3A_319 = tpu.memref_slice %arg3[%add3A_283, %dma_wait3A_318] : memref<16384x1000xi32, #tpu.memory_space<hbm>> -> memref<32x1000xi32, #tpu.memory_space<hbm>>
    %dma_wait3A_320 = arith.constant 0 : i32
    %dma_wait3A_321 = tpu.memref_slice %arg3[%add3A_283, %dma_wait3A_320] : memref<16384x1000xi32, #tpu.memory_space<hbm>> -> memref<32x1000xi32, #tpu.memory_space<hbm>>
    tpu.wait_dma2 semaphore(%arg8 : memref<!tpu.dma_semaphore, #tpu.memory_space<semaphore_mem>>) src(%arg6 : memref<32x1000xi32, #tpu.memory_space<vmem>>) dst(%dma_wait3A_321 : memref<32x1000xi32, #tpu.memory_space<hbm>>)
    %get3A_322 = arith.constant 288 : index
    %get3A_323 = tpu.vector_load %arg4[%get3A_322] {strides = array<i32>} : memref<512xi32, #tpu.memory_space<vmem>>, vector<16xi32>,
    %add3A_324 = arith.constant 0 : i32
    %add3A_325 = vector.broadcast %add3A_324 : i32 to vector<16xi32>
    %add3A_326 = arith.addi %iota3A, %add3A_325 : vector<16xi32>
    tpu.vector_store_idx %arg6[%add3A_326, %get3A_323], %broadcast_in_dim3A_5 : memref<32x1000xi32, #tpu.memory_space<vmem>>[vector<16xi32>, vector<16xi32>], vector<16xi32>,
    %get3A_327 = arith.constant 304 : index
    %get3A_328 = tpu.vector_load %arg4[%get3A_327] {strides = array<i32>} : memref<512xi32, #tpu.memory_space<vmem>>, vector<16xi32>,
    %add3A_329 = arith.constant 16 : i32
    %add3A_330 = vector.broadcast %add3A_329 : i32 to vector<16xi32>
    %add3A_331 = arith.addi %iota3A, %add3A_330 : vector<16xi32>
    tpu.vector_store_idx %arg6[%add3A_331, %get3A_328], %broadcast_in_dim3A_5 : memref<32x1000xi32, #tpu.memory_space<vmem>>[vector<16xi32>, vector<16xi32>], vector<16xi32>,
    %get3A_332 = arith.constant 352 : index
    %get3A_333 = tpu.vector_load %arg4[%get3A_332] {strides = array<i32>} : memref<512xi32, #tpu.memory_space<vmem>>, vector<16xi32>,
    %add3A_334 = arith.constant 0 : i32
    %add3A_335 = vector.broadcast %add3A_334 : i32 to vector<16xi32>
    %add3A_336 = arith.addi %iota3A, %add3A_335 : vector<16xi32>
    tpu.vector_store_idx %arg6[%add3A_336, %get3A_333], %broadcast_in_dim3A_3 : memref<32x1000xi32, #tpu.memory_space<vmem>>[vector<16xi32>, vector<16xi32>], vector<16xi32>,
    %get3A_337 = arith.constant 368 : index
    %get3A_338 = tpu.vector_load %arg4[%get3A_337] {strides = array<i32>} : memref<512xi32, #tpu.memory_space<vmem>>, vector<16xi32>,
    %add3A_339 = arith.constant 16 : i32
    %add3A_340 = vector.broadcast %add3A_339 : i32 to vector<16xi32>
    %add3A_341 = arith.addi %iota3A, %add3A_340 : vector<16xi32>
    tpu.vector_store_idx %arg6[%add3A_341, %get3A_338], %broadcast_in_dim3A_3 : memref<32x1000xi32, #tpu.memory_space<vmem>>[vector<16xi32>, vector<16xi32>], vector<16xi32>,
    %add3A_342 = arith.constant 352 : i32
    %add3A_343 = arith.addi %mul3A_2, %add3A_342 : i32
    %dma_start3A_344 = arith.constant 0 : i32
    %dma_start3A_345 = tpu.memref_slice %arg3[%add3A_343, %dma_start3A_344] : memref<16384x1000xi32, #tpu.memory_space<hbm>> -> memref<32x1000xi32, #tpu.memory_space<hbm>>
    %dma_start3A_346 = arith.constant 0 : i32
    %dma_start3A_347 = tpu.memref_slice %arg3[%add3A_343, %dma_start3A_346] : memref<16384x1000xi32, #tpu.memory_space<hbm>> -> memref<32x1000xi32, #tpu.memory_space<hbm>>
    tpu.enqueue_dma source(%arg6 : memref<32x1000xi32, #tpu.memory_space<vmem>>) target(%dma_start3A_347 : memref<32x1000xi32, #tpu.memory_space<hbm>>) target_semaphore(%arg8 : memref<!tpu.dma_semaphore, #tpu.memory_space<semaphore_mem>>)
    %dma_wait3A_348 = arith.constant 0 : i32
    %dma_wait3A_349 = tpu.memref_slice %arg3[%add3A_313, %dma_wait3A_348] : memref<16384x1000xi32, #tpu.memory_space<hbm>> -> memref<32x1000xi32, #tpu.memory_space<hbm>>
    %dma_wait3A_350 = arith.constant 0 : i32
    %dma_wait3A_351 = tpu.memref_slice %arg3[%add3A_313, %dma_wait3A_350] : memref<16384x1000xi32, #tpu.memory_space<hbm>> -> memref<32x1000xi32, #tpu.memory_space<hbm>>
    tpu.wait_dma2 semaphore(%arg7 : memref<!tpu.dma_semaphore, #tpu.memory_space<semaphore_mem>>) src(%arg5 : memref<32x1000xi32, #tpu.memory_space<vmem>>) dst(%dma_wait3A_351 : memref<32x1000xi32, #tpu.memory_space<hbm>>)
    %get3A_352 = arith.constant 320 : index
    %get3A_353 = tpu.vector_load %arg4[%get3A_352] {strides = array<i32>} : memref<512xi32, #tpu.memory_space<vmem>>, vector<16xi32>,
    %add3A_354 = arith.constant 0 : i32
    %add3A_355 = vector.broadcast %add3A_354 : i32 to vector<16xi32>
    %add3A_356 = arith.addi %iota3A, %add3A_355 : vector<16xi32>
    tpu.vector_store_idx %arg5[%add3A_356, %get3A_353], %broadcast_in_dim3A_5 : memref<32x1000xi32, #tpu.memory_space<vmem>>[vector<16xi32>, vector<16xi32>], vector<16xi32>,
    %get3A_357 = arith.constant 336 : index
    %get3A_358 = tpu.vector_load %arg4[%get3A_357] {strides = array<i32>} : memref<512xi32, #tpu.memory_space<vmem>>, vector<16xi32>,
    %add3A_359 = arith.constant 16 : i32
    %add3A_360 = vector.broadcast %add3A_359 : i32 to vector<16xi32>
    %add3A_361 = arith.addi %iota3A, %add3A_360 : vector<16xi32>
    tpu.vector_store_idx %arg5[%add3A_361, %get3A_358], %broadcast_in_dim3A_5 : memref<32x1000xi32, #tpu.memory_space<vmem>>[vector<16xi32>, vector<16xi32>], vector<16xi32>,
    %get3A_362 = arith.constant 384 : index
    %get3A_363 = tpu.vector_load %arg4[%get3A_362] {strides = array<i32>} : memref<512xi32, #tpu.memory_space<vmem>>, vector<16xi32>,
    %add3A_364 = arith.constant 0 : i32
    %add3A_365 = vector.broadcast %add3A_364 : i32 to vector<16xi32>
    %add3A_366 = arith.addi %iota3A, %add3A_365 : vector<16xi32>
    tpu.vector_store_idx %arg5[%add3A_366, %get3A_363], %broadcast_in_dim3A_3 : memref<32x1000xi32, #tpu.memory_space<vmem>>[vector<16xi32>, vector<16xi32>], vector<16xi32>,
    %get3A_367 = arith.constant 400 : index
    %get3A_368 = tpu.vector_load %arg4[%get3A_367] {strides = array<i32>} : memref<512xi32, #tpu.memory_space<vmem>>, vector<16xi32>,
    %add3A_369 = arith.constant 16 : i32
    %add3A_370 = vector.broadcast %add3A_369 : i32 to vector<16xi32>
    %add3A_371 = arith.addi %iota3A, %add3A_370 : vector<16xi32>
    tpu.vector_store_idx %arg5[%add3A_371, %get3A_368], %broadcast_in_dim3A_3 : memref<32x1000xi32, #tpu.memory_space<vmem>>[vector<16xi32>, vector<16xi32>], vector<16xi32>,
    %add3A_372 = arith.constant 384 : i32
    %add3A_373 = arith.addi %mul3A_2, %add3A_372 : i32
    %dma_start3A_374 = arith.constant 0 : i32
    %dma_start3A_375 = tpu.memref_slice %arg3[%add3A_373, %dma_start3A_374] : memref<16384x1000xi32, #tpu.memory_space<hbm>> -> memref<32x1000xi32, #tpu.memory_space<hbm>>
    %dma_start3A_376 = arith.constant 0 : i32
    %dma_start3A_377 = tpu.memref_slice %arg3[%add3A_373, %dma_start3A_376] : memref<16384x1000xi32, #tpu.memory_space<hbm>> -> memref<32x1000xi32, #tpu.memory_space<hbm>>
    tpu.enqueue_dma source(%arg5 : memref<32x1000xi32, #tpu.memory_space<vmem>>) target(%dma_start3A_377 : memref<32x1000xi32, #tpu.memory_space<hbm>>) target_semaphore(%arg7 : memref<!tpu.dma_semaphore, #tpu.memory_space<semaphore_mem>>)
    %dma_wait3A_378 = arith.constant 0 : i32
    %dma_wait3A_379 = tpu.memref_slice %arg3[%add3A_343, %dma_wait3A_378] : memref<16384x1000xi32, #tpu.memory_space<hbm>> -> memref<32x1000xi32, #tpu.memory_space<hbm>>
    %dma_wait3A_380 = arith.constant 0 : i32
    %dma_wait3A_381 = tpu.memref_slice %arg3[%add3A_343, %dma_wait3A_380] : memref<16384x1000xi32, #tpu.memory_space<hbm>> -> memref<32x1000xi32, #tpu.memory_space<hbm>>
    tpu.wait_dma2 semaphore(%arg8 : memref<!tpu.dma_semaphore, #tpu.memory_space<semaphore_mem>>) src(%arg6 : memref<32x1000xi32, #tpu.memory_space<vmem>>) dst(%dma_wait3A_381 : memref<32x1000xi32, #tpu.memory_space<hbm>>)
    %get3A_382 = arith.constant 352 : index
    %get3A_383 = tpu.vector_load %arg4[%get3A_382] {strides = array<i32>} : memref<512xi32, #tpu.memory_space<vmem>>, vector<16xi32>,
    %add3A_384 = arith.constant 0 : i32
    %add3A_385 = vector.broadcast %add3A_384 : i32 to vector<16xi32>
    %add3A_386 = arith.addi %iota3A, %add3A_385 : vector<16xi32>
    tpu.vector_store_idx %arg6[%add3A_386, %get3A_383], %broadcast_in_dim3A_5 : memref<32x1000xi32, #tpu.memory_space<vmem>>[vector<16xi32>, vector<16xi32>], vector<16xi32>,
    %get3A_387 = arith.constant 368 : index
    %get3A_388 = tpu.vector_load %arg4[%get3A_387] {strides = array<i32>} : memref<512xi32, #tpu.memory_space<vmem>>, vector<16xi32>,
    %add3A_389 = arith.constant 16 : i32
    %add3A_390 = vector.broadcast %add3A_389 : i32 to vector<16xi32>
    %add3A_391 = arith.addi %iota3A, %add3A_390 : vector<16xi32>
    tpu.vector_store_idx %arg6[%add3A_391, %get3A_388], %broadcast_in_dim3A_5 : memref<32x1000xi32, #tpu.memory_space<vmem>>[vector<16xi32>, vector<16xi32>], vector<16xi32>,
    %get3A_392 = arith.constant 416 : index
    %get3A_393 = tpu.vector_load %arg4[%get3A_392] {strides = array<i32>} : memref<512xi32, #tpu.memory_space<vmem>>, vector<16xi32>,
    %add3A_394 = arith.constant 0 : i32
    %add3A_395 = vector.broadcast %add3A_394 : i32 to vector<16xi32>
    %add3A_396 = arith.addi %iota3A, %add3A_395 : vector<16xi32>
    tpu.vector_store_idx %arg6[%add3A_396, %get3A_393], %broadcast_in_dim3A_3 : memref<32x1000xi32, #tpu.memory_space<vmem>>[vector<16xi32>, vector<16xi32>], vector<16xi32>,
    %get3A_397 = arith.constant 432 : index
    %get3A_398 = tpu.vector_load %arg4[%get3A_397] {strides = array<i32>} : memref<512xi32, #tpu.memory_space<vmem>>, vector<16xi32>,
    %add3A_399 = arith.constant 16 : i32
    %add3A_400 = vector.broadcast %add3A_399 : i32 to vector<16xi32>
    %add3A_401 = arith.addi %iota3A, %add3A_400 : vector<16xi32>
    tpu.vector_store_idx %arg6[%add3A_401, %get3A_398], %broadcast_in_dim3A_3 : memref<32x1000xi32, #tpu.memory_space<vmem>>[vector<16xi32>, vector<16xi32>], vector<16xi32>,
    %add3A_402 = arith.constant 416 : i32
    %add3A_403 = arith.addi %mul3A_2, %add3A_402 : i32
    %dma_start3A_404 = arith.constant 0 : i32
    %dma_start3A_405 = tpu.memref_slice %arg3[%add3A_403, %dma_start3A_404] : memref<16384x1000xi32, #tpu.memory_space<hbm>> -> memref<32x1000xi32, #tpu.memory_space<hbm>>
    %dma_start3A_406 = arith.constant 0 : i32
    %dma_start3A_407 = tpu.memref_slice %arg3[%add3A_403, %dma_start3A_406] : memref<16384x1000xi32, #tpu.memory_space<hbm>> -> memref<32x1000xi32, #tpu.memory_space<hbm>>
    tpu.enqueue_dma source(%arg6 : memref<32x1000xi32, #tpu.memory_space<vmem>>) target(%dma_start3A_407 : memref<32x1000xi32, #tpu.memory_space<hbm>>) target_semaphore(%arg8 : memref<!tpu.dma_semaphore, #tpu.memory_space<semaphore_mem>>)
    %dma_wait3A_408 = arith.constant 0 : i32
    %dma_wait3A_409 = tpu.memref_slice %arg3[%add3A_373, %dma_wait3A_408] : memref<16384x1000xi32, #tpu.memory_space<hbm>> -> memref<32x1000xi32, #tpu.memory_space<hbm>>
    %dma_wait3A_410 = arith.constant 0 : i32
    %dma_wait3A_411 = tpu.memref_slice %arg3[%add3A_373, %dma_wait3A_410] : memref<16384x1000xi32, #tpu.memory_space<hbm>> -> memref<32x1000xi32, #tpu.memory_space<hbm>>
    tpu.wait_dma2 semaphore(%arg7 : memref<!tpu.dma_semaphore, #tpu.memory_space<semaphore_mem>>) src(%arg5 : memref<32x1000xi32, #tpu.memory_space<vmem>>) dst(%dma_wait3A_411 : memref<32x1000xi32, #tpu.memory_space<hbm>>)
    %get3A_412 = arith.constant 384 : index
    %get3A_413 = tpu.vector_load %arg4[%get3A_412] {strides = array<i32>} : memref<512xi32, #tpu.memory_space<vmem>>, vector<16xi32>,
    %add3A_414 = arith.constant 0 : i32
    %add3A_415 = vector.broadcast %add3A_414 : i32 to vector<16xi32>
    %add3A_416 = arith.addi %iota3A, %add3A_415 : vector<16xi32>
    tpu.vector_store_idx %arg5[%add3A_416, %get3A_413], %broadcast_in_dim3A_5 : memref<32x1000xi32, #tpu.memory_space<vmem>>[vector<16xi32>, vector<16xi32>], vector<16xi32>,
    %get3A_417 = arith.constant 400 : index
    %get3A_418 = tpu.vector_load %arg4[%get3A_417] {strides = array<i32>} : memref<512xi32, #tpu.memory_space<vmem>>, vector<16xi32>,
    %add3A_419 = arith.constant 16 : i32
    %add3A_420 = vector.broadcast %add3A_419 : i32 to vector<16xi32>
    %add3A_421 = arith.addi %iota3A, %add3A_420 : vector<16xi32>
    tpu.vector_store_idx %arg5[%add3A_421, %get3A_418], %broadcast_in_dim3A_5 : memref<32x1000xi32, #tpu.memory_space<vmem>>[vector<16xi32>, vector<16xi32>], vector<16xi32>,
    %get3A_422 = arith.constant 448 : index
    %get3A_423 = tpu.vector_load %arg4[%get3A_422] {strides = array<i32>} : memref<512xi32, #tpu.memory_space<vmem>>, vector<16xi32>,
    %add3A_424 = arith.constant 0 : i32
    %add3A_425 = vector.broadcast %add3A_424 : i32 to vector<16xi32>
    %add3A_426 = arith.addi %iota3A, %add3A_425 : vector<16xi32>
    tpu.vector_store_idx %arg5[%add3A_426, %get3A_423], %broadcast_in_dim3A_3 : memref<32x1000xi32, #tpu.memory_space<vmem>>[vector<16xi32>, vector<16xi32>], vector<16xi32>,
    %get3A_427 = arith.constant 464 : index
    %get3A_428 = tpu.vector_load %arg4[%get3A_427] {strides = array<i32>} : memref<512xi32, #tpu.memory_space<vmem>>, vector<16xi32>,
    %add3A_429 = arith.constant 16 : i32
    %add3A_430 = vector.broadcast %add3A_429 : i32 to vector<16xi32>
    %add3A_431 = arith.addi %iota3A, %add3A_430 : vector<16xi32>
    tpu.vector_store_idx %arg5[%add3A_431, %get3A_428], %broadcast_in_dim3A_3 : memref<32x1000xi32, #tpu.memory_space<vmem>>[vector<16xi32>, vector<16xi32>], vector<16xi32>,
    %add3A_432 = arith.constant 448 : i32
    %add3A_433 = arith.addi %mul3A_2, %add3A_432 : i32
    %dma_start3A_434 = arith.constant 0 : i32
    %dma_start3A_435 = tpu.memref_slice %arg3[%add3A_433, %dma_start3A_434] : memref<16384x1000xi32, #tpu.memory_space<hbm>> -> memref<32x1000xi32, #tpu.memory_space<hbm>>
    %dma_start3A_436 = arith.constant 0 : i32
    %dma_start3A_437 = tpu.memref_slice %arg3[%add3A_433, %dma_start3A_436] : memref<16384x1000xi32, #tpu.memory_space<hbm>> -> memref<32x1000xi32, #tpu.memory_space<hbm>>
    tpu.enqueue_dma source(%arg5 : memref<32x1000xi32, #tpu.memory_space<vmem>>) target(%dma_start3A_437 : memref<32x1000xi32, #tpu.memory_space<hbm>>) target_semaphore(%arg7 : memref<!tpu.dma_semaphore, #tpu.memory_space<semaphore_mem>>)
    %dma_wait3A_438 = arith.constant 0 : i32
    %dma_wait3A_439 = tpu.memref_slice %arg3[%add3A_403, %dma_wait3A_438] : memref<16384x1000xi32, #tpu.memory_space<hbm>> -> memref<32x1000xi32, #tpu.memory_space<hbm>>
    %dma_wait3A_440 = arith.constant 0 : i32
    %dma_wait3A_441 = tpu.memref_slice %arg3[%add3A_403, %dma_wait3A_440] : memref<16384x1000xi32, #tpu.memory_space<hbm>> -> memref<32x1000xi32, #tpu.memory_space<hbm>>
    tpu.wait_dma2 semaphore(%arg8 : memref<!tpu.dma_semaphore, #tpu.memory_space<semaphore_mem>>) src(%arg6 : memref<32x1000xi32, #tpu.memory_space<vmem>>) dst(%dma_wait3A_441 : memref<32x1000xi32, #tpu.memory_space<hbm>>)
    %get3A_442 = arith.constant 416 : index
    %get3A_443 = tpu.vector_load %arg4[%get3A_442] {strides = array<i32>} : memref<512xi32, #tpu.memory_space<vmem>>, vector<16xi32>,
    %add3A_444 = arith.constant 0 : i32
    %add3A_445 = vector.broadcast %add3A_444 : i32 to vector<16xi32>
    %add3A_446 = arith.addi %iota3A, %add3A_445 : vector<16xi32>
    tpu.vector_store_idx %arg6[%add3A_446, %get3A_443], %broadcast_in_dim3A_5 : memref<32x1000xi32, #tpu.memory_space<vmem>>[vector<16xi32>, vector<16xi32>], vector<16xi32>,
    %get3A_447 = arith.constant 432 : index
    %get3A_448 = tpu.vector_load %arg4[%get3A_447] {strides = array<i32>} : memref<512xi32, #tpu.memory_space<vmem>>, vector<16xi32>,
    %add3A_449 = arith.constant 16 : i32
    %add3A_450 = vector.broadcast %add3A_449 : i32 to vector<16xi32>
    %add3A_451 = arith.addi %iota3A, %add3A_450 : vector<16xi32>
    tpu.vector_store_idx %arg6[%add3A_451, %get3A_448], %broadcast_in_dim3A_5 : memref<32x1000xi32, #tpu.memory_space<vmem>>[vector<16xi32>, vector<16xi32>], vector<16xi32>,
    %get3A_452 = arith.constant 480 : index
    %get3A_453 = tpu.vector_load %arg4[%get3A_452] {strides = array<i32>} : memref<512xi32, #tpu.memory_space<vmem>>, vector<16xi32>,
    %add3A_454 = arith.constant 0 : i32
    %add3A_455 = vector.broadcast %add3A_454 : i32 to vector<16xi32>
    %add3A_456 = arith.addi %iota3A, %add3A_455 : vector<16xi32>
    tpu.vector_store_idx %arg6[%add3A_456, %get3A_453], %broadcast_in_dim3A_3 : memref<32x1000xi32, #tpu.memory_space<vmem>>[vector<16xi32>, vector<16xi32>], vector<16xi32>,
    %get3A_457 = arith.constant 496 : index
    %get3A_458 = tpu.vector_load %arg4[%get3A_457] {strides = array<i32>} : memref<512xi32, #tpu.memory_space<vmem>>, vector<16xi32>,
    %add3A_459 = arith.constant 16 : i32
    %add3A_460 = vector.broadcast %add3A_459 : i32 to vector<16xi32>
    %add3A_461 = arith.addi %iota3A, %add3A_460 : vector<16xi32>
    tpu.vector_store_idx %arg6[%add3A_461, %get3A_458], %broadcast_in_dim3A_3 : memref<32x1000xi32, #tpu.memory_space<vmem>>[vector<16xi32>, vector<16xi32>], vector<16xi32>,
    %add3A_462 = arith.constant 480 : i32
    %add3A_463 = arith.addi %mul3A_2, %add3A_462 : i32
    %dma_start3A_464 = arith.constant 0 : i32
    %dma_start3A_465 = tpu.memref_slice %arg3[%add3A_463, %dma_start3A_464] : memref<16384x1000xi32, #tpu.memory_space<hbm>> -> memref<32x1000xi32, #tpu.memory_space<hbm>>
    %dma_start3A_466 = arith.constant 0 : i32
    %dma_start3A_467 = tpu.memref_slice %arg3[%add3A_463, %dma_start3A_466] : memref<16384x1000xi32, #tpu.memory_space<hbm>> -> memref<32x1000xi32, #tpu.memory_space<hbm>>
    tpu.enqueue_dma source(%arg6 : memref<32x1000xi32, #tpu.memory_space<vmem>>) target(%dma_start3A_467 : memref<32x1000xi32, #tpu.memory_space<hbm>>) target_semaphore(%arg8 : memref<!tpu.dma_semaphore, #tpu.memory_space<semaphore_mem>>)
    %dma_wait3A_468 = arith.constant 0 : i32
    %dma_wait3A_469 = tpu.memref_slice %arg3[%add3A_433, %dma_wait3A_468] : memref<16384x1000xi32, #tpu.memory_space<hbm>> -> memref<32x1000xi32, #tpu.memory_space<hbm>>
    %dma_wait3A_470 = arith.constant 0 : i32
    %dma_wait3A_471 = tpu.memref_slice %arg3[%add3A_433, %dma_wait3A_470] : memref<16384x1000xi32, #tpu.memory_space<hbm>> -> memref<32x1000xi32, #tpu.memory_space<hbm>>
    tpu.wait_dma2 semaphore(%arg7 : memref<!tpu.dma_semaphore, #tpu.memory_space<semaphore_mem>>) src(%arg5 : memref<32x1000xi32, #tpu.memory_space<vmem>>) dst(%dma_wait3A_471 : memref<32x1000xi32, #tpu.memory_space<hbm>>)
    %dma_wait3A_472 = arith.constant 0 : i32
    %dma_wait3A_473 = tpu.memref_slice %arg3[%add3A_463, %dma_wait3A_472] : memref<16384x1000xi32, #tpu.memory_space<hbm>> -> memref<32x1000xi32, #tpu.memory_space<hbm>>
    %dma_wait3A_474 = arith.constant 0 : i32
    %dma_wait3A_475 = tpu.memref_slice %arg3[%add3A_463, %dma_wait3A_474] : memref<16384x1000xi32, #tpu.memory_space<hbm>> -> memref<32x1000xi32, #tpu.memory_space<hbm>>
    tpu.wait_dma2 semaphore(%arg8 : memref<!tpu.dma_semaphore, #tpu.memory_space<semaphore_mem>>) src(%arg6 : memref<32x1000xi32, #tpu.memory_space<vmem>>) dst(%dma_wait3A_475 : memref<32x1000xi32, #tpu.memory_space<hbm>>)
    return
  }
}

</mosaic_0001>

<sc_bundles>
// kernel: kernel.3.cloned.1.call-start
scs
__scs_entry_jumppad:
0x0: {  	(pc) =	sbr.rel $0x88, $3  }
0x1: {  	(tag) =	ssettag $0x0;
	lr =	simm.s32 $0x1  }
0x2: {  	[smem:$0x3FA0] =	sst lr;
	_ =	strace $0xD0000000  }
0x3: {  	_ = 	snop  }
0x4: {  	_ = 	snop  }
0x5: {  	_ = 	snop  }
0x6: {  	_ = 	snop  }
0x7: {  	_ = 	snop  }
__scs_overlays_trampoline_lowered:
0x8: {  	[smem:$0x3FAF] =	sst s0  }
0x9: {  	[smem:$0x3FB0] =	sst s1  }
0xa: {  	[smem:$0x3FB1] =	sst s2  }
0xb: {  	[smem:$0x3FB2] =	sst s3  }
0xc: {  	[smem:$0x3FB3] =	sst s4  }
0xd: {  	[smem:$0x3FB4] =	sst s5  }
0xe: {  	[smem:$0x3FB5] =	sst s6  }
0xf: {  	[smem:$0x3FB6] =	sst s7  }
0x10: {  	[smem:$0x3FB7] =	sst s8  }
0x11: {  	[smem:$0x3FB8] =	sst s9;
	s0 =	simm.s32 @!p0 $0x0  }
0x12: {  	s1 =	sld [smem:$0x3F9E];
	s0 =	simm.s32 @p0 $0x1  }
0x13: {  	[smem:$0x3FB9] =	sst s0;
	s0 =	simm.s32 @!p1 $0x0  }
0x14: {  	s2 =	sld [smem:$0x3F9D];
	s0 =	simm.s32 @p1 $0x1  }
0x15: {  	[smem:$0x3FBA] =	sst s0;
	s0 =	simm.s32 @!p2 $0x0  }
0x16: {  	s3 =	sld [smem:$0x3FDB];
	s0 =	simm.s32 @p2 $0x1  }
0x17: {  	s4 =	simm.s32 $0x1BF5;
	[smem:$0x3FBC] =	sst s0  }
0x18: {  	s0 =	sld [smem:$0x3F9F];
	_ =	swait.ge [sflag:s4], $0x0  }
0x19: {  	s7 =	sld [smem:$0x3FA0]  }
0x1a: {  	s8 =	sadd.s32 $0xFFFFE003, lr  }
0x1b: {  	s9 =	sadd.s32 $0xFFFFFEF7, lr;
	s5 =	simm.s32 $0xFFFFFFFF;
	p2 =	slt.u32 s8, $0xFFFFF086  }
0x1c: {  	p1 =	slt.u32 s9, $0xF7A;
	s5 =	simm.s32 @!p2 $0x0  }
0x1d: {  	s5 =	simm.s32 @p1 $0x1;
	p0 =	seq.s32 s7, s2  }
0x1e: {  	s7 =	smul.u32 @!p0 $0xF7A, s2;
	p2 =	seq.s32 @!p0 s5, $0x0  }
0x1f: {  	s9 =	smul.u32 $0xF7A, s1;
	s8 =	simm.s32 @!p0 $0x1BF5;
	p2 =	por !p2, p0  }
0x20: {  	[sflag:s8] =	ssyncset.s32 @!p0 $0xFFFFF086;
	s6 =	sadd.s32 @!p0 s3, s7;
	s7 =	simm.s32 @!p0 $0x108  }
0x21: {  	s3 =	sadd.s32 s3, s9;
	s6 =	sadd.s32 @!p0 $0x88, s6;
	s7 =	simm.s32 @p2 $0x1082  }
0x22: {  	[simem:s7], [sflag:s8] =	dma.local @!p0 [hbm:s6], $0xF7A  }
0x23: {  	s9 =	sor.u32 $0xD0000000, s2;
	s6 =	simm.s32 $0x108;
	_ =	swait.ge @!p0 [sflag:s8], $0x0  }
0x24: {  	s3 =	sadd.s32 $0x88, s3;
	s6 =	simm.s32 @!p1 $0x1082;
	[sflag:s4] =	ssyncset.s32 $0xFFFFF086  }
0x25: {  	[simem:s6], [sflag:s4] =	dma.local [hbm:s3], $0xF7A  }
0x26: {  	[smem:$0x3FA0] =	sst s1;
	(tag) =	ssettag s2;
	_ =	strace s9  }
0x27: {  	s1 =	sld [smem:$0x3FB0]  }
0x28: {  	s2 =	sld [smem:$0x3FB1]  }
0x29: {  	s4 =	sld [smem:$0x3FB3]  }
0x2a: {  	p0 =	seq.s32 s5, $0x0;
	s5 =	sld [smem:$0x3FB4]  }
0x2b: {  	s6 =	sld [smem:$0x3FB5]  }
0x2c: {  	s7 =	sld [smem:$0x3FB6]  }
0x2d: {  	s3 =	simm.s32 $0x108;
	s8 =	sld [smem:$0x3FB7]  }
0x2e: {  	s3 =	simm.s32 @!p0 $0x1082;
	s9 =	sld [smem:$0x3FB8]  }
0x2f: {  	lr =	sadd.s32 s0, s3;
	s0 =	sld [smem:$0x3FAF]  }
0x30: {  	s3 =	sld [smem:$0x3FB2]  }
0x31: {  	[smem:$0x3FBB] =	sst s10  }
0x32: {  	s10 =	sld [smem:$0x3FB9];
	_ =	sdelay $0x3  }
0x33: {  	p0 =	seq.s32 s10, $0x1;
	s10 =	sld [smem:$0x3FBB];
	_ =	sdelay $0x3  }
0x34: {  	[smem:$0x3FBB] =	sst s10  }
0x35: {  	s10 =	sld [smem:$0x3FBA];
	_ =	sdelay $0x3  }
0x36: {  	p1 =	seq.s32 s10, $0x1;
	s10 =	sld [smem:$0x3FBB];
	_ =	sdelay $0x3  }
0x37: {  	[smem:$0x3FBB] =	sst s10  }
0x38: {  	s10 =	sld [smem:$0x3FBC]  }
0x39: {  	_ = 	snop;
	(pc) =	sbr.ind lr, $3  }
0x3a: {  	_ = 	snop  }
0x3b: {  	_ = 	snop  }
0x3c: {  	p2 =	seq.s32 s10, $0x1;
	s10 =	sld [smem:$0x3FBB]  }
0x3d: {  	_ =	shalt  }
0x3e: {  	_ =	shalt  }
0x3f: {  	_ =	shalt  }
0x40: {  	_ =	shalt  }
0x41: {  	_ =	shalt  }
0x42: {  	_ =	shalt  }
0x43: {  	_ =	shalt  }
0x44: {  	_ =	shalt  }
0x45: {  	_ =	shalt  }
0x46: {  	_ =	shalt  }
0x47: {  	_ =	shalt  }
0x48: {  	_ =	shalt  }
0x49: {  	_ =	shalt  }
0x4a: {  	_ =	shalt  }
0x4b: {  	_ =	shalt  }
0x4c: {  	_ =	shalt  }
0x4d: {  	_ =	shalt  }
0x4e: {  	_ =	shalt  }
0x4f: {  	_ =	shalt  }
0x50: {  	_ =	shalt  }
0x51: {  	_ =	shalt  }
0x52: {  	_ =	shalt  }
0x53: {  	_ =	shalt  }
0x54: {  	_ =	shalt  }
0x55: {  	_ =	shalt  }
0x56: {  	_ =	shalt  }
0x57: {  	_ =	shalt  }
0x58: {  	_ =	shalt  }
0x59: {  	_ =	shalt  }
0x5a: {  	_ =	shalt  }
0x5b: {  	_ =	shalt  }
0x5c: {  	_ =	shalt  }
0x5d: {  	_ =	shalt  }
0x5e: {  	_ =	shalt  }
0x5f: {  	_ =	shalt  }
0x60: {  	_ =	shalt  }
0x61: {  	_ =	shalt  }
0x62: {  	_ =	shalt  }
0x63: {  	_ =	shalt  }
0x64: {  	_ =	shalt  }
0x65: {  	_ =	shalt  }
0x66: {  	_ =	shalt  }
0x67: {  	_ =	shalt  }
0x68: {  	_ =	shalt  }
0x69: {  	_ =	shalt  }
0x6a: {  	_ =	shalt  }
0x6b: {  	_ =	shalt  }
0x6c: {  	_ =	shalt  }
0x6d: {  	_ =	shalt  }
0x6e: {  	_ =	shalt  }
0x6f: {  	_ =	shalt  }
0x70: {  	_ =	shalt  }
0x71: {  	_ =	shalt  }
0x72: {  	_ =	shalt  }
0x73: {  	_ =	shalt  }
0x74: {  	_ =	shalt  }
0x75: {  	_ =	shalt  }
0x76: {  	_ =	shalt  }
0x77: {  	_ =	shalt  }
0x78: {  	_ =	shalt  }
0x79: {  	_ =	shalt  }
0x7a: {  	_ =	shalt  }
0x7b: {  	_ =	shalt  }
0x7c: {  	_ =	shalt  }
0x7d: {  	_ =	shalt  }
0x7e: {  	_ =	shalt  }
0x7f: {  	_ =	shalt  }
0x80: {  	_ =	shalt  }
0x81: {  	_ =	shalt  }
0x82: {  	_ =	shalt  }
0x83: {  	_ =	shalt  }
0x84: {  	_ =	shalt  }
0x85: {  	_ =	shalt  }
0x86: {  	_ =	shalt  }
0x87: {  	_ =	shalt  }
.Lfunc_end0:
.L_simem_size_0:
called_computation_lowered:
.L_overlay_start_0:
0x88: {  	s2 =	sld [smem:$0x3FD9]  }
0x89: {  	s3 =	sld [smem:$0x3FFE];
	_ =	sdelay $0x1  }
0x8a: {  	s1 =	srdreg.scid  }
0x8b: {  	s0 =	sand.u32 $0x1, s1  }
0x8c: {  	s17 =	sshll.u32 s0, $0xA;
	s2 =	sadd.s32 s3, s2  }
0x8d: {  	s2 =	sadd.s32 s2, s17  }
0x8e: {  	[smem:$0x3FC7] =	sst s2  }
0x8f: {  	_ = 	snop  }
0x90: {  	s2 =	sld [smem:$0x3FC9];
	(tm) =	ssettm $0x1  }
0x91: {  	s18 =	sld [smem:$0x3FFB];
	_ =	sdelay $0x3  }
0x92: {  	_ =	strace s18  }
0x93: {  	s3 =	sld [smem:$0x3FFC];
	_ =	sdelay $0x3  }
0x94: {  	_ =	strace s3  }
0x95: {  	s3 =	sld [smem:$0x3FFD];
	_ =	sdelay $0x3  }
0x96: {  	_ =	strace s3  }
0x97: {  	_ =	strace $0x8FFFFFFF  }
0x98: {  	s19 =	sld [smem:$0x3FDB];
	_ =	sdelay $0x1  }
0x99: {  	s4 =	simm.s32 $_scs_section_size  }
0x9a: {  	s5 =	simm.s32 $_size__tile_overlayer_lowered;
	s6 =	simm.s32 $_tile_overlayer_lowered  }
0x9b: {  	s22 =	simm.s32 $0x1BFF;
	s21 =	sshll.u32 s6, $0x1;
	s3 =	sadd.s32 s4, s19  }
0x9c: {  	s7 =	simm.s32 $0x0;
	s20 =	sshll.u32 s5, $0x1;
	s5 =	sadd.s32 s21, s3  }
0x9d: {  	[timem:s7], [sflag:s22] =	dma.local [hbm:s5], s20  }
0x9e: {  	_ =	swait.ge [sflag:s22], s20  }
0x9f: {  	s4 =	ssub.s32 $0x0, s20;
	[sflag:s22] =	ssyncset.done $0x0  }
0xa0: {  	[sflag:s22] =	ssyncadd.s32 s4;
	_ =	sdelay $0x1  }
0xa1: {  	s23 =	simm.s32 $0x1B8B  }
0xa2: {  	_ =	swait.ge [sflag:s23], $0x1  }
0xa3: {  	[sflag:s23] =	ssyncset.done $0x0  }
0xa4: {  	s25 =	simm.s32 $0x1B8E;
	s24 =	sld [smem:$0x3FFE];
	[sflag:s23] =	ssyncadd.s32 $0xFFFFFFFF  }
0xa5: {  	s26 =	simm.s32 $execute0_lowered;
	[smem:$0x3FD2] =	sst s25  }
0xa6: {  	s5 =	sshll.u32 s26, $0x1;
	_ =	strace $0x80000046;
	[dreg:$0x1] =	wrdreg $0xFFFFFFFF  }
0xa7: {  	s28 =	simm.s32 $_size_execute0_lowered;
	s3 =	sadd.s32 s3, s5;
	[dreg:$0x0] =	wrdreg $0x0  }
0xa8: {  	s5 =	sshll.u32 s28, $0x1;
	[dreg:$0x2] =	wrdreg s3  }
0xa9: {  	[dreg:$0x3] =	wrdreg s5  }
0xaa: {  	[dreg:$0x4] =	wrdreg $0xC0  }
0xab: {  	_ =	task [dreg:s7], $0x5FFFF  }
0xac: {  	[dreg:$0x1] =	wrdreg $0xFFFFFFFF  }
0xad: {  	[dreg:$0x0] =	wrdreg $0x60  }
0xae: {  	[dreg:$0x2] =	wrdreg s2  }
0xaf: {  	[dreg:$0x3] =	wrdreg s24  }
0xb0: {  	[dreg:$0x4] =	wrdreg $0x9  }
0xb1: {  	_ =	task.clear_ibuf [dreg:s7], $0x5FFFF;
	_ =	strace $0x90000046  }
0xb2: {  	s29 =	simm.s32 $0x9;
	_ =	strace $0x80000048  }
0xb3: {  	_ =	swait.ge [sflag:s29], $0x1  }
0xb4: {  	[sflag:s29] =	ssyncadd.s32 $0xFFFFFFFF  }
0xb5: {  	_ =	strace $0x90000048  }
0xb6: {  	_ =	sfence  }
0xb7: {  	s30 =	sld [smem:$0x0];
	_ =	sdelay $0x2  }
0xb8: {  	s31 =	sshll.u32 s1, $0xD;
	s1 =	sshrl.u32 s1, $0x2  }
0xb9: {  	s3 =	sand.u32 $0x4000, s31;
	s1 =	sadd.s32 s1, s30  }
0xba: {  	s0 =	sor.u32 s3, s0;
	s1 =	sshll.u32 s1, $0x11  }
0xbb: {  	s0 =	sor.u32 s1, s0  }
0xbc: {  	s0 =	sadd.s32 $0x8F2B, s0  }
0xbd: {  	[sflag:s0] =	ssyncadd.remote.s32 $0x1  }
0xbe: {  	_ =	sfence.sel $0xFFFF  }
0xbf: {  	[dreg:$0x0] =	wrdreg $0xFFFFFFFF;
	(pc) =	sbr.abs _section_cstart, $3  }
0xc0: {  	[dreg:$0x1] =	wrdreg $0xFFFFFFFF  }
0xc1: {  	_ =	task.clear_ibuf [dreg:s7], $0x2FFFF;
	_ =	strace $0x9FFFFFFF  }
0xc2: {  	(tm) =	ssettm $0x7FFFFFFF  }
0xc3: {  	_ =	shalt  }
tec
execute0_lowered:
.L_overlay_start_1:
0x0: {  	(tag) =	ssettag $0x1  }
0x1: {  	v0 =	vlaneseq.u32;
	v1 =	vimm.s32 $0x0  }
0x2: {  	v17 =	vimm.s32 $0x2380;
	vm0 =	vcmask $0x300;
	v18 =	vimm.s32 $0x6380  }
0x3: {  	vm1 =	vcmask $0x704;
	vm15 =	vcmask $0xB08;
	vm4 =	vcmask $0xF0C  }
0x4: {  	vm5 =	vcmask $0x1310;
	vm6 =	vcmask $0x1714;
	vm7 =	vcmask $0x1B18  }
0x5: {  	vm8 =	vcmask $0x1F1C;
	vm9 =	vcmask $0x2320;
	vm10 =	vcmask $0x2724  }
0x6: {  	vm11 =	vcmask $0x2B28;
	vm12 =	vcmask $0x2F2C;
	vm13 =	vcmask $0x3330  }
0x7: {  	vm14 =	vcmask $0x3734;
	v2 =	vor.u32 $0x10, v0;
	v3 =	vor.u32 $0x20, v0  }
0x8: {  	s3 =	rddreg [dreg:$0x0];
	v4 =	vor.u32 $0x30, v0;
	v17 =	vsel vm0, $0x0, v17;
	v18 =	vsel vm0, $0x4000, v18  }
0x9: {  	s4 =	rddreg [dreg:$0x1];
	s2 =	srdreg.scid;
	v5 =	vor.u32 $0x40, v0;
	v17 =	vsel vm1, $0x80, v17;
	v18 =	vsel vm1, $0x4080, v18  }
0xa: {  	s0 =	rddreg [dreg:$0x2];
	s1 =	stileid.u32;
	s21 =	simm.s32 $0x3;
	v6 =	vor.u32 $0x50, v0;
	v17 =	vsel vm15, $0x100, v17;
	v18 =	vsel vm15, $0x4100, v18  }
0xb: {  	s22 =	simm.s32 $0x200;
	s23 =	simm.s32 $0x8200;
	s24 =	simm.s32 $0x1;
	v7 =	vor.u32 $0x60, v0;
	v17 =	vsel vm4, $0x180, v17;
	v18 =	vsel vm4, $0x4180, v18  }
0xc: {  	s25 =	simm.s32 $0x2;
	s26 =	simm.s32 $0x0;
	v8 =	vor.u32 $0x70, v0;
	s5 =	sand.u32 $0x1, s2;
	v17 =	vsel vm5, $0x200, v17;
	v18 =	vsel vm5, $0x4200, v18  }
0xd: {  	v9 =	vor.u32 $0x80, v0;
	s2 =	simm.s32 $0x0;
	s6 =	sshll.u32 s1, $0xA;
	s7 =	sshll.u32 s5, $0x9;
	v17 =	vsel vm6, $0x280, v17;
	v18 =	vsel vm6, $0x4280, v18  }
0xe: {  	v10 =	vor.u32 $0x90, v0;
	[smem:$0x7FF] =	sst s2;
	s5 =	ssub.s32 $0x2, s5;
	s6 =	sor.u32 s7, s6;
	v17 =	vsel vm7, $0x300, v17;
	v18 =	vsel vm7, $0x4300, v18  }
0xf: {  	v11 =	vor.u32 $0xA0, v0;
	_ =	strace $0x80000047;
	s8 =	sshrl.u32 s5, $0x1;
	s7 =	sshll.u32 s6, $0x7;
	v17 =	vsel vm8, $0x380, v17;
	v18 =	vsel vm8, $0x4380, v18  }
0x10: {  	v12 =	vor.u32 $0xB0, v0;
	s20 =	ssub.s32 s5, s8;
	s31 =	sshrl.u32 s6, $0x3;
	s19 =	sadd.s32 s7, s4;
	v17 =	vsel vm9, $0x2000, v17;
	v18 =	vsel vm9, $0x6000, v18  }
0x11: {  	v13 =	vor.u32 $0xC0, v0;
	s3 =	sadd.s32 s3, s31;
	s20 =	smax.u32 s20, $0x1;
	s4 =	sadd.s32 $0x400, s19;
	v17 =	vsel vm10, $0x2080, v17;
	v18 =	vsel vm10, $0x6080, v18  }
0x12: {  	v14 =	vor.u32 $0xD0, v0;
	s5 =	sadd.s32 $0x1400, s19;
	s6 =	sadd.s32 $0x2400, s19;
	s7 =	sadd.s32 $0x3400, s19;
	v17 =	vsel vm11, $0x2100, v17;
	v18 =	vsel vm11, $0x6100, v18  }
0x13: {  	v15 =	vor.u32 $0xE0, v0;
	s8 =	sadd.s32 $0x4400, s19;
	s9 =	sadd.s32 $0x5400, s19;
	s10 =	sadd.s32 $0x6400, s19;
	v17 =	vsel vm12, $0x2180, v17;
	v18 =	vsel vm12, $0x6180, v18  }
0x14: {  	v16 =	vor.u32 $0xF0, v0;
	s11 =	sadd.s32 $0x7400, s19;
	s12 =	sadd.s32 $0x8400, s19;
	s13 =	sadd.s32 $0x9400, s19;
	v17 =	vsel vm13, $0x2200, v17;
	v18 =	vsel vm13, $0x6200, v18  }
0x15: {  	vm15 =	vcmask $0x3B38;
	s14 =	sadd.s32 $0xA400, s19;
	s15 =	sadd.s32 $0xB400, s19;
	s16 =	sadd.s32 $0xC400, s19;
	v17 =	vsel vm14, $0x2280, v17;
	v19 =	vsel vm14, $0x6280, v18  }
0x16: {  	s17 =	sadd.s32 $0xD400, s19;
	s18 =	sadd.s32 $0xE400, s19;
	s19 =	sadd.s32 $0xF400, s19;
	v18 =	vimm.s32 $0x1;
	v17 =	vsel vm15, $0x2300, v17;
	v19 =	vsel vm15, $0x6300, v19  }
.LBB2_1:
0x17: {  	[tilespmem:s2], [sflag:$0x3] =	stream.linear.gather [hbm4b:s3+s2], $0x200, $0x38;
	[tilespmem:$0x10200] =	vst v63  }
0x18: {  	_ =	swait.ge [sflag:s21], $0x200  }
0x19: {  	[sflag:s21] =	ssyncset.done $0x0  }
0x1a: {  	s28 =	simm.s32 $0x0;
	[sflag:s21] =	ssyncadd.s32 $0xFFFFFE00  }
.LBB2_2:
0x1b: {  	v20 =	vor.u32 s28, v0  }
0x1c: {  	v38 =	vor.u32 s28, v2;
	v21 =	vmulhi.u32 $0x10624DD3, v20  }
0x1d: {  	v27 =	vor.u32 s28, v3;
	v39 =	vmulhi.u32 $0x10624DD3, v38  }
0x1e: {  	v43 =	vor.u32 s28, v4;
	v40 =	vmulhi.u32 $0x10624DD3, v27  }
0x1f: {  	v50 =	vor.u32 s28, v5;
	v45 =	vmulhi.u32 $0x10624DD3, v43  }
0x20: {  	v53 =	vor.u32 s28, v6;
	v29 =	vmulhi.u32 $0x10624DD3, v50  }
0x21: {  	v23 =	vmov s28;
	v57 =	vor.u32 s28, v7;
	v55 =	vmulhi.u32 $0x10624DD3, v53  }
0x22: {  	v32 =	vor.u32 s28, v8;
	vm0 =	veq.s32 v23, v0;
	v58 =	vmulhi.u32 $0x10624DD3, v57  }
0x23: {  	v62 =	vmulhi.u32 $0x10624DD3, v32;
	v21 =	vshrl.u32 v21, $0x6;
	v26 =	vshrl.u32 v39, $0x6  }
0x24: {  	v42 =	vshll.u32 v39, $0x4;
	v28 =	vshrl.u32 v40, $0x6;
	v47 =	vshll.u32 v40, $0x4  }
0x25: {  	v48 =	vshrl.u32 v45, $0x6;
	v51 =	vshll.u32 v45, $0x4;
	v52 =	vshrl.u32 v29, $0x6  }
0x26: {  	v54 =	vshll.u32 v29, $0x4;
	v29 =	vshll.u32 v29, $0x1;
	v30 =	vshrl.u32 v55, $0x6  }
0x27: {  	v59 =	vshll.u32 v55, $0x4;
	v31 =	vshrl.u32 v58, $0x6;
	v36 =	vshll.u32 v58, $0x4  }
0x28: {  	v33 =	vshrl.u32 v62, $0x6;
	v22 =	vmul.u32 $0xFFFFFC18, v21;
	v26 =	vmul.u32 $0xFFFFFC18, v26  }
0x29: {  	v28 =	vmul.u32 $0xFFFFFC18, v28;
	v56 =	vmul.u32 $0xFFFFFC18, v30;
	v29 =	vand.u32 $0x380, v29  }
0x2a: {  	v31 =	vmul.u32 $0xFFFFFC18, v31;
	v33 =	vmul.u32 $0xFFFFFC18, v33;
	v30 =	vshll.u32 v62, $0x1  }
0x2b: {  	v30 =	vand.u32 $0x380, v30;
	v20 =	vadd.s32 v20, v22;
	v23 =	vadd.s32 v38, v26  }
0x2c: {  	v26 =	vand.u32 $0x7FFFE000, v42;
	v22 =	vshll.u32 v39, $0x1;
	v44 =	vadd.s32 v27, v28  }
0x2d: {  	v28 =	vmul.u32 $0xFFFFFC18, v48;
	v27 =	vshll.u32 v45, $0x1;
	v61 =	vadd.s32 v57, v31  }
0x2e: {  	v31 =	vand.u32 $0x7FFFE000, v36;
	v38 =	vadd.s32 v32, v33;
	v48 =	vor.u32 s28, v11  }
0x2f: {  	vm1 =	vne.s32 v20, $0x0;
	v25 =	vand.u32 $0x7F, v20;
	v20 =	vshll.u32 v20, $0x3  }
0x30: {  	v41 =	vand.u32 $0x7F, v23;
	v23 =	vshll.u32 v23, $0x3;
	v22 =	vand.u32 $0x380, v22  }
0x31: {  	v46 =	vand.u32 $0x7F, v44;
	v27 =	vand.u32 $0x380, v27;
	v63 =	vand.u32 $0x7F, v61  }
0x32: {  	vm0 =	vmand vm0, vm1;
	v20 =	vand.u32 $0x1C00, v20;
	v23 =	vand.u32 $0x1C00, v23  }
0x33: {  	v49 =	vadd.s32 v43, v28;
	v37 =	vsel vm0, $0xFFFFFFFF, v1;
	v20 =	vor.u32 v25, v20  }
0x34: {  	v23 =	vor.u32 v41, v23;
	v25 =	vshll.u32 v40, $0x1;
	v28 =	vshll.u32 v49, $0x3  }
0x35: {  	v40 =	vand.u32 $0x7F, v38;
	v41 =	vshll.u32 v62, $0x4;
	v21 =	vadd.s32 v37, v21  }
0x36: {  	v23 =	vor.u32 v26, v23;
	v26 =	vshll.u32 v44, $0x3;
	v25 =	vand.u32 $0x380, v25  }
0x37: {  	v28 =	vand.u32 $0x1C00, v28;
	v37 =	vor.u32 s28, v9;
	v44 =	vor.u32 s28, v10  }
0x38: {  	v24 =	vshll.u32 v21, $0xA;
	v21 =	vshll.u32 v21, $0x7;
	v39 =	vmulhi.u32 $0x10624DD3, v37  }
0x39: {  	v26 =	vand.u32 $0x1C00, v26;
	v34 =	vmulhi.u32 $0x10624DD3, v44;
	v24 =	vand.u32 $0xFFFFE000, v24  }
0x3a: {  	v21 =	vand.u32 $0x380, v21;
	v20 =	vor.u32 v24, v20;
	v42 =	vshrl.u32 v39, $0x6  }
0x3b: {  	v45 =	vshll.u32 v39, $0x4;
	v32 =	vshll.u32 v39, $0x1;
	v39 =	vor.u32 s28, v16  }
0x3c: {  	v21 =	vor.u32 v21, v20;
	v20 =	vor.u32 v22, v23;
	v23 =	vand.u32 $0x7FFFE000, v47  }
0x3d: {  	v22 =	vor.u32 v46, v26;
	v26 =	vand.u32 $0x7FFFE000, v51;
	v33 =	vmul.u32 $0xFFFFFC18, v42  }
0x3e: {  	v46 =	vshrl.u32 v34, $0x6;
	v32 =	vand.u32 $0x380, v32;
	v22 =	vor.u32 v23, v22  }
0x3f: {  	v23 =	vand.u32 $0x7F, v49;
	v47 =	vmul.u32 $0xFFFFFC18, v46;
	v49 =	vshll.u32 v34, $0x4  }
0x40: {  	v34 =	vshll.u32 v34, $0x1;
	v46 =	vor.u32 s28, v15;
	v23 =	vor.u32 v23, v28  }
0x41: {  	v28 =	vmul.u32 $0xFFFFFC18, v52;
	v43 =	vadd.s32 v37, v33;
	v34 =	vand.u32 $0x380, v34  }
0x42: {  	v37 =	vor.u32 s28, v13;
	v26 =	vor.u32 v26, v23;
	v23 =	vor.u32 v25, v22  }
0x43: {  	v25 =	vadd.s32 v53, v56;
	v33 =	vshll.u32 v43, $0x3;
	v53 =	vor.u32 s28, v12  }
0x44: {  	v22 =	vor.u32 v27, v26;
	v24 =	vadd.s32 v50, v28;
	v26 =	vand.u32 $0x7FFFE000, v54  }
0x45: {  	v60 =	vand.u32 $0x7F, v25;
	v25 =	vshll.u32 v25, $0x3;
	v50 =	vmulhi.u32 $0x10624DD3, v48  }
0x46: {  	v27 =	vshll.u32 v55, $0x1;
	v33 =	vand.u32 $0x1C00, v33;
	v54 =	vmulhi.u32 $0x10624DD3, v53  }
0x47: {  	v28 =	vand.u32 $0x7F, v24;
	v24 =	vshll.u32 v24, $0x3;
	v25 =	vand.u32 $0x1C00, v25  }
0x48: {  	v27 =	vand.u32 $0x380, v27;
	v24 =	vand.u32 $0x1C00, v24;
	v25 =	vor.u32 v60, v25  }
0x49: {  	v35 =	vshrl.u32 v50, $0x6;
	v55 =	vshll.u32 v50, $0x4;
	v36 =	vshrl.u32 v54, $0x6  }
0x4a: {  	v60 =	vshll.u32 v54, $0x4;
	v24 =	vor.u32 v28, v24;
	v28 =	vand.u32 $0x7FFFE000, v59  }
0x4b: {  	v52 =	vmul.u32 $0xFFFFFC18, v35;
	v36 =	vmul.u32 $0xFFFFFC18, v36;
	v24 =	vor.u32 v26, v24  }
0x4c: {  	v25 =	vor.u32 v28, v25;
	v26 =	vshll.u32 v58, $0x1;
	v58 =	vmulhi.u32 $0x10624DD3, v37  }
0x4d: {  	v24 =	vor.u32 v29, v24;
	v29 =	vshll.u32 v61, $0x3;
	v26 =	vand.u32 $0x380, v26  }
0x4e: {  	v25 =	vor.u32 v27, v25;
	v57 =	vadd.s32 v53, v36;
	v36 =	vand.u32 $0x7FFFE000, v60  }
0x4f: {  	v61 =	vor.u32 s28, v14;
	v29 =	vand.u32 $0x1C00, v29;
	v59 =	vand.u32 $0x7F, v57  }
0x50: {  	v35 =	vshll.u32 v58, $0x1;
	v28 =	vor.u32 v63, v29;
	v29 =	vadd.s32 v44, v47  }
0x51: {  	v63 =	vmulhi.u32 $0x10624DD3, v61;
	v35 =	vand.u32 $0x380, v35;
	v28 =	vor.u32 v31, v28  }
0x52: {  	v31 =	vshll.u32 v38, $0x3;
	v51 =	vand.u32 $0x7F, v29;
	v29 =	vshll.u32 v29, $0x3  }
0x53: {  	v38 =	vshrl.u32 v58, $0x6;
	v26 =	vor.u32 v26, v28;
	v31 =	vand.u32 $0x1C00, v31  }
0x54: {  	[tilespmem:v21+s22+$0x0] =	vst.idx.msk $0xffff, v1;
	v28 =	vand.u32 $0x7FFFE000, v41;
	v29 =	vand.u32 $0x1C00, v29;
	v38 =	vmul.u32 $0xFFFFFC18, v38  }
0x55: {  	[tilespmem:v20+s22+$0x0] =	vst.idx.msk $0xffff, v1;
	v44 =	vshrl.u32 v63, $0x6;
	v41 =	vmulhi.u32 $0x10624DD3, v39;
	v20 =	vshll.u32 v63, $0x1  }
0x56: {  	v27 =	vor.u32 v40, v31;
	v31 =	vand.u32 $0x7FFFE000, v45;
	v29 =	vor.u32 v51, v29  }
0x57: {  	v20 =	vand.u32 $0x380, v20;
	v27 =	vor.u32 v28, v27;
	v28 =	vand.u32 $0x7F, v43  }
0x58: {  	v62 =	vadd.s32 v37, v38;
	v43 =	vshll.u32 v58, $0x4;
	v38 =	vmul.u32 $0xFFFFFC18, v44  }
0x59: {  	v53 =	vshrl.u32 v41, $0x6;
	v28 =	vor.u32 v28, v33;
	v27 =	vor.u32 v30, v27  }
0x5a: {  	v30 =	vadd.s32 v48, v52;
	v33 =	vand.u32 $0x7FFFE000, v55;
	v42 =	vand.u32 $0x7F, v62  }
0x5b: {  	v48 =	vmulhi.u32 $0x10624DD3, v46;
	v28 =	vor.u32 v31, v28;
	v31 =	vand.u32 $0x7FFFE000, v49  }
0x5c: {  	v56 =	vand.u32 $0x7F, v30;
	v30 =	vshll.u32 v30, $0x3;
	v45 =	vadd.s32 v61, v38  }
0x5d: {  	v49 =	vshll.u32 v63, $0x4;
	v61 =	vshll.u32 v41, $0x4;
	v28 =	vor.u32 v32, v28  }
0x5e: {  	v29 =	vor.u32 v31, v29;
	v32 =	vshll.u32 v50, $0x1;
	v30 =	vand.u32 $0x1C00, v30  }
0x5f: {  	v31 =	vshll.u32 v54, $0x1;
	v47 =	vand.u32 $0x7F, v45;
	v40 =	vshrl.u32 v48, $0x6  }
0x60: {  	v51 =	vand.u32 $0x7FFFE000, v49;
	v29 =	vor.u32 v34, v29;
	v34 =	vshll.u32 v57, $0x3  }
0x61: {  	v58 =	vshll.u32 v48, $0x4;
	v30 =	vor.u32 v56, v30;
	v34 =	vand.u32 $0x1C00, v34  }
0x62: {  	v32 =	vand.u32 $0x380, v32;
	v30 =	vor.u32 v33, v30;
	v33 =	vor.u32 v59, v34  }
0x63: {  	v31 =	vand.u32 $0x380, v31;
	v33 =	vor.u32 v36, v33;
	v36 =	vshll.u32 v62, $0x3  }
0x64: {  	v52 =	vmul.u32 $0xFFFFFC18, v40;
	v30 =	vor.u32 v32, v30;
	v36 =	vand.u32 $0x1C00, v36  }
0x65: {  	[tilespmem:v23+s22+$0x0] =	vst.idx.msk $0xffff, v1;
	v31 =	vor.u32 v31, v33;
	v33 =	vand.u32 $0x7FFFE000, v43;
	v32 =	vor.u32 v42, v36  }
0x66: {  	[tilespmem:v22+s22+$0x0] =	vst.idx.msk $0xffff, v1;
	v60 =	vshll.u32 v48, $0x1;
	v32 =	vor.u32 v33, v32;
	v33 =	vshll.u32 v45, $0x3  }
0x67: {  	[tilespmem:v24+s22+$0x0] =	vst.idx.msk $0xffff, v1;
	v24 =	vand.u32 $0x7FFFE000, v58;
	v54 =	vadd.s32 v46, v52;
	v33 =	vand.u32 $0x1C00, v33  }
0x68: {  	v56 =	vshll.u32 v54, $0x3;
	v50 =	vor.u32 v47, v33;
	v33 =	vmul.u32 $0xFFFFFC18, v53  }
0x69: {  	[tilespmem:v25+s22+$0x0] =	vst.idx.msk $0xffff, v1;
	v55 =	vand.u32 $0x7F, v54;
	v62 =	vshll.u32 v41, $0x1;
	v22 =	vand.u32 $0x1C00, v56  }
0x6a: {  	v32 =	vor.u32 v35, v32;
	v21 =	vor.u32 v51, v50;
	v57 =	vadd.s32 v39, v33  }
0x6b: {  	[tilespmem:v26+s22+$0x0] =	vst.idx.msk $0xffff, v1;
	v20 =	vor.u32 v20, v21;
	v21 =	vor.u32 v55, v22;
	v59 =	vshll.u32 v57, $0x3  }
0x6c: {  	[tilespmem:v27+s22+$0x0] =	vst.idx.msk $0xffff, v1;
	v21 =	vor.u32 v24, v21;
	v23 =	vand.u32 $0x7F, v57;
	v22 =	vand.u32 $0x1C00, v59  }
0x6d: {  	[tilespmem:v28+s22+$0x0] =	vst.idx.msk $0xffff, v1;
	v24 =	vand.u32 $0x380, v60;
	v22 =	vor.u32 v23, v22;
	v23 =	vand.u32 $0x7FFFE000, v61  }
0x6e: {  	v63 =	vand.u32 $0x380, v62;
	[tilespmem:v29+s22+$0x0] =	vst.idx.msk $0xffff, v1;
	v21 =	vor.u32 v24, v21;
	v22 =	vor.u32 v23, v22  }
0x6f: {  	p0 =	sne.s32 s28, $0x7C00;
	[tilespmem:v30+s22+$0x0] =	vst.idx.msk $0xffff, v1;
	v22 =	vor.u32 v63, v22  }
.Ltmp0:
0x70: {  	[tilespmem:v31+s22+$0x0] =	vst.idx.msk $0xffff, v1;
	(pc) =	sbr.rel @p0 .LBB2_2-.Ltmp0, $4  }
0x71: {  	[tilespmem:v32+s22+$0x0] =	vst.idx.msk $0xffff, v1  }
0x72: {  	[tilespmem:v20+s22+$0x0] =	vst.idx.msk $0xffff, v1  }
0x73: {  	[tilespmem:v21+s22+$0x0] =	vst.idx.msk $0xffff, v1  }
0x74: {  	s28 =	sadd.s32 $0x100, s28;
	[tilespmem:v22+s22+$0x0] =	vst.idx.msk $0xffff, v1  }
0x75: {  	v20 =	vld [tilespmem:$0x0];
	_ =	sdelay $0x4  }
0x76: {  	v21 =	vshll.u32 v20, $0x3  }
0x77: {  	v20 =	vand.u32 $0x7F, v20;
	v21 =	vand.u32 $0xFFFFFC00, v21  }
0x78: {  	v20 =	vor.u32 v20, v21  }
0x79: {  	v20 =	vadd.s32 v17, v20;
	_ =	sdelay $0x4  }
0x7a: {  	[tilespmem:v20+s22+$0x0] =	vst.idx.msk $0xffff, v18  }
0x7b: {  	v20 =	vld [tilespmem:$0x10];
	_ =	sdelay $0x4  }
0x7c: {  	v63 =	vshll.u32 v20, $0x3  }
0x7d: {  	v20 =	vand.u32 $0x7F, v20;
	v21 =	vand.u32 $0xFFFFFC00, v63  }
0x7e: {  	v20 =	vor.u32 v20, v21  }
0x7f: {  	v20 =	vadd.s32 v19, v20;
	_ =	sdelay $0x4  }
0x80: {  	s28 =	simm.s32 $0x0;
	[tilespmem:v20+s22+$0x0] =	vst.idx.msk $0xffff, v18  }
0x81: {  	[hbm4b:s4+s28] =	stream.linear.scatter [tilespmem:s22], [sflag:$0x1], $0x8000, $0x38;
	[tilespmem:$0x10200] =	vst v63  }
.LBB2_4:
0x82: {  	v20 =	vor.u32 s28, v0  }
0x83: {  	v38 =	vor.u32 s28, v2;
	v21 =	vmulhi.u32 $0x10624DD3, v20  }
0x84: {  	v27 =	vor.u32 s28, v3;
	v39 =	vmulhi.u32 $0x10624DD3, v38  }
0x85: {  	v43 =	vor.u32 s28, v4;
	v40 =	vmulhi.u32 $0x10624DD3, v27  }
0x86: {  	v50 =	vor.u32 s28, v5;
	v45 =	vmulhi.u32 $0x10624DD3, v43  }
0x87: {  	v53 =	vor.u32 s28, v6;
	v29 =	vmulhi.u32 $0x10624DD3, v50  }
0x88: {  	v23 =	vmov s28;
	v57 =	vor.u32 s28, v7;
	v55 =	vmulhi.u32 $0x10624DD3, v53  }
0x89: {  	v32 =	vor.u32 s28, v8;
	vm0 =	veq.s32 v23, v0;
	v58 =	vmulhi.u32 $0x10624DD3, v57  }
0x8a: {  	v62 =	vmulhi.u32 $0x10624DD3, v32;
	v21 =	vshrl.u32 v21, $0x6;
	v26 =	vshrl.u32 v39, $0x6  }
0x8b: {  	v42 =	vshll.u32 v39, $0x4;
	v28 =	vshrl.u32 v40, $0x6;
	v47 =	vshll.u32 v40, $0x4  }
0x8c: {  	v48 =	vshrl.u32 v45, $0x6;
	v51 =	vshll.u32 v45, $0x4;
	v52 =	vshrl.u32 v29, $0x6  }
0x8d: {  	v54 =	vshll.u32 v29, $0x4;
	v29 =	vshll.u32 v29, $0x1;
	v30 =	vshrl.u32 v55, $0x6  }
0x8e: {  	v59 =	vshll.u32 v55, $0x4;
	v31 =	vshrl.u32 v58, $0x6;
	v36 =	vshll.u32 v58, $0x4  }
0x8f: {  	v33 =	vshrl.u32 v62, $0x6;
	v22 =	vmul.u32 $0xFFFFFC18, v21;
	v26 =	vmul.u32 $0xFFFFFC18, v26  }
0x90: {  	v28 =	vmul.u32 $0xFFFFFC18, v28;
	v56 =	vmul.u32 $0xFFFFFC18, v30;
	v29 =	vand.u32 $0x380, v29  }
0x91: {  	v31 =	vmul.u32 $0xFFFFFC18, v31;
	v33 =	vmul.u32 $0xFFFFFC18, v33;
	v30 =	vshll.u32 v62, $0x1  }
0x92: {  	v30 =	vand.u32 $0x380, v30;
	v20 =	vadd.s32 v20, v22;
	v23 =	vadd.s32 v38, v26  }
0x93: {  	v26 =	vand.u32 $0x7FFFE000, v42;
	v22 =	vshll.u32 v39, $0x1;
	v44 =	vadd.s32 v27, v28  }
0x94: {  	v28 =	vmul.u32 $0xFFFFFC18, v48;
	v27 =	vshll.u32 v45, $0x1;
	v61 =	vadd.s32 v57, v31  }
0x95: {  	v31 =	vand.u32 $0x7FFFE000, v36;
	v38 =	vadd.s32 v32, v33;
	v48 =	vor.u32 s28, v11  }
0x96: {  	vm1 =	vne.s32 v20, $0x0;
	v25 =	vand.u32 $0x7F, v20;
	v20 =	vshll.u32 v20, $0x3  }
0x97: {  	v41 =	vand.u32 $0x7F, v23;
	v23 =	vshll.u32 v23, $0x3;
	v22 =	vand.u32 $0x380, v22  }
0x98: {  	v46 =	vand.u32 $0x7F, v44;
	v27 =	vand.u32 $0x380, v27;
	v63 =	vand.u32 $0x7F, v61  }
0x99: {  	vm0 =	vmand vm0, vm1;
	v20 =	vand.u32 $0x1C00, v20;
	v23 =	vand.u32 $0x1C00, v23  }
0x9a: {  	v49 =	vadd.s32 v43, v28;
	v37 =	vsel vm0, $0xFFFFFFFF, v1;
	v20 =	vor.u32 v25, v20  }
0x9b: {  	v23 =	vor.u32 v41, v23;
	v25 =	vshll.u32 v40, $0x1;
	v28 =	vshll.u32 v49, $0x3  }
0x9c: {  	v40 =	vand.u32 $0x7F, v38;
	v41 =	vshll.u32 v62, $0x4;
	v21 =	vadd.s32 v37, v21  }
0x9d: {  	v23 =	vor.u32 v26, v23;
	v26 =	vshll.u32 v44, $0x3;
	v25 =	vand.u32 $0x380, v25  }
0x9e: {  	v28 =	vand.u32 $0x1C00, v28;
	v37 =	vor.u32 s28, v9;
	v44 =	vor.u32 s28, v10  }
0x9f: {  	v24 =	vshll.u32 v21, $0xA;
	v21 =	vshll.u32 v21, $0x7;
	v39 =	vmulhi.u32 $0x10624DD3, v37  }
0xa0: {  	v26 =	vand.u32 $0x1C00, v26;
	v34 =	vmulhi.u32 $0x10624DD3, v44;
	v24 =	vand.u32 $0xFFFFE000, v24  }
0xa1: {  	v21 =	vand.u32 $0x380, v21;
	v20 =	vor.u32 v24, v20;
	v42 =	vshrl.u32 v39, $0x6  }
0xa2: {  	v45 =	vshll.u32 v39, $0x4;
	v32 =	vshll.u32 v39, $0x1;
	v39 =	vor.u32 s28, v16  }
0xa3: {  	v21 =	vor.u32 v21, v20;
	v20 =	vor.u32 v22, v23;
	v23 =	vand.u32 $0x7FFFE000, v47  }
0xa4: {  	v22 =	vor.u32 v46, v26;
	v26 =	vand.u32 $0x7FFFE000, v51;
	v33 =	vmul.u32 $0xFFFFFC18, v42  }
0xa5: {  	v46 =	vshrl.u32 v34, $0x6;
	v32 =	vand.u32 $0x380, v32;
	v22 =	vor.u32 v23, v22  }
0xa6: {  	v23 =	vand.u32 $0x7F, v49;
	v47 =	vmul.u32 $0xFFFFFC18, v46;
	v49 =	vshll.u32 v34, $0x4  }
0xa7: {  	v34 =	vshll.u32 v34, $0x1;
	v46 =	vor.u32 s28, v15;
	v23 =	vor.u32 v23, v28  }
0xa8: {  	v28 =	vmul.u32 $0xFFFFFC18, v52;
	v43 =	vadd.s32 v37, v33;
	v34 =	vand.u32 $0x380, v34  }
0xa9: {  	v37 =	vor.u32 s28, v13;
	v26 =	vor.u32 v26, v23;
	v23 =	vor.u32 v25, v22  }
0xaa: {  	v25 =	vadd.s32 v53, v56;
	v33 =	vshll.u32 v43, $0x3;
	v53 =	vor.u32 s28, v12  }
0xab: {  	v22 =	vor.u32 v27, v26;
	v24 =	vadd.s32 v50, v28;
	v26 =	vand.u32 $0x7FFFE000, v54  }
0xac: {  	v60 =	vand.u32 $0x7F, v25;
	v25 =	vshll.u32 v25, $0x3;
	v50 =	vmulhi.u32 $0x10624DD3, v48  }
0xad: {  	v27 =	vshll.u32 v55, $0x1;
	v33 =	vand.u32 $0x1C00, v33;
	v54 =	vmulhi.u32 $0x10624DD3, v53  }
0xae: {  	v28 =	vand.u32 $0x7F, v24;
	v24 =	vshll.u32 v24, $0x3;
	v25 =	vand.u32 $0x1C00, v25  }
0xaf: {  	v27 =	vand.u32 $0x380, v27;
	v24 =	vand.u32 $0x1C00, v24;
	v25 =	vor.u32 v60, v25  }
0xb0: {  	v35 =	vshrl.u32 v50, $0x6;
	v55 =	vshll.u32 v50, $0x4;
	v36 =	vshrl.u32 v54, $0x6  }
0xb1: {  	v60 =	vshll.u32 v54, $0x4;
	v24 =	vor.u32 v28, v24;
	v28 =	vand.u32 $0x7FFFE000, v59  }
0xb2: {  	v52 =	vmul.u32 $0xFFFFFC18, v35;
	v36 =	vmul.u32 $0xFFFFFC18, v36;
	v24 =	vor.u32 v26, v24  }
0xb3: {  	v25 =	vor.u32 v28, v25;
	v26 =	vshll.u32 v58, $0x1;
	v58 =	vmulhi.u32 $0x10624DD3, v37  }
0xb4: {  	v24 =	vor.u32 v29, v24;
	v29 =	vshll.u32 v61, $0x3;
	v26 =	vand.u32 $0x380, v26  }
0xb5: {  	v25 =	vor.u32 v27, v25;
	v57 =	vadd.s32 v53, v36;
	v36 =	vand.u32 $0x7FFFE000, v60  }
0xb6: {  	v61 =	vor.u32 s28, v14;
	v29 =	vand.u32 $0x1C00, v29;
	v59 =	vand.u32 $0x7F, v57  }
0xb7: {  	v35 =	vshll.u32 v58, $0x1;
	v28 =	vor.u32 v63, v29;
	v29 =	vadd.s32 v44, v47  }
0xb8: {  	v63 =	vmulhi.u32 $0x10624DD3, v61;
	v35 =	vand.u32 $0x380, v35;
	v28 =	vor.u32 v31, v28  }
0xb9: {  	v31 =	vshll.u32 v38, $0x3;
	v51 =	vand.u32 $0x7F, v29;
	v29 =	vshll.u32 v29, $0x3  }
0xba: {  	v38 =	vshrl.u32 v58, $0x6;
	v26 =	vor.u32 v26, v28;
	v31 =	vand.u32 $0x1C00, v31  }
0xbb: {  	[tilespmem:v21+s23+$0x0] =	vst.idx.msk $0xffff, v1;
	v28 =	vand.u32 $0x7FFFE000, v41;
	v29 =	vand.u32 $0x1C00, v29;
	v38 =	vmul.u32 $0xFFFFFC18, v38  }
0xbc: {  	[tilespmem:v20+s23+$0x0] =	vst.idx.msk $0xffff, v1;
	v44 =	vshrl.u32 v63, $0x6;
	v41 =	vmulhi.u32 $0x10624DD3, v39;
	v20 =	vshll.u32 v63, $0x1  }
0xbd: {  	v27 =	vor.u32 v40, v31;
	v31 =	vand.u32 $0x7FFFE000, v45;
	v29 =	vor.u32 v51, v29  }
0xbe: {  	v20 =	vand.u32 $0x380, v20;
	v27 =	vor.u32 v28, v27;
	v28 =	vand.u32 $0x7F, v43  }
0xbf: {  	v62 =	vadd.s32 v37, v38;
	v43 =	vshll.u32 v58, $0x4;
	v38 =	vmul.u32 $0xFFFFFC18, v44  }
0xc0: {  	v53 =	vshrl.u32 v41, $0x6;
	v28 =	vor.u32 v28, v33;
	v27 =	vor.u32 v30, v27  }
0xc1: {  	v30 =	vadd.s32 v48, v52;
	v33 =	vand.u32 $0x7FFFE000, v55;
	v42 =	vand.u32 $0x7F, v62  }
0xc2: {  	v48 =	vmulhi.u32 $0x10624DD3, v46;
	v28 =	vor.u32 v31, v28;
	v31 =	vand.u32 $0x7FFFE000, v49  }
0xc3: {  	v56 =	vand.u32 $0x7F, v30;
	v30 =	vshll.u32 v30, $0x3;
	v45 =	vadd.s32 v61, v38  }
0xc4: {  	v49 =	vshll.u32 v63, $0x4;
	v61 =	vshll.u32 v41, $0x4;
	v28 =	vor.u32 v32, v28  }
0xc5: {  	v29 =	vor.u32 v31, v29;
	v32 =	vshll.u32 v50, $0x1;
	v30 =	vand.u32 $0x1C00, v30  }
0xc6: {  	v31 =	vshll.u32 v54, $0x1;
	v47 =	vand.u32 $0x7F, v45;
	v40 =	vshrl.u32 v48, $0x6  }
0xc7: {  	v51 =	vand.u32 $0x7FFFE000, v49;
	v29 =	vor.u32 v34, v29;
	v34 =	vshll.u32 v57, $0x3  }
0xc8: {  	v58 =	vshll.u32 v48, $0x4;
	v30 =	vor.u32 v56, v30;
	v34 =	vand.u32 $0x1C00, v34  }
0xc9: {  	v32 =	vand.u32 $0x380, v32;
	v30 =	vor.u32 v33, v30;
	v33 =	vor.u32 v59, v34  }
0xca: {  	v31 =	vand.u32 $0x380, v31;
	v33 =	vor.u32 v36, v33;
	v36 =	vshll.u32 v62, $0x3  }
0xcb: {  	v52 =	vmul.u32 $0xFFFFFC18, v40;
	v30 =	vor.u32 v32, v30;
	v36 =	vand.u32 $0x1C00, v36  }
0xcc: {  	[tilespmem:v23+s23+$0x0] =	vst.idx.msk $0xffff, v1;
	v31 =	vor.u32 v31, v33;
	v33 =	vand.u32 $0x7FFFE000, v43;
	v32 =	vor.u32 v42, v36  }
0xcd: {  	[tilespmem:v22+s23+$0x0] =	vst.idx.msk $0xffff, v1;
	v60 =	vshll.u32 v48, $0x1;
	v32 =	vor.u32 v33, v32;
	v33 =	vshll.u32 v45, $0x3  }
0xce: {  	[tilespmem:v24+s23+$0x0] =	vst.idx.msk $0xffff, v1;
	v24 =	vand.u32 $0x7FFFE000, v58;
	v54 =	vadd.s32 v46, v52;
	v33 =	vand.u32 $0x1C00, v33  }
0xcf: {  	v56 =	vshll.u32 v54, $0x3;
	v50 =	vor.u32 v47, v33;
	v33 =	vmul.u32 $0xFFFFFC18, v53  }
0xd0: {  	[tilespmem:v25+s23+$0x0] =	vst.idx.msk $0xffff, v1;
	v55 =	vand.u32 $0x7F, v54;
	v62 =	vshll.u32 v41, $0x1;
	v22 =	vand.u32 $0x1C00, v56  }
0xd1: {  	v32 =	vor.u32 v35, v32;
	v21 =	vor.u32 v51, v50;
	v57 =	vadd.s32 v39, v33  }
0xd2: {  	[tilespmem:v26+s23+$0x0] =	vst.idx.msk $0xffff, v1;
	v20 =	vor.u32 v20, v21;
	v21 =	vor.u32 v55, v22;
	v59 =	vshll.u32 v57, $0x3  }
0xd3: {  	[tilespmem:v27+s23+$0x0] =	vst.idx.msk $0xffff, v1;
	v21 =	vor.u32 v24, v21;
	v23 =	vand.u32 $0x7F, v57;
	v22 =	vand.u32 $0x1C00, v59  }
0xd4: {  	[tilespmem:v28+s23+$0x0] =	vst.idx.msk $0xffff, v1;
	v24 =	vand.u32 $0x380, v60;
	v22 =	vor.u32 v23, v22;
	v23 =	vand.u32 $0x7FFFE000, v61  }
0xd5: {  	v63 =	vand.u32 $0x380, v62;
	[tilespmem:v29+s23+$0x0] =	vst.idx.msk $0xffff, v1;
	v21 =	vor.u32 v24, v21;
	v22 =	vor.u32 v23, v22  }
0xd6: {  	p0 =	sne.s32 s28, $0x7C00;
	[tilespmem:v30+s23+$0x0] =	vst.idx.msk $0xffff, v1;
	v22 =	vor.u32 v63, v22  }
.Ltmp1:
0xd7: {  	[tilespmem:v31+s23+$0x0] =	vst.idx.msk $0xffff, v1;
	(pc) =	sbr.rel @p0 .LBB2_4-.Ltmp1, $4  }
0xd8: {  	[tilespmem:v32+s23+$0x0] =	vst.idx.msk $0xffff, v1  }
0xd9: {  	[tilespmem:v20+s23+$0x0] =	vst.idx.msk $0xffff, v1  }
0xda: {  	[tilespmem:v21+s23+$0x0] =	vst.idx.msk $0xffff, v1  }
0xdb: {  	s28 =	sadd.s32 $0x100, s28;
	[tilespmem:v22+s23+$0x0] =	vst.idx.msk $0xffff, v1  }
0xdc: {  	v20 =	vld [tilespmem:$0x20];
	_ =	sdelay $0x4  }
0xdd: {  	v21 =	vshll.u32 v20, $0x3  }
0xde: {  	v20 =	vand.u32 $0x7F, v20;
	v21 =	vand.u32 $0xFFFFFC00, v21  }
0xdf: {  	v20 =	vor.u32 v20, v21  }
0xe0: {  	v20 =	vadd.s32 v17, v20;
	_ =	sdelay $0x4  }
0xe1: {  	[tilespmem:v20+s23+$0x0] =	vst.idx.msk $0xffff, v18  }
0xe2: {  	v20 =	vld [tilespmem:$0x30];
	_ =	sdelay $0x4  }
0xe3: {  	v47 =	vshll.u32 v20, $0x3  }
0xe4: {  	v20 =	vand.u32 $0x7F, v20;
	v21 =	vand.u32 $0xFFFFFC00, v47  }
0xe5: {  	v20 =	vor.u32 v20, v21  }
0xe6: {  	v20 =	vadd.s32 v19, v20;
	_ =	sdelay $0x4  }
0xe7: {  	[tilespmem:v20+s23+$0x0] =	vst.idx.msk $0xffff, v18  }
0xe8: {  	[hbm4b:s5+s2] =	stream.linear.scatter [tilespmem:s23], [sflag:$0x2], $0x8000, $0x38;
	[tilespmem:$0x10200] =	vst v63  }
0xe9: {  	_ =	swait.ge [sflag:s24], $0x8000  }
0xea: {  	[sflag:s24] =	ssyncset.done $0x0  }
0xeb: {  	[sflag:s24] =	ssyncadd.s32 $0xFFFF8000  }
0xec: {  	v20 =	vld [tilespmem:$0x0];
	_ =	sdelay $0x4  }
0xed: {  	v48 =	vshll.u32 v20, $0x3  }
0xee: {  	v20 =	vand.u32 $0x7F, v20;
	v21 =	vand.u32 $0xFFFFFC00, v48  }
0xef: {  	v20 =	vor.u32 v20, v21  }
0xf0: {  	v20 =	vadd.s32 v17, v20;
	_ =	sdelay $0x4  }
0xf1: {  	[tilespmem:v20+s22+$0x0] =	vst.idx.msk $0xffff, v1  }
0xf2: {  	v20 =	vld [tilespmem:$0x10];
	_ =	sdelay $0x4  }
0xf3: {  	v49 =	vshll.u32 v20, $0x3  }
0xf4: {  	v20 =	vand.u32 $0x7F, v20;
	v21 =	vand.u32 $0xFFFFFC00, v49  }
0xf5: {  	v20 =	vor.u32 v20, v21  }
0xf6: {  	v20 =	vadd.s32 v19, v20;
	_ =	sdelay $0x4  }
0xf7: {  	[tilespmem:v20+s22+$0x0] =	vst.idx.msk $0xffff, v1  }
0xf8: {  	v20 =	vld [tilespmem:$0x40];
	_ =	sdelay $0x4  }
0xf9: {  	v50 =	vshll.u32 v20, $0x3  }
0xfa: {  	v20 =	vand.u32 $0x7F, v20;
	v21 =	vand.u32 $0xFFFFFC00, v50  }
0xfb: {  	v20 =	vor.u32 v20, v21  }
0xfc: {  	v20 =	vadd.s32 v17, v20;
	_ =	sdelay $0x4  }
0xfd: {  	[tilespmem:v20+s22+$0x0] =	vst.idx.msk $0xffff, v18  }
0xfe: {  	v20 =	vld [tilespmem:$0x50];
	_ =	sdelay $0x4  }
0xff: {  	v51 =	vshll.u32 v20, $0x3  }
0x100: {  	v20 =	vand.u32 $0x7F, v20;
	v21 =	vand.u32 $0xFFFFFC00, v51  }
0x101: {  	v20 =	vor.u32 v20, v21  }
0x102: {  	v20 =	vadd.s32 v19, v20;
	_ =	sdelay $0x4  }
0x103: {  	[tilespmem:v20+s22+$0x0] =	vst.idx.msk $0xffff, v18  }
0x104: {  	[hbm4b:s6+s2] =	stream.linear.scatter [tilespmem:s22], [sflag:$0x1], $0x8000, $0x38;
	[tilespmem:$0x10200] =	vst v63  }
0x105: {  	_ =	swait.ge [sflag:s25], $0x8000  }
0x106: {  	[sflag:s25] =	ssyncset.done $0x0  }
0x107: {  	[sflag:s25] =	ssyncadd.s32 $0xFFFF8000  }
0x108: {  	v20 =	vld [tilespmem:$0x20];
	_ =	sdelay $0x4  }
0x109: {  	v52 =	vshll.u32 v20, $0x3  }
0x10a: {  	v20 =	vand.u32 $0x7F, v20;
	v21 =	vand.u32 $0xFFFFFC00, v52  }
0x10b: {  	v20 =	vor.u32 v20, v21  }
0x10c: {  	v20 =	vadd.s32 v17, v20;
	_ =	sdelay $0x4  }
0x10d: {  	[tilespmem:v20+s23+$0x0] =	vst.idx.msk $0xffff, v1  }
0x10e: {  	v20 =	vld [tilespmem:$0x30];
	_ =	sdelay $0x4  }
0x10f: {  	v53 =	vshll.u32 v20, $0x3  }
0x110: {  	v20 =	vand.u32 $0x7F, v20;
	v21 =	vand.u32 $0xFFFFFC00, v53  }
0x111: {  	v20 =	vor.u32 v20, v21  }
0x112: {  	v20 =	vadd.s32 v19, v20;
	_ =	sdelay $0x4  }
0x113: {  	[tilespmem:v20+s23+$0x0] =	vst.idx.msk $0xffff, v1  }
0x114: {  	v20 =	vld [tilespmem:$0x60];
	_ =	sdelay $0x4  }
0x115: {  	v54 =	vshll.u32 v20, $0x3  }
0x116: {  	v20 =	vand.u32 $0x7F, v20;
	v21 =	vand.u32 $0xFFFFFC00, v54  }
0x117: {  	v20 =	vor.u32 v20, v21  }
0x118: {  	v20 =	vadd.s32 v17, v20;
	_ =	sdelay $0x4  }
0x119: {  	[tilespmem:v20+s23+$0x0] =	vst.idx.msk $0xffff, v18  }
0x11a: {  	v20 =	vld [tilespmem:$0x70];
	_ =	sdelay $0x4  }
0x11b: {  	v55 =	vshll.u32 v20, $0x3  }
0x11c: {  	v20 =	vand.u32 $0x7F, v20;
	v21 =	vand.u32 $0xFFFFFC00, v55  }
0x11d: {  	v20 =	vor.u32 v20, v21  }
0x11e: {  	v20 =	vadd.s32 v19, v20;
	_ =	sdelay $0x4  }
0x11f: {  	[tilespmem:v20+s23+$0x0] =	vst.idx.msk $0xffff, v18  }
0x120: {  	[hbm4b:s7+s2] =	stream.linear.scatter [tilespmem:s23], [sflag:$0x2], $0x8000, $0x38;
	[tilespmem:$0x10200] =	vst v63  }
0x121: {  	_ =	swait.ge [sflag:s24], $0x8000  }
0x122: {  	[sflag:s24] =	ssyncset.done $0x0  }
0x123: {  	[sflag:s24] =	ssyncadd.s32 $0xFFFF8000  }
0x124: {  	v20 =	vld [tilespmem:$0x40];
	_ =	sdelay $0x4  }
0x125: {  	v56 =	vshll.u32 v20, $0x3  }
0x126: {  	v20 =	vand.u32 $0x7F, v20;
	v21 =	vand.u32 $0xFFFFFC00, v56  }
0x127: {  	v20 =	vor.u32 v20, v21  }
0x128: {  	v20 =	vadd.s32 v17, v20;
	_ =	sdelay $0x4  }
0x129: {  	[tilespmem:v20+s22+$0x0] =	vst.idx.msk $0xffff, v1  }
0x12a: {  	v20 =	vld [tilespmem:$0x50];
	_ =	sdelay $0x4  }
0x12b: {  	v57 =	vshll.u32 v20, $0x3  }
0x12c: {  	v20 =	vand.u32 $0x7F, v20;
	v21 =	vand.u32 $0xFFFFFC00, v57  }
0x12d: {  	v20 =	vor.u32 v20, v21  }
0x12e: {  	v20 =	vadd.s32 v19, v20;
	_ =	sdelay $0x4  }
0x12f: {  	[tilespmem:v20+s22+$0x0] =	vst.idx.msk $0xffff, v1  }
0x130: {  	v20 =	vld [tilespmem:$0x80];
	_ =	sdelay $0x4  }
0x131: {  	v58 =	vshll.u32 v20, $0x3  }
0x132: {  	v20 =	vand.u32 $0x7F, v20;
	v21 =	vand.u32 $0xFFFFFC00, v58  }
0x133: {  	v20 =	vor.u32 v20, v21  }
0x134: {  	v20 =	vadd.s32 v17, v20;
	_ =	sdelay $0x4  }
0x135: {  	[tilespmem:v20+s22+$0x0] =	vst.idx.msk $0xffff, v18  }
0x136: {  	v20 =	vld [tilespmem:$0x90];
	_ =	sdelay $0x4  }
0x137: {  	v59 =	vshll.u32 v20, $0x3  }
0x138: {  	v20 =	vand.u32 $0x7F, v20;
	v21 =	vand.u32 $0xFFFFFC00, v59  }
0x139: {  	v20 =	vor.u32 v20, v21  }
0x13a: {  	v20 =	vadd.s32 v19, v20;
	_ =	sdelay $0x4  }
0x13b: {  	[tilespmem:v20+s22+$0x0] =	vst.idx.msk $0xffff, v18  }
0x13c: {  	[hbm4b:s8+s2] =	stream.linear.scatter [tilespmem:s22], [sflag:$0x1], $0x8000, $0x38;
	[tilespmem:$0x10200] =	vst v63  }
0x13d: {  	_ =	swait.ge [sflag:s25], $0x8000  }
0x13e: {  	[sflag:s25] =	ssyncset.done $0x0  }
0x13f: {  	[sflag:s25] =	ssyncadd.s32 $0xFFFF8000  }
0x140: {  	v20 =	vld [tilespmem:$0x60];
	_ =	sdelay $0x4  }
0x141: {  	v60 =	vshll.u32 v20, $0x3  }
0x142: {  	v20 =	vand.u32 $0x7F, v20;
	v21 =	vand.u32 $0xFFFFFC00, v60  }
0x143: {  	v20 =	vor.u32 v20, v21  }
0x144: {  	v20 =	vadd.s32 v17, v20;
	_ =	sdelay $0x4  }
0x145: {  	[tilespmem:v20+s23+$0x0] =	vst.idx.msk $0xffff, v1  }
0x146: {  	v20 =	vld [tilespmem:$0x70];
	_ =	sdelay $0x4  }
0x147: {  	v61 =	vshll.u32 v20, $0x3  }
0x148: {  	v20 =	vand.u32 $0x7F, v20;
	v21 =	vand.u32 $0xFFFFFC00, v61  }
0x149: {  	v20 =	vor.u32 v20, v21  }
0x14a: {  	v20 =	vadd.s32 v19, v20;
	_ =	sdelay $0x4  }
0x14b: {  	[tilespmem:v20+s23+$0x0] =	vst.idx.msk $0xffff, v1  }
0x14c: {  	v20 =	vld [tilespmem:$0xA0];
	_ =	sdelay $0x4  }
0x14d: {  	v62 =	vshll.u32 v20, $0x3  }
0x14e: {  	v20 =	vand.u32 $0x7F, v20;
	v21 =	vand.u32 $0xFFFFFC00, v62  }
0x14f: {  	v20 =	vor.u32 v20, v21  }
0x150: {  	v20 =	vadd.s32 v17, v20;
	_ =	sdelay $0x4  }
0x151: {  	[tilespmem:v20+s23+$0x0] =	vst.idx.msk $0xffff, v18  }
0x152: {  	v20 =	vld [tilespmem:$0xB0];
	_ =	sdelay $0x4  }
0x153: {  	v63 =	vshll.u32 v20, $0x3  }
0x154: {  	v20 =	vand.u32 $0x7F, v20;
	v21 =	vand.u32 $0xFFFFFC00, v63  }
0x155: {  	v20 =	vor.u32 v20, v21  }
0x156: {  	v20 =	vadd.s32 v19, v20;
	_ =	sdelay $0x4  }
0x157: {  	[tilespmem:v20+s23+$0x0] =	vst.idx.msk $0xffff, v18  }
0x158: {  	[hbm4b:s9+s2] =	stream.linear.scatter [tilespmem:s23], [sflag:$0x2], $0x8000, $0x38;
	[tilespmem:$0x10200] =	vst v63  }
0x159: {  	_ =	swait.ge [sflag:s24], $0x8000  }
0x15a: {  	[sflag:s24] =	ssyncset.done $0x0  }
0x15b: {  	[sflag:s24] =	ssyncadd.s32 $0xFFFF8000  }
0x15c: {  	v20 =	vld [tilespmem:$0x80];
	_ =	sdelay $0x4  }
0x15d: {  	v24 =	vshll.u32 v20, $0x3  }
0x15e: {  	v20 =	vand.u32 $0x7F, v20;
	v21 =	vand.u32 $0xFFFFFC00, v24  }
0x15f: {  	v20 =	vor.u32 v20, v21  }
0x160: {  	v20 =	vadd.s32 v17, v20;
	_ =	sdelay $0x4  }
0x161: {  	[tilespmem:v20+s22+$0x0] =	vst.idx.msk $0xffff, v1  }
0x162: {  	v20 =	vld [tilespmem:$0x90];
	_ =	sdelay $0x4  }
0x163: {  	v25 =	vshll.u32 v20, $0x3  }
0x164: {  	v20 =	vand.u32 $0x7F, v20;
	v21 =	vand.u32 $0xFFFFFC00, v25  }
0x165: {  	v20 =	vor.u32 v20, v21  }
0x166: {  	v20 =	vadd.s32 v19, v20;
	_ =	sdelay $0x4  }
0x167: {  	[tilespmem:v20+s22+$0x0] =	vst.idx.msk $0xffff, v1  }
0x168: {  	v20 =	vld [tilespmem:$0xC0];
	_ =	sdelay $0x4  }
0x169: {  	v26 =	vshll.u32 v20, $0x3  }
0x16a: {  	v20 =	vand.u32 $0x7F, v20;
	v21 =	vand.u32 $0xFFFFFC00, v26  }
0x16b: {  	v20 =	vor.u32 v20, v21  }
0x16c: {  	v20 =	vadd.s32 v17, v20;
	_ =	sdelay $0x4  }
0x16d: {  	[tilespmem:v20+s22+$0x0] =	vst.idx.msk $0xffff, v18  }
0x16e: {  	v20 =	vld [tilespmem:$0xD0];
	_ =	sdelay $0x4  }
0x16f: {  	v27 =	vshll.u32 v20, $0x3  }
0x170: {  	v20 =	vand.u32 $0x7F, v20;
	v21 =	vand.u32 $0xFFFFFC00, v27  }
0x171: {  	v20 =	vor.u32 v20, v21  }
0x172: {  	v20 =	vadd.s32 v19, v20;
	_ =	sdelay $0x4  }
0x173: {  	[tilespmem:v20+s22+$0x0] =	vst.idx.msk $0xffff, v18  }
0x174: {  	[hbm4b:s10+s2] =	stream.linear.scatter [tilespmem:s22], [sflag:$0x1], $0x8000, $0x38;
	[tilespmem:$0x10200] =	vst v63  }
0x175: {  	_ =	swait.ge [sflag:s25], $0x8000  }
0x176: {  	[sflag:s25] =	ssyncset.done $0x0  }
0x177: {  	[sflag:s25] =	ssyncadd.s32 $0xFFFF8000  }
0x178: {  	v20 =	vld [tilespmem:$0xA0];
	_ =	sdelay $0x4  }
0x179: {  	v28 =	vshll.u32 v20, $0x3  }
0x17a: {  	v20 =	vand.u32 $0x7F, v20;
	v21 =	vand.u32 $0xFFFFFC00, v28  }
0x17b: {  	v20 =	vor.u32 v20, v21  }
0x17c: {  	v20 =	vadd.s32 v17, v20;
	_ =	sdelay $0x4  }
0x17d: {  	[tilespmem:v20+s23+$0x0] =	vst.idx.msk $0xffff, v1  }
0x17e: {  	v20 =	vld [tilespmem:$0xB0];
	_ =	sdelay $0x4  }
0x17f: {  	v29 =	vshll.u32 v20, $0x3  }
0x180: {  	v20 =	vand.u32 $0x7F, v20;
	v21 =	vand.u32 $0xFFFFFC00, v29  }
0x181: {  	v20 =	vor.u32 v20, v21  }
0x182: {  	v20 =	vadd.s32 v19, v20;
	_ =	sdelay $0x4  }
0x183: {  	[tilespmem:v20+s23+$0x0] =	vst.idx.msk $0xffff, v1  }
0x184: {  	v20 =	vld [tilespmem:$0xE0];
	_ =	sdelay $0x4  }
0x185: {  	v30 =	vshll.u32 v20, $0x3  }
0x186: {  	v20 =	vand.u32 $0x7F, v20;
	v21 =	vand.u32 $0xFFFFFC00, v30  }
0x187: {  	v20 =	vor.u32 v20, v21  }
0x188: {  	v20 =	vadd.s32 v17, v20;
	_ =	sdelay $0x4  }
0x189: {  	[tilespmem:v20+s23+$0x0] =	vst.idx.msk $0xffff, v18  }
0x18a: {  	v20 =	vld [tilespmem:$0xF0];
	_ =	sdelay $0x4  }
0x18b: {  	v31 =	vshll.u32 v20, $0x3  }
0x18c: {  	v20 =	vand.u32 $0x7F, v20;
	v21 =	vand.u32 $0xFFFFFC00, v31  }
0x18d: {  	v20 =	vor.u32 v20, v21  }
0x18e: {  	v20 =	vadd.s32 v19, v20;
	_ =	sdelay $0x4  }
0x18f: {  	[tilespmem:v20+s23+$0x0] =	vst.idx.msk $0xffff, v18  }
0x190: {  	[hbm4b:s11+s2] =	stream.linear.scatter [tilespmem:s23], [sflag:$0x2], $0x8000, $0x38;
	[tilespmem:$0x10200] =	vst v63  }
0x191: {  	_ =	swait.ge [sflag:s24], $0x8000  }
0x192: {  	[sflag:s24] =	ssyncset.done $0x0  }
0x193: {  	[sflag:s24] =	ssyncadd.s32 $0xFFFF8000  }
0x194: {  	v20 =	vld [tilespmem:$0xC0];
	_ =	sdelay $0x4  }
0x195: {  	v32 =	vshll.u32 v20, $0x3  }
0x196: {  	v20 =	vand.u32 $0x7F, v20;
	v21 =	vand.u32 $0xFFFFFC00, v32  }
0x197: {  	v20 =	vor.u32 v20, v21  }
0x198: {  	v20 =	vadd.s32 v17, v20;
	_ =	sdelay $0x4  }
0x199: {  	[tilespmem:v20+s22+$0x0] =	vst.idx.msk $0xffff, v1  }
0x19a: {  	v20 =	vld [tilespmem:$0xD0];
	_ =	sdelay $0x4  }
0x19b: {  	v33 =	vshll.u32 v20, $0x3  }
0x19c: {  	v20 =	vand.u32 $0x7F, v20;
	v21 =	vand.u32 $0xFFFFFC00, v33  }
0x19d: {  	v20 =	vor.u32 v20, v21  }
0x19e: {  	v20 =	vadd.s32 v19, v20;
	_ =	sdelay $0x4  }
0x19f: {  	[tilespmem:v20+s22+$0x0] =	vst.idx.msk $0xffff, v1  }
0x1a0: {  	v20 =	vld [tilespmem:$0x100];
	_ =	sdelay $0x4  }
0x1a1: {  	v34 =	vshll.u32 v20, $0x3  }
0x1a2: {  	v20 =	vand.u32 $0x7F, v20;
	v21 =	vand.u32 $0xFFFFFC00, v34  }
0x1a3: {  	v20 =	vor.u32 v20, v21  }
0x1a4: {  	v20 =	vadd.s32 v17, v20;
	_ =	sdelay $0x4  }
0x1a5: {  	[tilespmem:v20+s22+$0x0] =	vst.idx.msk $0xffff, v18  }
0x1a6: {  	v20 =	vld [tilespmem:$0x110];
	_ =	sdelay $0x4  }
0x1a7: {  	v35 =	vshll.u32 v20, $0x3  }
0x1a8: {  	v20 =	vand.u32 $0x7F, v20;
	v21 =	vand.u32 $0xFFFFFC00, v35  }
0x1a9: {  	v20 =	vor.u32 v20, v21  }
0x1aa: {  	v20 =	vadd.s32 v19, v20;
	_ =	sdelay $0x4  }
0x1ab: {  	[tilespmem:v20+s22+$0x0] =	vst.idx.msk $0xffff, v18  }
0x1ac: {  	[hbm4b:s12+s2] =	stream.linear.scatter [tilespmem:s22], [sflag:$0x1], $0x8000, $0x38;
	[tilespmem:$0x10200] =	vst v63  }
0x1ad: {  	_ =	swait.ge [sflag:s25], $0x8000  }
0x1ae: {  	[sflag:s25] =	ssyncset.done $0x0  }
0x1af: {  	[sflag:s25] =	ssyncadd.s32 $0xFFFF8000  }
0x1b0: {  	v20 =	vld [tilespmem:$0xE0];
	_ =	sdelay $0x4  }
0x1b1: {  	v36 =	vshll.u32 v20, $0x3  }
0x1b2: {  	v20 =	vand.u32 $0x7F, v20;
	v21 =	vand.u32 $0xFFFFFC00, v36  }
0x1b3: {  	v20 =	vor.u32 v20, v21  }
0x1b4: {  	v20 =	vadd.s32 v17, v20;
	_ =	sdelay $0x4  }
0x1b5: {  	[tilespmem:v20+s23+$0x0] =	vst.idx.msk $0xffff, v1  }
0x1b6: {  	v20 =	vld [tilespmem:$0xF0];
	_ =	sdelay $0x4  }
0x1b7: {  	v37 =	vshll.u32 v20, $0x3  }
0x1b8: {  	v20 =	vand.u32 $0x7F, v20;
	v21 =	vand.u32 $0xFFFFFC00, v37  }
0x1b9: {  	v20 =	vor.u32 v20, v21  }
0x1ba: {  	v20 =	vadd.s32 v19, v20;
	_ =	sdelay $0x4  }
0x1bb: {  	[tilespmem:v20+s23+$0x0] =	vst.idx.msk $0xffff, v1  }
0x1bc: {  	v20 =	vld [tilespmem:$0x120];
	_ =	sdelay $0x4  }
0x1bd: {  	v38 =	vshll.u32 v20, $0x3  }
0x1be: {  	v20 =	vand.u32 $0x7F, v20;
	v21 =	vand.u32 $0xFFFFFC00, v38  }
0x1bf: {  	v20 =	vor.u32 v20, v21  }
0x1c0: {  	v20 =	vadd.s32 v17, v20;
	_ =	sdelay $0x4  }
0x1c1: {  	[tilespmem:v20+s23+$0x0] =	vst.idx.msk $0xffff, v18  }
0x1c2: {  	v20 =	vld [tilespmem:$0x130];
	_ =	sdelay $0x4  }
0x1c3: {  	v39 =	vshll.u32 v20, $0x3  }
0x1c4: {  	v20 =	vand.u32 $0x7F, v20;
	v21 =	vand.u32 $0xFFFFFC00, v39  }
0x1c5: {  	v20 =	vor.u32 v20, v21  }
0x1c6: {  	v20 =	vadd.s32 v19, v20;
	_ =	sdelay $0x4  }
0x1c7: {  	[tilespmem:v20+s23+$0x0] =	vst.idx.msk $0xffff, v18  }
0x1c8: {  	[hbm4b:s13+s2] =	stream.linear.scatter [tilespmem:s23], [sflag:$0x2], $0x8000, $0x38;
	[tilespmem:$0x10200] =	vst v63  }
0x1c9: {  	_ =	swait.ge [sflag:s24], $0x8000  }
0x1ca: {  	[sflag:s24] =	ssyncset.done $0x0  }
0x1cb: {  	[sflag:s24] =	ssyncadd.s32 $0xFFFF8000  }
0x1cc: {  	v20 =	vld [tilespmem:$0x100];
	_ =	sdelay $0x4  }
0x1cd: {  	v40 =	vshll.u32 v20, $0x3  }
0x1ce: {  	v20 =	vand.u32 $0x7F, v20;
	v21 =	vand.u32 $0xFFFFFC00, v40  }
0x1cf: {  	v20 =	vor.u32 v20, v21  }
0x1d0: {  	v20 =	vadd.s32 v17, v20;
	_ =	sdelay $0x4  }
0x1d1: {  	[tilespmem:v20+s22+$0x0] =	vst.idx.msk $0xffff, v1  }
0x1d2: {  	v20 =	vld [tilespmem:$0x110];
	_ =	sdelay $0x4  }
0x1d3: {  	v41 =	vshll.u32 v20, $0x3  }
0x1d4: {  	v20 =	vand.u32 $0x7F, v20;
	v21 =	vand.u32 $0xFFFFFC00, v41  }
0x1d5: {  	v20 =	vor.u32 v20, v21  }
0x1d6: {  	v20 =	vadd.s32 v19, v20;
	_ =	sdelay $0x4  }
0x1d7: {  	[tilespmem:v20+s22+$0x0] =	vst.idx.msk $0xffff, v1  }
0x1d8: {  	v20 =	vld [tilespmem:$0x140];
	_ =	sdelay $0x4  }
0x1d9: {  	v42 =	vshll.u32 v20, $0x3  }
0x1da: {  	v20 =	vand.u32 $0x7F, v20;
	v21 =	vand.u32 $0xFFFFFC00, v42  }
0x1db: {  	v20 =	vor.u32 v20, v21  }
0x1dc: {  	v20 =	vadd.s32 v17, v20;
	_ =	sdelay $0x4  }
0x1dd: {  	[tilespmem:v20+s22+$0x0] =	vst.idx.msk $0xffff, v18  }
0x1de: {  	v20 =	vld [tilespmem:$0x150];
	_ =	sdelay $0x4  }
0x1df: {  	v43 =	vshll.u32 v20, $0x3  }
0x1e0: {  	v20 =	vand.u32 $0x7F, v20;
	v21 =	vand.u32 $0xFFFFFC00, v43  }
0x1e1: {  	v20 =	vor.u32 v20, v21  }
0x1e2: {  	v20 =	vadd.s32 v19, v20;
	_ =	sdelay $0x4  }
0x1e3: {  	[tilespmem:v20+s22+$0x0] =	vst.idx.msk $0xffff, v18  }
0x1e4: {  	[hbm4b:s14+s2] =	stream.linear.scatter [tilespmem:s22], [sflag:$0x1], $0x8000, $0x38;
	[tilespmem:$0x10200] =	vst v63  }
0x1e5: {  	_ =	swait.ge [sflag:s25], $0x8000  }
0x1e6: {  	[sflag:s25] =	ssyncset.done $0x0  }
0x1e7: {  	[sflag:s25] =	ssyncadd.s32 $0xFFFF8000  }
0x1e8: {  	v20 =	vld [tilespmem:$0x120];
	_ =	sdelay $0x4  }
0x1e9: {  	v44 =	vshll.u32 v20, $0x3  }
0x1ea: {  	v20 =	vand.u32 $0x7F, v20;
	v21 =	vand.u32 $0xFFFFFC00, v44  }
0x1eb: {  	v20 =	vor.u32 v20, v21  }
0x1ec: {  	v20 =	vadd.s32 v17, v20;
	_ =	sdelay $0x4  }
0x1ed: {  	[tilespmem:v20+s23+$0x0] =	vst.idx.msk $0xffff, v1  }
0x1ee: {  	v20 =	vld [tilespmem:$0x130];
	_ =	sdelay $0x4  }
0x1ef: {  	v45 =	vshll.u32 v20, $0x3  }
0x1f0: {  	v20 =	vand.u32 $0x7F, v20;
	v21 =	vand.u32 $0xFFFFFC00, v45  }
0x1f1: {  	v20 =	vor.u32 v20, v21  }
0x1f2: {  	v20 =	vadd.s32 v19, v20;
	_ =	sdelay $0x4  }
0x1f3: {  	[tilespmem:v20+s23+$0x0] =	vst.idx.msk $0xffff, v1  }
0x1f4: {  	v20 =	vld [tilespmem:$0x160];
	_ =	sdelay $0x4  }
0x1f5: {  	v46 =	vshll.u32 v20, $0x3  }
0x1f6: {  	v20 =	vand.u32 $0x7F, v20;
	v21 =	vand.u32 $0xFFFFFC00, v46  }
0x1f7: {  	v20 =	vor.u32 v20, v21  }
0x1f8: {  	v20 =	vadd.s32 v17, v20;
	_ =	sdelay $0x4  }
0x1f9: {  	[tilespmem:v20+s23+$0x0] =	vst.idx.msk $0xffff, v18  }
0x1fa: {  	v20 =	vld [tilespmem:$0x170];
	_ =	sdelay $0x4  }
0x1fb: {  	v47 =	vshll.u32 v20, $0x3  }
0x1fc: {  	v20 =	vand.u32 $0x7F, v20;
	v21 =	vand.u32 $0xFFFFFC00, v47  }
0x1fd: {  	v20 =	vor.u32 v20, v21  }
0x1fe: {  	v20 =	vadd.s32 v19, v20;
	_ =	sdelay $0x4  }
0x1ff: {  	[tilespmem:v20+s23+$0x0] =	vst.idx.msk $0xffff, v18  }
0x200: {  	[hbm4b:s15+s2] =	stream.linear.scatter [tilespmem:s23], [sflag:$0x2], $0x8000, $0x38;
	[tilespmem:$0x10200] =	vst v63  }
0x201: {  	_ =	swait.ge [sflag:s24], $0x8000  }
0x202: {  	[sflag:s24] =	ssyncset.done $0x0  }
0x203: {  	[sflag:s24] =	ssyncadd.s32 $0xFFFF8000  }
0x204: {  	v20 =	vld [tilespmem:$0x140];
	_ =	sdelay $0x4  }
0x205: {  	v48 =	vshll.u32 v20, $0x3  }
0x206: {  	v20 =	vand.u32 $0x7F, v20;
	v21 =	vand.u32 $0xFFFFFC00, v48  }
0x207: {  	v20 =	vor.u32 v20, v21  }
0x208: {  	v20 =	vadd.s32 v17, v20;
	_ =	sdelay $0x4  }
0x209: {  	[tilespmem:v20+s22+$0x0] =	vst.idx.msk $0xffff, v1  }
0x20a: {  	v20 =	vld [tilespmem:$0x150];
	_ =	sdelay $0x4  }
0x20b: {  	v49 =	vshll.u32 v20, $0x3  }
0x20c: {  	v20 =	vand.u32 $0x7F, v20;
	v21 =	vand.u32 $0xFFFFFC00, v49  }
0x20d: {  	v20 =	vor.u32 v20, v21  }
0x20e: {  	v20 =	vadd.s32 v19, v20;
	_ =	sdelay $0x4  }
0x20f: {  	[tilespmem:v20+s22+$0x0] =	vst.idx.msk $0xffff, v1  }
0x210: {  	v20 =	vld [tilespmem:$0x180];
	_ =	sdelay $0x4  }
0x211: {  	v50 =	vshll.u32 v20, $0x3  }
0x212: {  	v20 =	vand.u32 $0x7F, v20;
	v21 =	vand.u32 $0xFFFFFC00, v50  }
0x213: {  	v20 =	vor.u32 v20, v21  }
0x214: {  	v20 =	vadd.s32 v17, v20;
	_ =	sdelay $0x4  }
0x215: {  	[tilespmem:v20+s22+$0x0] =	vst.idx.msk $0xffff, v18  }
0x216: {  	v20 =	vld [tilespmem:$0x190];
	_ =	sdelay $0x4  }
0x217: {  	v51 =	vshll.u32 v20, $0x3  }
0x218: {  	v20 =	vand.u32 $0x7F, v20;
	v21 =	vand.u32 $0xFFFFFC00, v51  }
0x219: {  	v20 =	vor.u32 v20, v21  }
0x21a: {  	v20 =	vadd.s32 v19, v20;
	_ =	sdelay $0x4  }
0x21b: {  	[tilespmem:v20+s22+$0x0] =	vst.idx.msk $0xffff, v18  }
0x21c: {  	[hbm4b:s16+s2] =	stream.linear.scatter [tilespmem:s22], [sflag:$0x1], $0x8000, $0x38;
	[tilespmem:$0x10200] =	vst v63  }
0x21d: {  	_ =	swait.ge [sflag:s25], $0x8000  }
0x21e: {  	[sflag:s25] =	ssyncset.done $0x0  }
0x21f: {  	[sflag:s25] =	ssyncadd.s32 $0xFFFF8000  }
0x220: {  	v20 =	vld [tilespmem:$0x160];
	_ =	sdelay $0x4  }
0x221: {  	v52 =	vshll.u32 v20, $0x3  }
0x222: {  	v20 =	vand.u32 $0x7F, v20;
	v21 =	vand.u32 $0xFFFFFC00, v52  }
0x223: {  	v20 =	vor.u32 v20, v21  }
0x224: {  	v20 =	vadd.s32 v17, v20;
	_ =	sdelay $0x4  }
0x225: {  	[tilespmem:v20+s23+$0x0] =	vst.idx.msk $0xffff, v1  }
0x226: {  	v20 =	vld [tilespmem:$0x170];
	_ =	sdelay $0x4  }
0x227: {  	v53 =	vshll.u32 v20, $0x3  }
0x228: {  	v20 =	vand.u32 $0x7F, v20;
	v21 =	vand.u32 $0xFFFFFC00, v53  }
0x229: {  	v20 =	vor.u32 v20, v21  }
0x22a: {  	v20 =	vadd.s32 v19, v20;
	_ =	sdelay $0x4  }
0x22b: {  	[tilespmem:v20+s23+$0x0] =	vst.idx.msk $0xffff, v1  }
0x22c: {  	v20 =	vld [tilespmem:$0x1A0];
	_ =	sdelay $0x4  }
0x22d: {  	v54 =	vshll.u32 v20, $0x3  }
0x22e: {  	v20 =	vand.u32 $0x7F, v20;
	v21 =	vand.u32 $0xFFFFFC00, v54  }
0x22f: {  	v20 =	vor.u32 v20, v21  }
0x230: {  	v20 =	vadd.s32 v17, v20;
	_ =	sdelay $0x4  }
0x231: {  	[tilespmem:v20+s23+$0x0] =	vst.idx.msk $0xffff, v18  }
0x232: {  	v20 =	vld [tilespmem:$0x1B0];
	_ =	sdelay $0x4  }
0x233: {  	v55 =	vshll.u32 v20, $0x3  }
0x234: {  	v20 =	vand.u32 $0x7F, v20;
	v21 =	vand.u32 $0xFFFFFC00, v55  }
0x235: {  	v20 =	vor.u32 v20, v21  }
0x236: {  	v20 =	vadd.s32 v19, v20;
	_ =	sdelay $0x4  }
0x237: {  	[tilespmem:v20+s23+$0x0] =	vst.idx.msk $0xffff, v18  }
0x238: {  	[hbm4b:s17+s2] =	stream.linear.scatter [tilespmem:s23], [sflag:$0x2], $0x8000, $0x38;
	[tilespmem:$0x10200] =	vst v63  }
0x239: {  	_ =	swait.ge [sflag:s24], $0x8000  }
0x23a: {  	[sflag:s24] =	ssyncset.done $0x0  }
0x23b: {  	[sflag:s24] =	ssyncadd.s32 $0xFFFF8000  }
0x23c: {  	v20 =	vld [tilespmem:$0x180];
	_ =	sdelay $0x4  }
0x23d: {  	v56 =	vshll.u32 v20, $0x3  }
0x23e: {  	v20 =	vand.u32 $0x7F, v20;
	v21 =	vand.u32 $0xFFFFFC00, v56  }
0x23f: {  	v20 =	vor.u32 v20, v21  }
0x240: {  	v20 =	vadd.s32 v17, v20;
	_ =	sdelay $0x4  }
0x241: {  	[tilespmem:v20+s22+$0x0] =	vst.idx.msk $0xffff, v1  }
0x242: {  	v20 =	vld [tilespmem:$0x190];
	_ =	sdelay $0x4  }
0x243: {  	v57 =	vshll.u32 v20, $0x3  }
0x244: {  	v20 =	vand.u32 $0x7F, v20;
	v21 =	vand.u32 $0xFFFFFC00, v57  }
0x245: {  	v20 =	vor.u32 v20, v21  }
0x246: {  	v20 =	vadd.s32 v19, v20;
	_ =	sdelay $0x4  }
0x247: {  	[tilespmem:v20+s22+$0x0] =	vst.idx.msk $0xffff, v1  }
0x248: {  	v20 =	vld [tilespmem:$0x1C0];
	_ =	sdelay $0x4  }
0x249: {  	v58 =	vshll.u32 v20, $0x3  }
0x24a: {  	v20 =	vand.u32 $0x7F, v20;
	v21 =	vand.u32 $0xFFFFFC00, v58  }
0x24b: {  	v20 =	vor.u32 v20, v21  }
0x24c: {  	v20 =	vadd.s32 v17, v20;
	_ =	sdelay $0x4  }
0x24d: {  	[tilespmem:v20+s22+$0x0] =	vst.idx.msk $0xffff, v18  }
0x24e: {  	v20 =	vld [tilespmem:$0x1D0];
	_ =	sdelay $0x4  }
0x24f: {  	v59 =	vshll.u32 v20, $0x3  }
0x250: {  	v20 =	vand.u32 $0x7F, v20;
	v21 =	vand.u32 $0xFFFFFC00, v59  }
0x251: {  	v20 =	vor.u32 v20, v21  }
0x252: {  	v20 =	vadd.s32 v19, v20;
	_ =	sdelay $0x4  }
0x253: {  	[tilespmem:v20+s22+$0x0] =	vst.idx.msk $0xffff, v18  }
0x254: {  	[hbm4b:s18+s2] =	stream.linear.scatter [tilespmem:s22], [sflag:$0x1], $0x8000, $0x38;
	[tilespmem:$0x10200] =	vst v63  }
0x255: {  	_ =	swait.ge [sflag:s25], $0x8000  }
0x256: {  	[sflag:s25] =	ssyncset.done $0x0  }
0x257: {  	[sflag:s25] =	ssyncadd.s32 $0xFFFF8000  }
0x258: {  	v20 =	vld [tilespmem:$0x1A0];
	_ =	sdelay $0x4  }
0x259: {  	v60 =	vshll.u32 v20, $0x3  }
0x25a: {  	v20 =	vand.u32 $0x7F, v20;
	v21 =	vand.u32 $0xFFFFFC00, v60  }
0x25b: {  	v20 =	vor.u32 v20, v21  }
0x25c: {  	v20 =	vadd.s32 v17, v20;
	_ =	sdelay $0x4  }
0x25d: {  	[tilespmem:v20+s23+$0x0] =	vst.idx.msk $0xffff, v1  }
0x25e: {  	v20 =	vld [tilespmem:$0x1B0];
	_ =	sdelay $0x4  }
0x25f: {  	v61 =	vshll.u32 v20, $0x3  }
0x260: {  	v20 =	vand.u32 $0x7F, v20;
	v21 =	vand.u32 $0xFFFFFC00, v61  }
0x261: {  	v20 =	vor.u32 v20, v21  }
0x262: {  	v20 =	vadd.s32 v19, v20;
	_ =	sdelay $0x4  }
0x263: {  	[tilespmem:v20+s23+$0x0] =	vst.idx.msk $0xffff, v1  }
0x264: {  	v20 =	vld [tilespmem:$0x1E0];
	_ =	sdelay $0x4  }
0x265: {  	v62 =	vshll.u32 v20, $0x3  }
0x266: {  	v20 =	vand.u32 $0x7F, v20;
	v21 =	vand.u32 $0xFFFFFC00, v62  }
0x267: {  	v20 =	vor.u32 v20, v21  }
0x268: {  	v20 =	vadd.s32 v17, v20;
	_ =	sdelay $0x4  }
0x269: {  	[tilespmem:v20+s23+$0x0] =	vst.idx.msk $0xffff, v18  }
0x26a: {  	v20 =	vld [tilespmem:$0x1F0];
	_ =	sdelay $0x4  }
0x26b: {  	v63 =	vshll.u32 v20, $0x3  }
0x26c: {  	v20 =	vand.u32 $0x7F, v20;
	v21 =	vand.u32 $0xFFFFFC00, v63  }
0x26d: {  	v20 =	vor.u32 v20, v21  }
0x26e: {  	v20 =	vadd.s32 v19, v20;
	_ =	sdelay $0x4  }
0x26f: {  	s26 =	sadd.s32 $0x1, s26;
	[tilespmem:v20+s23+$0x0] =	vst.idx.msk $0xffff, v18  }
0x270: {  	[hbm4b:s19+s2] =	stream.linear.scatter [tilespmem:s23], [sflag:$0x2], $0x8000, $0x38;
	[tilespmem:$0x10200] =	vst v63  }
0x271: {  	p0 =	sne.s32 s26, s20;
	_ =	swait.ge [sflag:s24], $0x8000  }
.Ltmp2:
0x272: {  	[sflag:s24] =	ssyncset.done $0x0;
	(pc) =	sbr.rel @p0 .LBB2_1-.Ltmp2, $4  }
0x273: {  	[sflag:s24] =	ssyncadd.s32 $0xFFFF8000  }
0x274: {  	_ =	swait.ge [sflag:s25], $0x8000  }
0x275: {  	[sflag:s25] =	ssyncset.done $0x0  }
0x276: {  	[sflag:s25] =	ssyncadd.s32 $0xFFFF8000  }
0x277: {  	_ =	sfence.sel $0x180000  }
0x278: {  	[bflag:$0x0] =	sbarrier.arrive $0xFFFF  }
0x279: {  	p0 =	sne.s32 s1, $0x0;
	_ =	strace $0x90000047  }
0x27a: {  	s0 =	sadd.s32 @!p0 $0x100000, s0;
	[bflag:$0x2] =	sbarrier.arrive $0xFFFF  }
0x27b: {  	[sflag:s0] =	ssyncadd.tile.s32 @!p0 $0x1;
	_ =	shalt  }
.Lfunc_end2:
_tile_overlayer_lowered:
.L_overlay_start_2:
0x27c: {  	(tag) =	ssettag $0x2  }
0x27d: {  	s0 =	rddreg [dreg:$0x0];
	s2 =	stileid.u32  }
0x27e: {  	s1 =	rddreg [dreg:$0x1];
	p0 =	sne.s32 s2, $0x0  }
0x27f: {  	s3 =	rddreg [dreg:$0x2];
	[bflag:$0x3] =	sbarrier.arrive $0xFFFF;
	s2 =	simm.s32 @!p0 $0x1C03  }
0x280: {  	[timem:s3], [sflag:s2] =	dma.local @!p0 [hbm:s0], s1  }
0x281: {  	s0 =	simm.s32 @!p0 $0x3  }
0x282: {  	_ =	swait.ge @!p0 [sflag:s0], s1  }
0x283: {  	s1 =	ssub.s32 @!p0 $0x0, s1;
	[sflag:s0] =	ssyncset.done @!p0 $0x0  }
0x284: {  	[sflag:s0] =	ssyncadd.s32 @!p0 s1  }
0x285: {  	[bflag:$0x3] =	sbarrier.arrive $0xFFFF  }
0x286: {  	_ =	shalt  }

</sc_bundles>
